<compile_context>
chip_gen: v7x
topology: tpu7x:2x2x1
jax: 0.10.2.dev20260603
libtpu: 0.0.44.dev20260713+nightly
codegen_flags: <defaults>
</compile_context>

<pallas_src>
import jax
import jax.numpy as jnp
from jax import lax
from jax.experimental import pallas as pl
from jax.experimental.pallas import tpu as pltpu
from jax.experimental.pallas import tpu_sc as plsc

_E = 800000
_T = 8
_C = 8
_L = 16
_NW = 32
_B = 320
_K = 4
_Z = _B // _K
_NSUP = _E // _B
_MAXIT = -(-_NSUP // _NW)
_G = _Z // _L


def _sc_body(it_h, oc_h, tt_h, ct_h, lut_h, td_h, cd_h, out_h,
             it_v, oc_v, tt_v, ct_v, lut_v, td_v, cd_v, out_v,
             in_sem, tab_sem, fat_sem, out_sem):
    wid = lax.axis_index("s") * 2 + lax.axis_index("c")
    lane = jnp.arange(_L, dtype=jnp.int32)
    eps = jnp.float32(1e-12)

    def fire_small(sc, b):
        base = sc * _B
        d = pl.ds(b * _B, _B)
        pltpu.async_copy(it_h.at[pl.ds(base, _B)], it_v.at[d], in_sem.at[b])
        pltpu.async_copy(oc_h.at[pl.ds(base, _B)], oc_v.at[d], in_sem.at[b])
        pltpu.async_copy(td_h.at[pl.ds(base, _B)], td_v.at[d], in_sem.at[b])
        pltpu.async_copy(cd_h.at[pl.ds(base, _B)], cd_v.at[d], in_sem.at[b])

    def wait_small(sc, b):
        base = sc * _B
        d = pl.ds(b * _B, _B)
        pltpu.make_async_copy(it_h.at[pl.ds(base, _B)], it_v.at[d], in_sem.at[b]).wait()
        pltpu.make_async_copy(oc_h.at[pl.ds(base, _B)], oc_v.at[d], in_sem.at[b]).wait()
        pltpu.make_async_copy(td_h.at[pl.ds(base, _B)], td_v.at[d], in_sem.at[b]).wait()
        pltpu.make_async_copy(cd_h.at[pl.ds(base, _B)], cd_v.at[d], in_sem.at[b]).wait()

    def fire_tab(abase, bt):
        d = pl.ds(bt * _Z, _Z)
        pltpu.async_copy(tt_h.at[pl.ds(abase, _Z)], tt_v.at[d], tab_sem.at[bt])
        pltpu.async_copy(ct_h.at[pl.ds(abase, _Z)], ct_v.at[d], tab_sem.at[bt])

    def wait_tab(abase, bt):
        d = pl.ds(bt * _Z, _Z)
        pltpu.make_async_copy(tt_h.at[pl.ds(abase, _Z)], tt_v.at[d], tab_sem.at[bt]).wait()
        pltpu.make_async_copy(ct_h.at[pl.ds(abase, _Z)], ct_v.at[d], tab_sem.at[bt]).wait()

    def fire_lut(abase, bl):
        pltpu.async_copy(lut_h.at[pl.ds(abase, _Z)],
                         lut_v.at[pl.ds(bl * _Z, _Z)], fat_sem.at[bl])

    def wait_lut(abase, bl):
        pltpu.make_async_copy(lut_h.at[pl.ds(abase, _Z)],
                              lut_v.at[pl.ds(bl * _Z, _Z)],
                              fat_sem.at[bl]).wait()

    def wait_out(sc, b):
        pltpu.make_async_copy(
            out_v.at[pl.ds(b * _B, _B)], out_h.at[pl.ds(sc * _B, _B)],
            out_sem.at[b]).wait()

    def compute_sub(bs, k, bt, bl):
        soff = bs * _B + k * _Z
        toff = bt * _Z
        foff = bl * _Z

        @plsc.parallel_loop(0, _G, 1, unroll=2)
        def g_body(g):
            s = soff + g * _L
            trows = toff + g * _L + lane
            frows = foff + g * _L + lane
            it = it_v[pl.ds(s, _L)]
            oc = oc_v[pl.ds(s, _L)]
            td = td_v[pl.ds(s, _L)]
            cd = cd_v[pl.ds(s, _L)]

            t_idx = jnp.zeros((_L,), jnp.int32)
            c_idx = jnp.zeros((_L,), jnp.int32)
            for j in range(_T):
                col = jnp.full((_L,), j, jnp.int32)
                ttj = plsc.load_gather(tt_v, [trows, col])
                ctj = plsc.load_gather(ct_v, [trows, col])
                t_idx = t_idx + (ttj <= it).astype(jnp.int32)
                c_idx = c_idx + (ctj <= oc).astype(jnp.int32)

            max_t = jnp.maximum(td - 1, 0)
            max_c = jnp.maximum(cd - 1, 0)
            t_hi = jnp.minimum(jnp.maximum(t_idx, 1), max_t)
            c_hi = jnp.minimum(jnp.maximum(c_idx, 1), max_c)
            t_lo = t_hi - 1
            c_lo = c_hi - 1

            t0 = plsc.load_gather(tt_v, [trows, t_lo])
            t1 = plsc.load_gather(tt_v, [trows, t_hi])
            c0 = plsc.load_gather(ct_v, [trows, c_lo])
            c1 = plsc.load_gather(ct_v, [trows, c_hi])

            o00 = t_lo * cd + c_lo
            o10 = o00 + cd
            v00 = plsc.load_gather(lut_v, [frows, o00])
            v01 = plsc.load_gather(lut_v, [frows, o00 + 1])
            v10 = plsc.load_gather(lut_v, [frows, o10])
            v11 = plsc.load_gather(lut_v, [frows, o10 + 1])

            t_int = t1 - t0
            c_int = c1 - c0
            t_deg = jnp.abs(t_int) < eps
            c_deg = jnp.abs(c_int) < eps
            x = jnp.clip(it, t0, t1)
            y = jnp.clip(oc, c0, c1)
            ts = jnp.where(t_deg, eps, t_int)
            cs = jnp.where(c_deg, eps, c_int)
            rt = jnp.float32(1.0) / ts
            rc = jnp.float32(1.0) / cs
            rd = rt * rc
            dx0 = x - t0
            dx1 = t1 - x
            dy0 = y - c0
            dy1 = c1 - y
            b00 = dx1 * dy1 * rd
            b01 = dx1 * dy0 * rd
            b10 = dx0 * dy1 * rd
            b11 = dx0 * dy0 * rd
            fc = jnp.clip(dy0 * rc, 0.0, 1.0)
            ft = jnp.clip(dx0 * rt, 0.0, 1.0)
            one = jnp.float32(1.0)
            zero = jnp.float32(0.0)
            a00 = jnp.where(t_deg, jnp.where(c_deg, one, one - fc),
                            jnp.where(c_deg, one - ft, b00))
            a01 = jnp.where(t_deg, jnp.where(c_deg, zero, fc),
                            jnp.where(c_deg, zero, b01))
            a10 = jnp.where(t_deg, zero, jnp.where(c_deg, ft, b10))
            a11 = jnp.where(t_deg, zero, jnp.where(c_deg, zero, b11))

            out_v[pl.ds(s, _L)] = (a00 * v00 + a01 * v01
                                   + a10 * v10 + a11 * v11)

    fire_small(wid, 0)
    for _kk in range(3):
        fire_tab(wid * _B + _kk * _Z, _kk)
        fire_lut(wid * _B + _kk * _Z, _kk)

    def sup_body(i, carry):
        sc = wid + i * _NW
        bs = jnp.bitwise_and(i, 1)

        @pl.when(sc < _NSUP)
        def _():
            sc_next = sc + _NW

            @pl.when(sc_next < _NSUP)
            def _():
                fire_small(sc_next, 1 - bs)

            wait_small(sc, bs)

            @pl.when(i >= 2)
            def _():
                wait_out(sc - 2 * _NW, bs)

            for k in range(_K):
                dj3, kp3 = divmod(k + 3, _K)
                if dj3 == 0:
                    fire_tab(sc * _B + kp3 * _Z, kp3)
                    fire_lut(sc * _B + kp3 * _Z, kp3)
                else:
                    @pl.when(sc_next < _NSUP)
                    def _():
                        fire_tab(sc_next * _B + kp3 * _Z, kp3)
                        fire_lut(sc_next * _B + kp3 * _Z, kp3)

                wait_tab(sc * _B + k * _Z, k)
                wait_lut(sc * _B + k * _Z, k)
                compute_sub(bs, k, k, k)

            pltpu.async_copy(out_v.at[pl.ds(bs * _B, _B)],
                             out_h.at[pl.ds(sc * _B, _B)], out_sem.at[bs])

        return carry

    lax.fori_loop(0, _MAXIT, sup_body, 0)

    n_i = lax.shift_right_logical(_NSUP - wid + _NW - 1, 5)

    def drain(k, carry):
        i = n_i - 2 + k

        @pl.when(i >= 0)
        def _():
            wait_out(wid + i * _NW, jnp.bitwise_and(i, 1))

        return carry

    lax.fori_loop(0, 2, drain, 0)


@jax.jit
def _sc_call(input_trans, output_caps, trans_tables, cap_tables, lut_values,
             trans_dims, cap_dims):
    mesh = plsc.VectorSubcoreMesh(core_axis_name="c", subcore_axis_name="s")
    f = pl.kernel(
        _sc_body,
        out_type=jax.ShapeDtypeStruct((_E,), jnp.float32),
        mesh=mesh,
        compiler_params=pltpu.CompilerParams(
            needs_layout_passes=False, disable_bounds_checks=True),
        scratch_types=[
            pltpu.VMEM((2 * _B,), jnp.float32),
            pltpu.VMEM((2 * _B,), jnp.float32),
            pltpu.VMEM((4 * _Z, _T), jnp.float32),
            pltpu.VMEM((4 * _Z, _C), jnp.float32),
            pltpu.VMEM((4 * _Z, _T * _C), jnp.float32),
            pltpu.VMEM((2 * _B,), jnp.int32),
            pltpu.VMEM((2 * _B,), jnp.int32),
            pltpu.VMEM((2 * _B,), jnp.float32),
            pltpu.SemaphoreType.DMA((2,)),
            pltpu.SemaphoreType.DMA((4,)),
            pltpu.SemaphoreType.DMA((4,)),
            pltpu.SemaphoreType.DMA((2,)),
        ],
    )
    return f(input_trans, output_caps, trans_tables, cap_tables, lut_values,
             trans_dims, cap_dims)


def kernel(input_trans, output_caps, trans_tables, cap_tables, lut_values,
           trans_dims, cap_dims):
    return _sc_call(input_trans, output_caps, trans_tables, cap_tables,
                    lut_values, trans_dims, cap_dims)

# --- scband reference (transcript-rebuilt; emitter-appended) ---
"""Pipeline reference for scband-timing-propagation-35622458753425 (READ-ONLY COPY).

The authoritative reference and input builder live on the scoring server;
editing this copy changes nothing except your own understanding.
"""

import jax, jax.numpy as jnp
import numpy as np

E = 800000
T = 8
C = 8

def setup_inputs(seed: int = 0) -> dict:
    key = jax.random.key(seed)
    ks = jax.random.split(key, 8)
    # monotonically increasing axis tables (required by searchsorted), per-arc
    trans_tables = jnp.cumsum(jax.random.uniform(ks[0], (E, T), minval=0.01, maxval=0.2), axis=1)
    cap_tables = jnp.cumsum(jax.random.uniform(ks[1], (E, C), minval=0.01, maxval=0.2), axis=1)
    lut_values = jax.random.normal(ks[2], (E, T * C)) * 0.1 + 1.0
    input_trans = jax.random.uniform(ks[3], (E,), minval=0.0, maxval=1.6)
    output_caps = jax.random.uniform(ks[4], (E,), minval=0.0, maxval=1.6)
    trans_dims = jax.random.randint(ks[5], (E,), 2, T + 1).astype(jnp.int32)
    cap_dims = jax.random.randint(ks[6], (E,), 2, C + 1).astype(jnp.int32)
    return {"input_trans": input_trans, "output_caps": output_caps,
            "trans_tables": trans_tables, "cap_tables": cap_tables,
            "lut_values": lut_values, "trans_dims": trans_dims, "cap_dims": cap_dims}

def _gather_cols(tab, idx):
    return jnp.take_along_axis(tab, idx[:, None], axis=1)[:, 0]

def reference(input_trans, output_caps, trans_tables, cap_tables, lut_values, trans_dims, cap_dims):
    eps = jnp.asarray(1e-12, dtype=input_trans.dtype)
    # batched right-searchsorted over per-arc axis tables
    t_idx_pad = jax.vmap(lambda tab, v: jnp.searchsorted(tab, v, side='right'))(trans_tables, input_trans)
    c_idx_pad = jax.vmap(lambda tab, v: jnp.searchsorted(tab, v, side='right'))(cap_tables, output_caps)
    max_t = jnp.maximum(trans_dims - 1, 0)
    max_c = jnp.maximum(cap_dims - 1, 0)
    t_hi = jnp.minimum(jnp.maximum(t_idx_pad, 1), max_t)
    c_hi = jnp.minimum(jnp.maximum(c_idx_pad, 1), max_c)
    t_lo = jnp.maximum(t_hi - 1, 0)
    c_lo = jnp.maximum(c_hi - 1, 0)
    t0 = _gather_cols(trans_tables, t_lo)
    t1 = _gather_cols(trans_tables, t_hi)
    c0 = _gather_cols(cap_tables, c_lo)
    c1 = _gather_cols(cap_tables, c_hi)
    stride = cap_dims
    idx00 = t_lo * stride + c_lo
    idx01 = t_lo * stride + c_hi
    idx10 = t_hi * stride + c_lo
    idx11 = t_hi * stride + c_hi
    v00 = _gather_cols(lut_values, idx00)
    v01 = _gather_cols(lut_values, idx01)
    v10 = _gather_cols(lut_values, idx10)
    v11 = _gather_cols(lut_values, idx11)
    t_interval = t1 - t0
    c_interval = c1 - c0
    is_t_deg = jnp.abs(t_interval) < eps
    is_c_deg = jnp.abs(c_interval) < eps
    x = jnp.clip(input_trans, t0, t1)
    y = jnp.clip(output_caps, c0, c1)
    t_safe = jnp.where(is_t_deg, eps, t_interval)
    c_safe = jnp.where(is_c_deg, eps, c_interval)
    denom = t_safe * c_safe
    wa = (t1 - x) * (c1 - y)
    wb = (t1 - x) * (y - c0)
    wc = (x - t0) * (c1 - y)
    wd = (x - t0) * (y - c0)
    bilinear = (v00 * wa + v01 * wb + v10 * wc + v11 * wd) / denom
    fc = jnp.clip((y - c0) / c_safe, 0.0, 1.0)
    ft = jnp.clip((x - t0) / t_safe, 0.0, 1.0)
    lerp_c = v00 + fc * (v01 - v00)
    lerp_t = v00 + ft * (v10 - v00)
    out = jnp.where(is_t_deg & is_c_deg, v00,
                    jnp.where(is_t_deg, lerp_c,
                              jnp.where(is_c_deg, lerp_t, bilinear)))
    return out

if __name__ == "__main__":
    import jax
    _d = setup_inputs()
    print(jax.jit(kernel)(*tuple(_d.values())))

</pallas_src>

<mosaic_0001>
#map = affine_map<(d0, d1) -> (0)>
#map1 = affine_map<(d0, d1) -> (0, 0)>
module attributes {stable_mosaic.version = 14 : i64} {
  func.func @_sc_body(%arg0: i32, %arg1: i32, %arg2: memref<800000xf32, #tpu.memory_space<hbm>>, %arg3: memref<800000xf32, #tpu.memory_space<hbm>>, %arg4: memref<800000x8xf32, #tpu.memory_space<hbm>>, %arg5: memref<800000x8xf32, #tpu.memory_space<hbm>>, %arg6: memref<800000x64xf32, #tpu.memory_space<hbm>>, %arg7: memref<800000xi32, #tpu.memory_space<hbm>>, %arg8: memref<800000xi32, #tpu.memory_space<hbm>>, %arg9: memref<800000xf32, #tpu.memory_space<hbm>>, %arg10: memref<640xf32, #tpu.memory_space<vmem>>, %arg11: memref<640xf32, #tpu.memory_space<vmem>>, %arg12: memref<320x8xf32, #tpu.memory_space<vmem>>, %arg13: memref<320x8xf32, #tpu.memory_space<vmem>>, %arg14: memref<320x64xf32, #tpu.memory_space<vmem>>, %arg15: memref<640xi32, #tpu.memory_space<vmem>>, %arg16: memref<640xi32, #tpu.memory_space<vmem>>, %arg17: memref<640xf32, #tpu.memory_space<vmem>>, %arg18: memref<2x!tpu.dma_semaphore, #tpu.memory_space<semaphore_mem>>, %arg19: memref<4x!tpu.dma_semaphore, #tpu.memory_space<semaphore_mem>>, %arg20: memref<4x!tpu.dma_semaphore, #tpu.memory_space<semaphore_mem>>, %arg21: memref<2x!tpu.dma_semaphore, #tpu.memory_space<semaphore_mem>>) attributes {dimension_semantics = [#tpu.dimension_semantics<core_parallel>, #tpu.dimension_semantics<subcore_parallel>], iteration_bounds = array<i64: 2, 16>, scalar_prefetch = 0 : i64, scratch_operands = 12 : i64, tpu.core_type = #tpu.core_type<sc_vector_subcore>, window_params = [{transform_indices = #map}, {transform_indices = #map}, {transform_indices = #map1}, {transform_indices = #map1}, {transform_indices = #map1}, {transform_indices = #map}, {transform_indices = #map}, {transform_indices = #map}]} {
    %mul3A = arith.constant 2 : i32
    %mul3A_0 = arith.muli %arg1, %mul3A : i32
    %add3A = arith.addi %mul3A_0, %arg0 : i32
    %iota3A = tpu.iota {dimensions = array<i32: 0>} : vector<16xi32>
    %mul3A_1 = arith.constant 320 : i32
    %mul3A_2 = arith.muli %add3A, %mul3A_1 : i32
    %dma_start3A = arith.constant 0 : i32
    %dma_start3A_3 = arith.constant 0 : i32
    %dma_start3A_4 = tpu.memref_slice %arg10[%dma_start3A_3] : memref<640xf32, #tpu.memory_space<vmem>> -> memref<320xf32, #tpu.memory_space<vmem>>
    %dma_start3A_5 = tpu.memref_slice %arg2[%mul3A_2] : memref<800000xf32, #tpu.memory_space<hbm>> -> memref<320xf32, #tpu.memory_space<hbm>>
    %dma_start3A_6 = tpu.memref_slice %arg18[%dma_start3A] : memref<2x!tpu.dma_semaphore, #tpu.memory_space<semaphore_mem>> -> memref<1x!tpu.dma_semaphore, #tpu.memory_space<semaphore_mem>>
    %dma_start3A_7 = tpu.memref_squeeze %dma_start3A_6 : memref<1x!tpu.dma_semaphore, #tpu.memory_space<semaphore_mem>> -> memref<!tpu.dma_semaphore, #tpu.memory_space<semaphore_mem>>
    %dma_start3A_8 = arith.constant 0 : i32
    %dma_start3A_9 = tpu.memref_slice %arg10[%dma_start3A_8] : memref<640xf32, #tpu.memory_space<vmem>> -> memref<320xf32, #tpu.memory_space<vmem>>
    %dma_start3A_10 = tpu.memref_slice %arg2[%mul3A_2] : memref<800000xf32, #tpu.memory_space<hbm>> -> memref<320xf32, #tpu.memory_space<hbm>>
    tpu.enqueue_dma source(%dma_start3A_10 : memref<320xf32, #tpu.memory_space<hbm>>) target(%dma_start3A_9 : memref<320xf32, #tpu.memory_space<vmem>>) target_semaphore(%dma_start3A_7 : memref<!tpu.dma_semaphore, #tpu.memory_space<semaphore_mem>>)
    %dma_start3A_11 = arith.constant 0 : i32
    %dma_start3A_12 = arith.constant 0 : i32
    %dma_start3A_13 = tpu.memref_slice %arg11[%dma_start3A_12] : memref<640xf32, #tpu.memory_space<vmem>> -> memref<320xf32, #tpu.memory_space<vmem>>
    %dma_start3A_14 = tpu.memref_slice %arg3[%mul3A_2] : memref<800000xf32, #tpu.memory_space<hbm>> -> memref<320xf32, #tpu.memory_space<hbm>>
    %dma_start3A_15 = tpu.memref_slice %arg18[%dma_start3A_11] : memref<2x!tpu.dma_semaphore, #tpu.memory_space<semaphore_mem>> -> memref<1x!tpu.dma_semaphore, #tpu.memory_space<semaphore_mem>>
    %dma_start3A_16 = tpu.memref_squeeze %dma_start3A_15 : memref<1x!tpu.dma_semaphore, #tpu.memory_space<semaphore_mem>> -> memref<!tpu.dma_semaphore, #tpu.memory_space<semaphore_mem>>
    %dma_start3A_17 = arith.constant 0 : i32
    %dma_start3A_18 = tpu.memref_slice %arg11[%dma_start3A_17] : memref<640xf32, #tpu.memory_space<vmem>> -> memref<320xf32, #tpu.memory_space<vmem>>
    %dma_start3A_19 = tpu.memref_slice %arg3[%mul3A_2] : memref<800000xf32, #tpu.memory_space<hbm>> -> memref<320xf32, #tpu.memory_space<hbm>>
    tpu.enqueue_dma source(%dma_start3A_19 : memref<320xf32, #tpu.memory_space<hbm>>) target(%dma_start3A_18 : memref<320xf32, #tpu.memory_space<vmem>>) target_semaphore(%dma_start3A_16 : memref<!tpu.dma_semaphore, #tpu.memory_space<semaphore_mem>>)
    %dma_start3A_20 = arith.constant 0 : i32
    %dma_start3A_21 = arith.constant 0 : i32
    %dma_start3A_22 = tpu.memref_slice %arg15[%dma_start3A_21] : memref<640xi32, #tpu.memory_space<vmem>> -> memref<320xi32, #tpu.memory_space<vmem>>
    %dma_start3A_23 = tpu.memref_slice %arg7[%mul3A_2] : memref<800000xi32, #tpu.memory_space<hbm>> -> memref<320xi32, #tpu.memory_space<hbm>>
    %dma_start3A_24 = tpu.memref_slice %arg18[%dma_start3A_20] : memref<2x!tpu.dma_semaphore, #tpu.memory_space<semaphore_mem>> -> memref<1x!tpu.dma_semaphore, #tpu.memory_space<semaphore_mem>>
    %dma_start3A_25 = tpu.memref_squeeze %dma_start3A_24 : memref<1x!tpu.dma_semaphore, #tpu.memory_space<semaphore_mem>> -> memref<!tpu.dma_semaphore, #tpu.memory_space<semaphore_mem>>
    %dma_start3A_26 = arith.constant 0 : i32
    %dma_start3A_27 = tpu.memref_slice %arg15[%dma_start3A_26] : memref<640xi32, #tpu.memory_space<vmem>> -> memref<320xi32, #tpu.memory_space<vmem>>
    %dma_start3A_28 = tpu.memref_slice %arg7[%mul3A_2] : memref<800000xi32, #tpu.memory_space<hbm>> -> memref<320xi32, #tpu.memory_space<hbm>>
    tpu.enqueue_dma source(%dma_start3A_28 : memref<320xi32, #tpu.memory_space<hbm>>) target(%dma_start3A_27 : memref<320xi32, #tpu.memory_space<vmem>>) target_semaphore(%dma_start3A_25 : memref<!tpu.dma_semaphore, #tpu.memory_space<semaphore_mem>>)
    %dma_start3A_29 = arith.constant 0 : i32
    %dma_start3A_30 = arith.constant 0 : i32
    %dma_start3A_31 = tpu.memref_slice %arg16[%dma_start3A_30] : memref<640xi32, #tpu.memory_space<vmem>> -> memref<320xi32, #tpu.memory_space<vmem>>
    %dma_start3A_32 = tpu.memref_slice %arg8[%mul3A_2] : memref<800000xi32, #tpu.memory_space<hbm>> -> memref<320xi32, #tpu.memory_space<hbm>>
    %dma_start3A_33 = tpu.memref_slice %arg18[%dma_start3A_29] : memref<2x!tpu.dma_semaphore, #tpu.memory_space<semaphore_mem>> -> memref<1x!tpu.dma_semaphore, #tpu.memory_space<semaphore_mem>>
    %dma_start3A_34 = tpu.memref_squeeze %dma_start3A_33 : memref<1x!tpu.dma_semaphore, #tpu.memory_space<semaphore_mem>> -> memref<!tpu.dma_semaphore, #tpu.memory_space<semaphore_mem>>
    %dma_start3A_35 = arith.constant 0 : i32
    %dma_start3A_36 = tpu.memref_slice %arg16[%dma_start3A_35] : memref<640xi32, #tpu.memory_space<vmem>> -> memref<320xi32, #tpu.memory_space<vmem>>
    %dma_start3A_37 = tpu.memref_slice %arg8[%mul3A_2] : memref<800000xi32, #tpu.memory_space<hbm>> -> memref<320xi32, #tpu.memory_space<hbm>>
    tpu.enqueue_dma source(%dma_start3A_37 : memref<320xi32, #tpu.memory_space<hbm>>) target(%dma_start3A_36 : memref<320xi32, #tpu.memory_space<vmem>>) target_semaphore(%dma_start3A_34 : memref<!tpu.dma_semaphore, #tpu.memory_space<semaphore_mem>>)
    %mul3A_38 = arith.constant 320 : i32
    %mul3A_39 = arith.muli %add3A, %mul3A_38 : i32
    %add3A_40 = arith.constant 0 : i32
    %add3A_41 = arith.addi %mul3A_39, %add3A_40 : i32
    %dma_start3A_42 = arith.constant 0 : i32
    %dma_start3A_43 = arith.constant 0 : i32
    %dma_start3A_44 = arith.constant 0 : i32
    %dma_start3A_45 = tpu.memref_slice %arg12[%dma_start3A_43, %dma_start3A_44] : memref<320x8xf32, #tpu.memory_space<vmem>> -> memref<80x8xf32, #tpu.memory_space<vmem>>
    %dma_start3A_46 = arith.constant 0 : i32
    %dma_start3A_47 = tpu.memref_slice %arg4[%add3A_41, %dma_start3A_46] : memref<800000x8xf32, #tpu.memory_space<hbm>> -> memref<80x8xf32, #tpu.memory_space<hbm>>
    %dma_start3A_48 = tpu.memref_slice %arg19[%dma_start3A_42] : memref<4x!tpu.dma_semaphore, #tpu.memory_space<semaphore_mem>> -> memref<1x!tpu.dma_semaphore, #tpu.memory_space<semaphore_mem>>
    %dma_start3A_49 = tpu.memref_squeeze %dma_start3A_48 : memref<1x!tpu.dma_semaphore, #tpu.memory_space<semaphore_mem>> -> memref<!tpu.dma_semaphore, #tpu.memory_space<semaphore_mem>>
    %dma_start3A_50 = arith.constant 0 : i32
    %dma_start3A_51 = arith.constant 0 : i32
    %dma_start3A_52 = tpu.memref_slice %arg12[%dma_start3A_50, %dma_start3A_51] : memref<320x8xf32, #tpu.memory_space<vmem>> -> memref<80x8xf32, #tpu.memory_space<vmem>>
    %dma_start3A_53 = arith.constant 0 : i32
    %dma_start3A_54 = tpu.memref_slice %arg4[%add3A_41, %dma_start3A_53] : memref<800000x8xf32, #tpu.memory_space<hbm>> -> memref<80x8xf32, #tpu.memory_space<hbm>>
    tpu.enqueue_dma source(%dma_start3A_54 : memref<80x8xf32, #tpu.memory_space<hbm>>) target(%dma_start3A_52 : memref<80x8xf32, #tpu.memory_space<vmem>>) target_semaphore(%dma_start3A_49 : memref<!tpu.dma_semaphore, #tpu.memory_space<semaphore_mem>>)
    %dma_start3A_55 = arith.constant 0 : i32
    %dma_start3A_56 = arith.constant 0 : i32
    %dma_start3A_57 = arith.constant 0 : i32
    %dma_start3A_58 = tpu.memref_slice %arg13[%dma_start3A_56, %dma_start3A_57] : memref<320x8xf32, #tpu.memory_space<vmem>> -> memref<80x8xf32, #tpu.memory_space<vmem>>
    %dma_start3A_59 = arith.constant 0 : i32
    %dma_start3A_60 = tpu.memref_slice %arg5[%add3A_41, %dma_start3A_59] : memref<800000x8xf32, #tpu.memory_space<hbm>> -> memref<80x8xf32, #tpu.memory_space<hbm>>
    %dma_start3A_61 = tpu.memref_slice %arg19[%dma_start3A_55] : memref<4x!tpu.dma_semaphore, #tpu.memory_space<semaphore_mem>> -> memref<1x!tpu.dma_semaphore, #tpu.memory_space<semaphore_mem>>
    %dma_start3A_62 = tpu.memref_squeeze %dma_start3A_61 : memref<1x!tpu.dma_semaphore, #tpu.memory_space<semaphore_mem>> -> memref<!tpu.dma_semaphore, #tpu.memory_space<semaphore_mem>>
    %dma_start3A_63 = arith.constant 0 : i32
    %dma_start3A_64 = arith.constant 0 : i32
    %dma_start3A_65 = tpu.memref_slice %arg13[%dma_start3A_63, %dma_start3A_64] : memref<320x8xf32, #tpu.memory_space<vmem>> -> memref<80x8xf32, #tpu.memory_space<vmem>>
    %dma_start3A_66 = arith.constant 0 : i32
    %dma_start3A_67 = tpu.memref_slice %arg5[%add3A_41, %dma_start3A_66] : memref<800000x8xf32, #tpu.memory_space<hbm>> -> memref<80x8xf32, #tpu.memory_space<hbm>>
    tpu.enqueue_dma source(%dma_start3A_67 : memref<80x8xf32, #tpu.memory_space<hbm>>) target(%dma_start3A_65 : memref<80x8xf32, #tpu.memory_space<vmem>>) target_semaphore(%dma_start3A_62 : memref<!tpu.dma_semaphore, #tpu.memory_space<semaphore_mem>>)
    %mul3A_68 = arith.constant 320 : i32
    %mul3A_69 = arith.muli %add3A, %mul3A_68 : i32
    %add3A_70 = arith.constant 0 : i32
    %add3A_71 = arith.addi %mul3A_69, %add3A_70 : i32
    %dma_start3A_72 = arith.constant 0 : i32
    %dma_start3A_73 = arith.constant 0 : i32
    %dma_start3A_74 = arith.constant 0 : i32
    %dma_start3A_75 = tpu.memref_slice %arg14[%dma_start3A_73, %dma_start3A_74] : memref<320x64xf32, #tpu.memory_space<vmem>> -> memref<80x64xf32, #tpu.memory_space<vmem>>
    %dma_start3A_76 = arith.constant 0 : i32
    %dma_start3A_77 = tpu.memref_slice %arg6[%add3A_71, %dma_start3A_76] : memref<800000x64xf32, #tpu.memory_space<hbm>> -> memref<80x64xf32, #tpu.memory_space<hbm>>
    %dma_start3A_78 = tpu.memref_slice %arg20[%dma_start3A_72] : memref<4x!tpu.dma_semaphore, #tpu.memory_space<semaphore_mem>> -> memref<1x!tpu.dma_semaphore, #tpu.memory_space<semaphore_mem>>
    %dma_start3A_79 = tpu.memref_squeeze %dma_start3A_78 : memref<1x!tpu.dma_semaphore, #tpu.memory_space<semaphore_mem>> -> memref<!tpu.dma_semaphore, #tpu.memory_space<semaphore_mem>>
    %dma_start3A_80 = arith.constant 0 : i32
    %dma_start3A_81 = arith.constant 0 : i32
    %dma_start3A_82 = tpu.memref_slice %arg14[%dma_start3A_80, %dma_start3A_81] : memref<320x64xf32, #tpu.memory_space<vmem>> -> memref<80x64xf32, #tpu.memory_space<vmem>>
    %dma_start3A_83 = arith.constant 0 : i32
    %dma_start3A_84 = tpu.memref_slice %arg6[%add3A_71, %dma_start3A_83] : memref<800000x64xf32, #tpu.memory_space<hbm>> -> memref<80x64xf32, #tpu.memory_space<hbm>>
    tpu.enqueue_dma source(%dma_start3A_84 : memref<80x64xf32, #tpu.memory_space<hbm>>) target(%dma_start3A_82 : memref<80x64xf32, #tpu.memory_space<vmem>>) target_semaphore(%dma_start3A_79 : memref<!tpu.dma_semaphore, #tpu.memory_space<semaphore_mem>>)
    %mul3A_85 = arith.constant 320 : i32
    %mul3A_86 = arith.muli %add3A, %mul3A_85 : i32
    %add3A_87 = arith.constant 80 : i32
    %add3A_88 = arith.addi %mul3A_86, %add3A_87 : i32
    %dma_start3A_89 = arith.constant 1 : i32
    %dma_start3A_90 = arith.constant 80 : i32
    %dma_start3A_91 = arith.constant 0 : i32
    %dma_start3A_92 = tpu.memref_slice %arg12[%dma_start3A_90, %dma_start3A_91] : memref<320x8xf32, #tpu.memory_space<vmem>> -> memref<80x8xf32, #tpu.memory_space<vmem>>
    %dma_start3A_93 = arith.constant 0 : i32
    %dma_start3A_94 = tpu.memref_slice %arg4[%add3A_88, %dma_start3A_93] : memref<800000x8xf32, #tpu.memory_space<hbm>> -> memref<80x8xf32, #tpu.memory_space<hbm>>
    %dma_start3A_95 = tpu.memref_slice %arg19[%dma_start3A_89] : memref<4x!tpu.dma_semaphore, #tpu.memory_space<semaphore_mem>> -> memref<1x!tpu.dma_semaphore, #tpu.memory_space<semaphore_mem>>
    %dma_start3A_96 = tpu.memref_squeeze %dma_start3A_95 : memref<1x!tpu.dma_semaphore, #tpu.memory_space<semaphore_mem>> -> memref<!tpu.dma_semaphore, #tpu.memory_space<semaphore_mem>>
    %dma_start3A_97 = arith.constant 80 : i32
    %dma_start3A_98 = arith.constant 0 : i32
    %dma_start3A_99 = tpu.memref_slice %arg12[%dma_start3A_97, %dma_start3A_98] : memref<320x8xf32, #tpu.memory_space<vmem>> -> memref<80x8xf32, #tpu.memory_space<vmem>>
    %dma_start3A_100 = arith.constant 0 : i32
    %dma_start3A_101 = tpu.memref_slice %arg4[%add3A_88, %dma_start3A_100] : memref<800000x8xf32, #tpu.memory_space<hbm>> -> memref<80x8xf32, #tpu.memory_space<hbm>>
    tpu.enqueue_dma source(%dma_start3A_101 : memref<80x8xf32, #tpu.memory_space<hbm>>) target(%dma_start3A_99 : memref<80x8xf32, #tpu.memory_space<vmem>>) target_semaphore(%dma_start3A_96 : memref<!tpu.dma_semaphore, #tpu.memory_space<semaphore_mem>>)
    %dma_start3A_102 = arith.constant 1 : i32
    %dma_start3A_103 = arith.constant 80 : i32
    %dma_start3A_104 = arith.constant 0 : i32
    %dma_start3A_105 = tpu.memref_slice %arg13[%dma_start3A_103, %dma_start3A_104] : memref<320x8xf32, #tpu.memory_space<vmem>> -> memref<80x8xf32, #tpu.memory_space<vmem>>
    %dma_start3A_106 = arith.constant 0 : i32
    %dma_start3A_107 = tpu.memref_slice %arg5[%add3A_88, %dma_start3A_106] : memref<800000x8xf32, #tpu.memory_space<hbm>> -> memref<80x8xf32, #tpu.memory_space<hbm>>
    %dma_start3A_108 = tpu.memref_slice %arg19[%dma_start3A_102] : memref<4x!tpu.dma_semaphore, #tpu.memory_space<semaphore_mem>> -> memref<1x!tpu.dma_semaphore, #tpu.memory_space<semaphore_mem>>
    %dma_start3A_109 = tpu.memref_squeeze %dma_start3A_108 : memref<1x!tpu.dma_semaphore, #tpu.memory_space<semaphore_mem>> -> memref<!tpu.dma_semaphore, #tpu.memory_space<semaphore_mem>>
    %dma_start3A_110 = arith.constant 80 : i32
    %dma_start3A_111 = arith.constant 0 : i32
    %dma_start3A_112 = tpu.memref_slice %arg13[%dma_start3A_110, %dma_start3A_111] : memref<320x8xf32, #tpu.memory_space<vmem>> -> memref<80x8xf32, #tpu.memory_space<vmem>>
    %dma_start3A_113 = arith.constant 0 : i32
    %dma_start3A_114 = tpu.memref_slice %arg5[%add3A_88, %dma_start3A_113] : memref<800000x8xf32, #tpu.memory_space<hbm>> -> memref<80x8xf32, #tpu.memory_space<hbm>>
    tpu.enqueue_dma source(%dma_start3A_114 : memref<80x8xf32, #tpu.memory_space<hbm>>) target(%dma_start3A_112 : memref<80x8xf32, #tpu.memory_space<vmem>>) target_semaphore(%dma_start3A_109 : memref<!tpu.dma_semaphore, #tpu.memory_space<semaphore_mem>>)
    %mul3A_115 = arith.constant 320 : i32
    %mul3A_116 = arith.muli %add3A, %mul3A_115 : i32
    %add3A_117 = arith.constant 80 : i32
    %add3A_118 = arith.addi %mul3A_116, %add3A_117 : i32
    %dma_start3A_119 = arith.constant 1 : i32
    %dma_start3A_120 = arith.constant 80 : i32
    %dma_start3A_121 = arith.constant 0 : i32
    %dma_start3A_122 = tpu.memref_slice %arg14[%dma_start3A_120, %dma_start3A_121] : memref<320x64xf32, #tpu.memory_space<vmem>> -> memref<80x64xf32, #tpu.memory_space<vmem>>
    %dma_start3A_123 = arith.constant 0 : i32
    %dma_start3A_124 = tpu.memref_slice %arg6[%add3A_118, %dma_start3A_123] : memref<800000x64xf32, #tpu.memory_space<hbm>> -> memref<80x64xf32, #tpu.memory_space<hbm>>
    %dma_start3A_125 = tpu.memref_slice %arg20[%dma_start3A_119] : memref<4x!tpu.dma_semaphore, #tpu.memory_space<semaphore_mem>> -> memref<1x!tpu.dma_semaphore, #tpu.memory_space<semaphore_mem>>
    %dma_start3A_126 = tpu.memref_squeeze %dma_start3A_125 : memref<1x!tpu.dma_semaphore, #tpu.memory_space<semaphore_mem>> -> memref<!tpu.dma_semaphore, #tpu.memory_space<semaphore_mem>>
    %dma_start3A_127 = arith.constant 80 : i32
    %dma_start3A_128 = arith.constant 0 : i32
    %dma_start3A_129 = tpu.memref_slice %arg14[%dma_start3A_127, %dma_start3A_128] : memref<320x64xf32, #tpu.memory_space<vmem>> -> memref<80x64xf32, #tpu.memory_space<vmem>>
    %dma_start3A_130 = arith.constant 0 : i32
    %dma_start3A_131 = tpu.memref_slice %arg6[%add3A_118, %dma_start3A_130] : memref<800000x64xf32, #tpu.memory_space<hbm>> -> memref<80x64xf32, #tpu.memory_space<hbm>>
    tpu.enqueue_dma source(%dma_start3A_131 : memref<80x64xf32, #tpu.memory_space<hbm>>) target(%dma_start3A_129 : memref<80x64xf32, #tpu.memory_space<vmem>>) target_semaphore(%dma_start3A_126 : memref<!tpu.dma_semaphore, #tpu.memory_space<semaphore_mem>>)
    %mul3A_132 = arith.constant 320 : i32
    %mul3A_133 = arith.muli %add3A, %mul3A_132 : i32
    %add3A_134 = arith.constant 160 : i32
    %add3A_135 = arith.addi %mul3A_133, %add3A_134 : i32
    %dma_start3A_136 = arith.constant 2 : i32
    %dma_start3A_137 = arith.constant 160 : i32
    %dma_start3A_138 = arith.constant 0 : i32
    %dma_start3A_139 = tpu.memref_slice %arg12[%dma_start3A_137, %dma_start3A_138] : memref<320x8xf32, #tpu.memory_space<vmem>> -> memref<80x8xf32, #tpu.memory_space<vmem>>
    %dma_start3A_140 = arith.constant 0 : i32
    %dma_start3A_141 = tpu.memref_slice %arg4[%add3A_135, %dma_start3A_140] : memref<800000x8xf32, #tpu.memory_space<hbm>> -> memref<80x8xf32, #tpu.memory_space<hbm>>
    %dma_start3A_142 = tpu.memref_slice %arg19[%dma_start3A_136] : memref<4x!tpu.dma_semaphore, #tpu.memory_space<semaphore_mem>> -> memref<1x!tpu.dma_semaphore, #tpu.memory_space<semaphore_mem>>
    %dma_start3A_143 = tpu.memref_squeeze %dma_start3A_142 : memref<1x!tpu.dma_semaphore, #tpu.memory_space<semaphore_mem>> -> memref<!tpu.dma_semaphore, #tpu.memory_space<semaphore_mem>>
    %dma_start3A_144 = arith.constant 160 : i32
    %dma_start3A_145 = arith.constant 0 : i32
    %dma_start3A_146 = tpu.memref_slice %arg12[%dma_start3A_144, %dma_start3A_145] : memref<320x8xf32, #tpu.memory_space<vmem>> -> memref<80x8xf32, #tpu.memory_space<vmem>>
    %dma_start3A_147 = arith.constant 0 : i32
    %dma_start3A_148 = tpu.memref_slice %arg4[%add3A_135, %dma_start3A_147] : memref<800000x8xf32, #tpu.memory_space<hbm>> -> memref<80x8xf32, #tpu.memory_space<hbm>>
    tpu.enqueue_dma source(%dma_start3A_148 : memref<80x8xf32, #tpu.memory_space<hbm>>) target(%dma_start3A_146 : memref<80x8xf32, #tpu.memory_space<vmem>>) target_semaphore(%dma_start3A_143 : memref<!tpu.dma_semaphore, #tpu.memory_space<semaphore_mem>>)
    %dma_start3A_149 = arith.constant 2 : i32
    %dma_start3A_150 = arith.constant 160 : i32
    %dma_start3A_151 = arith.constant 0 : i32
    %dma_start3A_152 = tpu.memref_slice %arg13[%dma_start3A_150, %dma_start3A_151] : memref<320x8xf32, #tpu.memory_space<vmem>> -> memref<80x8xf32, #tpu.memory_space<vmem>>
    %dma_start3A_153 = arith.constant 0 : i32
    %dma_start3A_154 = tpu.memref_slice %arg5[%add3A_135, %dma_start3A_153] : memref<800000x8xf32, #tpu.memory_space<hbm>> -> memref<80x8xf32, #tpu.memory_space<hbm>>
    %dma_start3A_155 = tpu.memref_slice %arg19[%dma_start3A_149] : memref<4x!tpu.dma_semaphore, #tpu.memory_space<semaphore_mem>> -> memref<1x!tpu.dma_semaphore, #tpu.memory_space<semaphore_mem>>
    %dma_start3A_156 = tpu.memref_squeeze %dma_start3A_155 : memref<1x!tpu.dma_semaphore, #tpu.memory_space<semaphore_mem>> -> memref<!tpu.dma_semaphore, #tpu.memory_space<semaphore_mem>>
    %dma_start3A_157 = arith.constant 160 : i32
    %dma_start3A_158 = arith.constant 0 : i32
    %dma_start3A_159 = tpu.memref_slice %arg13[%dma_start3A_157, %dma_start3A_158] : memref<320x8xf32, #tpu.memory_space<vmem>> -> memref<80x8xf32, #tpu.memory_space<vmem>>
    %dma_start3A_160 = arith.constant 0 : i32
    %dma_start3A_161 = tpu.memref_slice %arg5[%add3A_135, %dma_start3A_160] : memref<800000x8xf32, #tpu.memory_space<hbm>> -> memref<80x8xf32, #tpu.memory_space<hbm>>
    tpu.enqueue_dma source(%dma_start3A_161 : memref<80x8xf32, #tpu.memory_space<hbm>>) target(%dma_start3A_159 : memref<80x8xf32, #tpu.memory_space<vmem>>) target_semaphore(%dma_start3A_156 : memref<!tpu.dma_semaphore, #tpu.memory_space<semaphore_mem>>)
    %mul3A_162 = arith.constant 320 : i32
    %mul3A_163 = arith.muli %add3A, %mul3A_162 : i32
    %add3A_164 = arith.constant 160 : i32
    %add3A_165 = arith.addi %mul3A_163, %add3A_164 : i32
    %dma_start3A_166 = arith.constant 2 : i32
    %dma_start3A_167 = arith.constant 160 : i32
    %dma_start3A_168 = arith.constant 0 : i32
    %dma_start3A_169 = tpu.memref_slice %arg14[%dma_start3A_167, %dma_start3A_168] : memref<320x64xf32, #tpu.memory_space<vmem>> -> memref<80x64xf32, #tpu.memory_space<vmem>>
    %dma_start3A_170 = arith.constant 0 : i32
    %dma_start3A_171 = tpu.memref_slice %arg6[%add3A_165, %dma_start3A_170] : memref<800000x64xf32, #tpu.memory_space<hbm>> -> memref<80x64xf32, #tpu.memory_space<hbm>>
    %dma_start3A_172 = tpu.memref_slice %arg20[%dma_start3A_166] : memref<4x!tpu.dma_semaphore, #tpu.memory_space<semaphore_mem>> -> memref<1x!tpu.dma_semaphore, #tpu.memory_space<semaphore_mem>>
    %dma_start3A_173 = tpu.memref_squeeze %dma_start3A_172 : memref<1x!tpu.dma_semaphore, #tpu.memory_space<semaphore_mem>> -> memref<!tpu.dma_semaphore, #tpu.memory_space<semaphore_mem>>
    %dma_start3A_174 = arith.constant 160 : i32
    %dma_start3A_175 = arith.constant 0 : i32
    %dma_start3A_176 = tpu.memref_slice %arg14[%dma_start3A_174, %dma_start3A_175] : memref<320x64xf32, #tpu.memory_space<vmem>> -> memref<80x64xf32, #tpu.memory_space<vmem>>
    %dma_start3A_177 = arith.constant 0 : i32
    %dma_start3A_178 = tpu.memref_slice %arg6[%add3A_165, %dma_start3A_177] : memref<800000x64xf32, #tpu.memory_space<hbm>> -> memref<80x64xf32, #tpu.memory_space<hbm>>
    tpu.enqueue_dma source(%dma_start3A_178 : memref<80x64xf32, #tpu.memory_space<hbm>>) target(%dma_start3A_176 : memref<80x64xf32, #tpu.memory_space<vmem>>) target_semaphore(%dma_start3A_173 : memref<!tpu.dma_semaphore, #tpu.memory_space<semaphore_mem>>)
    %scan3A = arith.constant 0 : i32
    %scan3A_179 = arith.constant 9.99999996E-13 : f32
    %scan3A_180 = arith.constant 0 : i32
    %scan3A_181 = arith.constant 79 : i32
    %scan3A_182 = arith.addi %scan3A_180, %scan3A_181 : i32
    %scan3A_183 = arith.constant 1 : i32
    scf.for %scan3A_197 = %scan3A_180 to %scan3A_182 step %scan3A_183  : i32 {
      %mul3A_198 = arith.constant 32 : i32
      %mul3A_199 = arith.muli %scan3A_197, %mul3A_198 : i32
      %add3A_200 = arith.addi %add3A, %mul3A_199 : i32
      %and3A = arith.constant 1 : i32
      %and3A_201 = arith.andi %scan3A_197, %and3A : i32
      %lt3A = arith.constant 2500 : i32
      %lt3A_202 = arith.cmpi slt, %add3A_200, %lt3A : i32
      %convert_element_type3A = arith.extui %lt3A_202 : i1 to i32
      %cond3A = arith.constant 0 : i32
      %cond3A_203 = arith.cmpi ne, %convert_element_type3A, %cond3A : i32
      scf.if %cond3A_203 {
        %add3A_204 = arith.constant 32 : i32
        %add3A_205 = arith.addi %add3A_200, %add3A_204 : i32
        %lt3A_206 = arith.constant 2500 : i32
        %lt3A_207 = arith.cmpi slt, %add3A_205, %lt3A_206 : i32
        %convert_element_type3A_208 = arith.extui %lt3A_207 : i1 to i32
        %cond3A_209 = arith.constant 0 : i32
        %cond3A_210 = arith.cmpi ne, %convert_element_type3A_208, %cond3A_209 : i32
        scf.if %cond3A_210 {
          %sub3A_529 = arith.constant 1 : i32
          %sub3A_530 = arith.subi %sub3A_529, %and3A_201 : i32
          %mul3A_531 = arith.constant 320 : i32
          %mul3A_532 = arith.muli %add3A_205, %mul3A_531 : i32
          %mul3A_533 = arith.constant 320 : i32
          %mul3A_534 = arith.muli %sub3A_530, %mul3A_533 : i32
          %dma_start3A_535 = tpu.memref_slice %arg10[%mul3A_534] : memref<640xf32, #tpu.memory_space<vmem>> -> memref<320xf32, #tpu.memory_space<vmem>>
          %dma_start3A_536 = tpu.memref_slice %arg2[%mul3A_532] : memref<800000xf32, #tpu.memory_space<hbm>> -> memref<320xf32, #tpu.memory_space<hbm>>
          %dma_start3A_537 = tpu.memref_slice %arg18[%sub3A_530] : memref<2x!tpu.dma_semaphore, #tpu.memory_space<semaphore_mem>> -> memref<1x!tpu.dma_semaphore, #tpu.memory_space<semaphore_mem>>
          %dma_start3A_538 = tpu.memref_squeeze %dma_start3A_537 : memref<1x!tpu.dma_semaphore, #tpu.memory_space<semaphore_mem>> -> memref<!tpu.dma_semaphore, #tpu.memory_space<semaphore_mem>>
          %dma_start3A_539 = tpu.memref_slice %arg10[%mul3A_534] : memref<640xf32, #tpu.memory_space<vmem>> -> memref<320xf32, #tpu.memory_space<vmem>>
          %dma_start3A_540 = tpu.memref_slice %arg2[%mul3A_532] : memref<800000xf32, #tpu.memory_space<hbm>> -> memref<320xf32, #tpu.memory_space<hbm>>
          tpu.enqueue_dma source(%dma_start3A_540 : memref<320xf32, #tpu.memory_space<hbm>>) target(%dma_start3A_539 : memref<320xf32, #tpu.memory_space<vmem>>) target_semaphore(%dma_start3A_538 : memref<!tpu.dma_semaphore, #tpu.memory_space<semaphore_mem>>)
          %dma_start3A_541 = tpu.memref_slice %arg11[%mul3A_534] : memref<640xf32, #tpu.memory_space<vmem>> -> memref<320xf32, #tpu.memory_space<vmem>>
          %dma_start3A_542 = tpu.memref_slice %arg3[%mul3A_532] : memref<800000xf32, #tpu.memory_space<hbm>> -> memref<320xf32, #tpu.memory_space<hbm>>
          %dma_start3A_543 = tpu.memref_slice %arg18[%sub3A_530] : memref<2x!tpu.dma_semaphore, #tpu.memory_space<semaphore_mem>> -> memref<1x!tpu.dma_semaphore, #tpu.memory_space<semaphore_mem>>
          %dma_start3A_544 = tpu.memref_squeeze %dma_start3A_543 : memref<1x!tpu.dma_semaphore, #tpu.memory_space<semaphore_mem>> -> memref<!tpu.dma_semaphore, #tpu.memory_space<semaphore_mem>>
          %dma_start3A_545 = tpu.memref_slice %arg11[%mul3A_534] : memref<640xf32, #tpu.memory_space<vmem>> -> memref<320xf32, #tpu.memory_space<vmem>>
          %dma_start3A_546 = tpu.memref_slice %arg3[%mul3A_532] : memref<800000xf32, #tpu.memory_space<hbm>> -> memref<320xf32, #tpu.memory_space<hbm>>
          tpu.enqueue_dma source(%dma_start3A_546 : memref<320xf32, #tpu.memory_space<hbm>>) target(%dma_start3A_545 : memref<320xf32, #tpu.memory_space<vmem>>) target_semaphore(%dma_start3A_544 : memref<!tpu.dma_semaphore, #tpu.memory_space<semaphore_mem>>)
          %dma_start3A_547 = tpu.memref_slice %arg15[%mul3A_534] : memref<640xi32, #tpu.memory_space<vmem>> -> memref<320xi32, #tpu.memory_space<vmem>>
          %dma_start3A_548 = tpu.memref_slice %arg7[%mul3A_532] : memref<800000xi32, #tpu.memory_space<hbm>> -> memref<320xi32, #tpu.memory_space<hbm>>
          %dma_start3A_549 = tpu.memref_slice %arg18[%sub3A_530] : memref<2x!tpu.dma_semaphore, #tpu.memory_space<semaphore_mem>> -> memref<1x!tpu.dma_semaphore, #tpu.memory_space<semaphore_mem>>
          %dma_start3A_550 = tpu.memref_squeeze %dma_start3A_549 : memref<1x!tpu.dma_semaphore, #tpu.memory_space<semaphore_mem>> -> memref<!tpu.dma_semaphore, #tpu.memory_space<semaphore_mem>>
          %dma_start3A_551 = tpu.memref_slice %arg15[%mul3A_534] : memref<640xi32, #tpu.memory_space<vmem>> -> memref<320xi32, #tpu.memory_space<vmem>>
          %dma_start3A_552 = tpu.memref_slice %arg7[%mul3A_532] : memref<800000xi32, #tpu.memory_space<hbm>> -> memref<320xi32, #tpu.memory_space<hbm>>
          tpu.enqueue_dma source(%dma_start3A_552 : memref<320xi32, #tpu.memory_space<hbm>>) target(%dma_start3A_551 : memref<320xi32, #tpu.memory_space<vmem>>) target_semaphore(%dma_start3A_550 : memref<!tpu.dma_semaphore, #tpu.memory_space<semaphore_mem>>)
          %dma_start3A_553 = tpu.memref_slice %arg16[%mul3A_534] : memref<640xi32, #tpu.memory_space<vmem>> -> memref<320xi32, #tpu.memory_space<vmem>>
          %dma_start3A_554 = tpu.memref_slice %arg8[%mul3A_532] : memref<800000xi32, #tpu.memory_space<hbm>> -> memref<320xi32, #tpu.memory_space<hbm>>
          %dma_start3A_555 = tpu.memref_slice %arg18[%sub3A_530] : memref<2x!tpu.dma_semaphore, #tpu.memory_space<semaphore_mem>> -> memref<1x!tpu.dma_semaphore, #tpu.memory_space<semaphore_mem>>
          %dma_start3A_556 = tpu.memref_squeeze %dma_start3A_555 : memref<1x!tpu.dma_semaphore, #tpu.memory_space<semaphore_mem>> -> memref<!tpu.dma_semaphore, #tpu.memory_space<semaphore_mem>>
          %dma_start3A_557 = tpu.memref_slice %arg16[%mul3A_534] : memref<640xi32, #tpu.memory_space<vmem>> -> memref<320xi32, #tpu.memory_space<vmem>>
          %dma_start3A_558 = tpu.memref_slice %arg8[%mul3A_532] : memref<800000xi32, #tpu.memory_space<hbm>> -> memref<320xi32, #tpu.memory_space<hbm>>
          tpu.enqueue_dma source(%dma_start3A_558 : memref<320xi32, #tpu.memory_space<hbm>>) target(%dma_start3A_557 : memref<320xi32, #tpu.memory_space<vmem>>) target_semaphore(%dma_start3A_556 : memref<!tpu.dma_semaphore, #tpu.memory_space<semaphore_mem>>)
        } else {
        }
        %mul3A_211 = arith.constant 320 : i32
        %mul3A_212 = arith.muli %add3A_200, %mul3A_211 : i32
        %mul3A_213 = arith.constant 320 : i32
        %mul3A_214 = arith.muli %and3A_201, %mul3A_213 : i32
        %dma_wait3A = tpu.memref_slice %arg10[%mul3A_214] : memref<640xf32, #tpu.memory_space<vmem>> -> memref<320xf32, #tpu.memory_space<vmem>>
        %dma_wait3A_215 = tpu.memref_slice %arg2[%mul3A_212] : memref<800000xf32, #tpu.memory_space<hbm>> -> memref<320xf32, #tpu.memory_space<hbm>>
        %dma_wait3A_216 = tpu.memref_slice %arg18[%and3A_201] : memref<2x!tpu.dma_semaphore, #tpu.memory_space<semaphore_mem>> -> memref<1x!tpu.dma_semaphore, #tpu.memory_space<semaphore_mem>>
        %dma_wait3A_217 = tpu.memref_squeeze %dma_wait3A_216 : memref<1x!tpu.dma_semaphore, #tpu.memory_space<semaphore_mem>> -> memref<!tpu.dma_semaphore, #tpu.memory_space<semaphore_mem>>
        %dma_wait3A_218 = tpu.memref_slice %arg10[%mul3A_214] : memref<640xf32, #tpu.memory_space<vmem>> -> memref<320xf32, #tpu.memory_space<vmem>>
        %dma_wait3A_219 = tpu.memref_slice %arg2[%mul3A_212] : memref<800000xf32, #tpu.memory_space<hbm>> -> memref<320xf32, #tpu.memory_space<hbm>>
        tpu.wait_dma2 semaphore(%dma_wait3A_217 : memref<!tpu.dma_semaphore, #tpu.memory_space<semaphore_mem>>) src(%dma_wait3A_219 : memref<320xf32, #tpu.memory_space<hbm>>) dst(%dma_wait3A_218 : memref<320xf32, #tpu.memory_space<vmem>>)
        %dma_wait3A_220 = tpu.memref_slice %arg11[%mul3A_214] : memref<640xf32, #tpu.memory_space<vmem>> -> memref<320xf32, #tpu.memory_space<vmem>>
        %dma_wait3A_221 = tpu.memref_slice %arg3[%mul3A_212] : memref<800000xf32, #tpu.memory_space<hbm>> -> memref<320xf32, #tpu.memory_space<hbm>>
        %dma_wait3A_222 = tpu.memref_slice %arg18[%and3A_201] : memref<2x!tpu.dma_semaphore, #tpu.memory_space<semaphore_mem>> -> memref<1x!tpu.dma_semaphore, #tpu.memory_space<semaphore_mem>>
        %dma_wait3A_223 = tpu.memref_squeeze %dma_wait3A_222 : memref<1x!tpu.dma_semaphore, #tpu.memory_space<semaphore_mem>> -> memref<!tpu.dma_semaphore, #tpu.memory_space<semaphore_mem>>
        %dma_wait3A_224 = tpu.memref_slice %arg11[%mul3A_214] : memref<640xf32, #tpu.memory_space<vmem>> -> memref<320xf32, #tpu.memory_space<vmem>>
        %dma_wait3A_225 = tpu.memref_slice %arg3[%mul3A_212] : memref<800000xf32, #tpu.memory_space<hbm>> -> memref<320xf32, #tpu.memory_space<hbm>>
        tpu.wait_dma2 semaphore(%dma_wait3A_223 : memref<!tpu.dma_semaphore, #tpu.memory_space<semaphore_mem>>) src(%dma_wait3A_225 : memref<320xf32, #tpu.memory_space<hbm>>) dst(%dma_wait3A_224 : memref<320xf32, #tpu.memory_space<vmem>>)
        %dma_wait3A_226 = tpu.memref_slice %arg15[%mul3A_214] : memref<640xi32, #tpu.memory_space<vmem>> -> memref<320xi32, #tpu.memory_space<vmem>>
        %dma_wait3A_227 = tpu.memref_slice %arg7[%mul3A_212] : memref<800000xi32, #tpu.memory_space<hbm>> -> memref<320xi32, #tpu.memory_space<hbm>>
        %dma_wait3A_228 = tpu.memref_slice %arg18[%and3A_201] : memref<2x!tpu.dma_semaphore, #tpu.memory_space<semaphore_mem>> -> memref<1x!tpu.dma_semaphore, #tpu.memory_space<semaphore_mem>>
        %dma_wait3A_229 = tpu.memref_squeeze %dma_wait3A_228 : memref<1x!tpu.dma_semaphore, #tpu.memory_space<semaphore_mem>> -> memref<!tpu.dma_semaphore, #tpu.memory_space<semaphore_mem>>
        %dma_wait3A_230 = tpu.memref_slice %arg15[%mul3A_214] : memref<640xi32, #tpu.memory_space<vmem>> -> memref<320xi32, #tpu.memory_space<vmem>>
        %dma_wait3A_231 = tpu.memref_slice %arg7[%mul3A_212] : memref<800000xi32, #tpu.memory_space<hbm>> -> memref<320xi32, #tpu.memory_space<hbm>>
        tpu.wait_dma2 semaphore(%dma_wait3A_229 : memref<!tpu.dma_semaphore, #tpu.memory_space<semaphore_mem>>) src(%dma_wait3A_231 : memref<320xi32, #tpu.memory_space<hbm>>) dst(%dma_wait3A_230 : memref<320xi32, #tpu.memory_space<vmem>>)
        %dma_wait3A_232 = tpu.memref_slice %arg16[%mul3A_214] : memref<640xi32, #tpu.memory_space<vmem>> -> memref<320xi32, #tpu.memory_space<vmem>>
        %dma_wait3A_233 = tpu.memref_slice %arg8[%mul3A_212] : memref<800000xi32, #tpu.memory_space<hbm>> -> memref<320xi32, #tpu.memory_space<hbm>>
        %dma_wait3A_234 = tpu.memref_slice %arg18[%and3A_201] : memref<2x!tpu.dma_semaphore, #tpu.memory_space<semaphore_mem>> -> memref<1x!tpu.dma_semaphore, #tpu.memory_space<semaphore_mem>>
        %dma_wait3A_235 = tpu.memref_squeeze %dma_wait3A_234 : memref<1x!tpu.dma_semaphore, #tpu.memory_space<semaphore_mem>> -> memref<!tpu.dma_semaphore, #tpu.memory_space<semaphore_mem>>
        %dma_wait3A_236 = tpu.memref_slice %arg16[%mul3A_214] : memref<640xi32, #tpu.memory_space<vmem>> -> memref<320xi32, #tpu.memory_space<vmem>>
        %dma_wait3A_237 = tpu.memref_slice %arg8[%mul3A_212] : memref<800000xi32, #tpu.memory_space<hbm>> -> memref<320xi32, #tpu.memory_space<hbm>>
        tpu.wait_dma2 semaphore(%dma_wait3A_235 : memref<!tpu.dma_semaphore, #tpu.memory_space<semaphore_mem>>) src(%dma_wait3A_237 : memref<320xi32, #tpu.memory_space<hbm>>) dst(%dma_wait3A_236 : memref<320xi32, #tpu.memory_space<vmem>>)
        %ge3A = arith.constant 2 : i32
        %ge3A_238 = arith.cmpi sge, %scan3A_197, %ge3A : i32
        %convert_element_type3A_239 = arith.extui %ge3A_238 : i1 to i32
        %cond3A_240 = arith.constant 0 : i32
        %cond3A_241 = arith.cmpi ne, %convert_element_type3A_239, %cond3A_240 : i32
        scf.if %cond3A_241 {
          %sub3A_529 = arith.constant 64 : i32
          %sub3A_530 = arith.subi %add3A_200, %sub3A_529 : i32
          %mul3A_531 = arith.constant 320 : i32
          %mul3A_532 = arith.muli %and3A_201, %mul3A_531 : i32
          %mul3A_533 = arith.constant 320 : i32
          %mul3A_534 = arith.muli %sub3A_530, %mul3A_533 : i32
          %dma_wait3A_535 = tpu.memref_slice %arg17[%mul3A_532] : memref<640xf32, #tpu.memory_space<vmem>> -> memref<320xf32, #tpu.memory_space<vmem>>
          %dma_wait3A_536 = tpu.memref_slice %arg9[%mul3A_534] : memref<800000xf32, #tpu.memory_space<hbm>> -> memref<320xf32, #tpu.memory_space<hbm>>
          %dma_wait3A_537 = tpu.memref_slice %arg21[%and3A_201] : memref<2x!tpu.dma_semaphore, #tpu.memory_space<semaphore_mem>> -> memref<1x!tpu.dma_semaphore, #tpu.memory_space<semaphore_mem>>
          %dma_wait3A_538 = tpu.memref_squeeze %dma_wait3A_537 : memref<1x!tpu.dma_semaphore, #tpu.memory_space<semaphore_mem>> -> memref<!tpu.dma_semaphore, #tpu.memory_space<semaphore_mem>>
          %dma_wait3A_539 = tpu.memref_slice %arg9[%mul3A_534] : memref<800000xf32, #tpu.memory_space<hbm>> -> memref<320xf32, #tpu.memory_space<hbm>>
          %dma_wait3A_540 = tpu.memref_slice %arg17[%mul3A_532] : memref<640xf32, #tpu.memory_space<vmem>> -> memref<320xf32, #tpu.memory_space<vmem>>
          tpu.wait_dma2 semaphore(%dma_wait3A_538 : memref<!tpu.dma_semaphore, #tpu.memory_space<semaphore_mem>>) src(%dma_wait3A_540 : memref<320xf32, #tpu.memory_space<vmem>>) dst(%dma_wait3A_539 : memref<320xf32, #tpu.memory_space<hbm>>)
        } else {
        }
        %mul3A_242 = arith.constant 320 : i32
        %mul3A_243 = arith.muli %add3A_200, %mul3A_242 : i32
        %add3A_244 = arith.constant 240 : i32
        %add3A_245 = arith.addi %mul3A_243, %add3A_244 : i32
        %dma_start3A_246 = arith.constant 3 : i32
        %dma_start3A_247 = arith.constant 240 : i32
        %dma_start3A_248 = arith.constant 0 : i32
        %dma_start3A_249 = tpu.memref_slice %arg12[%dma_start3A_247, %dma_start3A_248] : memref<320x8xf32, #tpu.memory_space<vmem>> -> memref<80x8xf32, #tpu.memory_space<vmem>>
        %dma_start3A_250 = arith.constant 0 : i32
        %dma_start3A_251 = tpu.memref_slice %arg4[%add3A_245, %dma_start3A_250] : memref<800000x8xf32, #tpu.memory_space<hbm>> -> memref<80x8xf32, #tpu.memory_space<hbm>>
        %dma_start3A_252 = tpu.memref_slice %arg19[%dma_start3A_246] : memref<4x!tpu.dma_semaphore, #tpu.memory_space<semaphore_mem>> -> memref<1x!tpu.dma_semaphore, #tpu.memory_space<semaphore_mem>>
        %dma_start3A_253 = tpu.memref_squeeze %dma_start3A_252 : memref<1x!tpu.dma_semaphore, #tpu.memory_space<semaphore_mem>> -> memref<!tpu.dma_semaphore, #tpu.memory_space<semaphore_mem>>
        %dma_start3A_254 = arith.constant 240 : i32
        %dma_start3A_255 = arith.constant 0 : i32
        %dma_start3A_256 = tpu.memref_slice %arg12[%dma_start3A_254, %dma_start3A_255] : memref<320x8xf32, #tpu.memory_space<vmem>> -> memref<80x8xf32, #tpu.memory_space<vmem>>
        %dma_start3A_257 = arith.constant 0 : i32
        %dma_start3A_258 = tpu.memref_slice %arg4[%add3A_245, %dma_start3A_257] : memref<800000x8xf32, #tpu.memory_space<hbm>> -> memref<80x8xf32, #tpu.memory_space<hbm>>
        tpu.enqueue_dma source(%dma_start3A_258 : memref<80x8xf32, #tpu.memory_space<hbm>>) target(%dma_start3A_256 : memref<80x8xf32, #tpu.memory_space<vmem>>) target_semaphore(%dma_start3A_253 : memref<!tpu.dma_semaphore, #tpu.memory_space<semaphore_mem>>)
        %dma_start3A_259 = arith.constant 3 : i32
        %dma_start3A_260 = arith.constant 240 : i32
        %dma_start3A_261 = arith.constant 0 : i32
        %dma_start3A_262 = tpu.memref_slice %arg13[%dma_start3A_260, %dma_start3A_261] : memref<320x8xf32, #tpu.memory_space<vmem>> -> memref<80x8xf32, #tpu.memory_space<vmem>>
        %dma_start3A_263 = arith.constant 0 : i32
        %dma_start3A_264 = tpu.memref_slice %arg5[%add3A_245, %dma_start3A_263] : memref<800000x8xf32, #tpu.memory_space<hbm>> -> memref<80x8xf32, #tpu.memory_space<hbm>>
        %dma_start3A_265 = tpu.memref_slice %arg19[%dma_start3A_259] : memref<4x!tpu.dma_semaphore, #tpu.memory_space<semaphore_mem>> -> memref<1x!tpu.dma_semaphore, #tpu.memory_space<semaphore_mem>>
        %dma_start3A_266 = tpu.memref_squeeze %dma_start3A_265 : memref<1x!tpu.dma_semaphore, #tpu.memory_space<semaphore_mem>> -> memref<!tpu.dma_semaphore, #tpu.memory_space<semaphore_mem>>
        %dma_start3A_267 = arith.constant 240 : i32
        %dma_start3A_268 = arith.constant 0 : i32
        %dma_start3A_269 = tpu.memref_slice %arg13[%dma_start3A_267, %dma_start3A_268] : memref<320x8xf32, #tpu.memory_space<vmem>> -> memref<80x8xf32, #tpu.memory_space<vmem>>
        %dma_start3A_270 = arith.constant 0 : i32
        %dma_start3A_271 = tpu.memref_slice %arg5[%add3A_245, %dma_start3A_270] : memref<800000x8xf32, #tpu.memory_space<hbm>> -> memref<80x8xf32, #tpu.memory_space<hbm>>
        tpu.enqueue_dma source(%dma_start3A_271 : memref<80x8xf32, #tpu.memory_space<hbm>>) target(%dma_start3A_269 : memref<80x8xf32, #tpu.memory_space<vmem>>) target_semaphore(%dma_start3A_266 : memref<!tpu.dma_semaphore, #tpu.memory_space<semaphore_mem>>)
        %mul3A_272 = arith.constant 320 : i32
        %mul3A_273 = arith.muli %add3A_200, %mul3A_272 : i32
        %add3A_274 = arith.constant 240 : i32
        %add3A_275 = arith.addi %mul3A_273, %add3A_274 : i32
        %dma_start3A_276 = arith.constant 3 : i32
        %dma_start3A_277 = arith.constant 240 : i32
        %dma_start3A_278 = arith.constant 0 : i32
        %dma_start3A_279 = tpu.memref_slice %arg14[%dma_start3A_277, %dma_start3A_278] : memref<320x64xf32, #tpu.memory_space<vmem>> -> memref<80x64xf32, #tpu.memory_space<vmem>>
        %dma_start3A_280 = arith.constant 0 : i32
        %dma_start3A_281 = tpu.memref_slice %arg6[%add3A_275, %dma_start3A_280] : memref<800000x64xf32, #tpu.memory_space<hbm>> -> memref<80x64xf32, #tpu.memory_space<hbm>>
        %dma_start3A_282 = tpu.memref_slice %arg20[%dma_start3A_276] : memref<4x!tpu.dma_semaphore, #tpu.memory_space<semaphore_mem>> -> memref<1x!tpu.dma_semaphore, #tpu.memory_space<semaphore_mem>>
        %dma_start3A_283 = tpu.memref_squeeze %dma_start3A_282 : memref<1x!tpu.dma_semaphore, #tpu.memory_space<semaphore_mem>> -> memref<!tpu.dma_semaphore, #tpu.memory_space<semaphore_mem>>
        %dma_start3A_284 = arith.constant 240 : i32
        %dma_start3A_285 = arith.constant 0 : i32
        %dma_start3A_286 = tpu.memref_slice %arg14[%dma_start3A_284, %dma_start3A_285] : memref<320x64xf32, #tpu.memory_space<vmem>> -> memref<80x64xf32, #tpu.memory_space<vmem>>
        %dma_start3A_287 = arith.constant 0 : i32
        %dma_start3A_288 = tpu.memref_slice %arg6[%add3A_275, %dma_start3A_287] : memref<800000x64xf32, #tpu.memory_space<hbm>> -> memref<80x64xf32, #tpu.memory_space<hbm>>
        tpu.enqueue_dma source(%dma_start3A_288 : memref<80x64xf32, #tpu.memory_space<hbm>>) target(%dma_start3A_286 : memref<80x64xf32, #tpu.memory_space<vmem>>) target_semaphore(%dma_start3A_283 : memref<!tpu.dma_semaphore, #tpu.memory_space<semaphore_mem>>)
        %mul3A_289 = arith.constant 320 : i32
        %mul3A_290 = arith.muli %add3A_200, %mul3A_289 : i32
        %add3A_291 = arith.constant 0 : i32
        %add3A_292 = arith.addi %mul3A_290, %add3A_291 : i32
        %dma_wait3A_293 = arith.constant 0 : i32
        %dma_wait3A_294 = arith.constant 0 : i32
        %dma_wait3A_295 = arith.constant 0 : i32
        %dma_wait3A_296 = tpu.memref_slice %arg12[%dma_wait3A_294, %dma_wait3A_295] : memref<320x8xf32, #tpu.memory_space<vmem>> -> memref<80x8xf32, #tpu.memory_space<vmem>>
        %dma_wait3A_297 = arith.constant 0 : i32
        %dma_wait3A_298 = tpu.memref_slice %arg4[%add3A_292, %dma_wait3A_297] : memref<800000x8xf32, #tpu.memory_space<hbm>> -> memref<80x8xf32, #tpu.memory_space<hbm>>
        %dma_wait3A_299 = tpu.memref_slice %arg19[%dma_wait3A_293] : memref<4x!tpu.dma_semaphore, #tpu.memory_space<semaphore_mem>> -> memref<1x!tpu.dma_semaphore, #tpu.memory_space<semaphore_mem>>
        %dma_wait3A_300 = tpu.memref_squeeze %dma_wait3A_299 : memref<1x!tpu.dma_semaphore, #tpu.memory_space<semaphore_mem>> -> memref<!tpu.dma_semaphore, #tpu.memory_space<semaphore_mem>>
        %dma_wait3A_301 = arith.constant 0 : i32
        %dma_wait3A_302 = arith.constant 0 : i32
        %dma_wait3A_303 = tpu.memref_slice %arg12[%dma_wait3A_301, %dma_wait3A_302] : memref<320x8xf32, #tpu.memory_space<vmem>> -> memref<80x8xf32, #tpu.memory_space<vmem>>
        %dma_wait3A_304 = arith.constant 0 : i32
        %dma_wait3A_305 = tpu.memref_slice %arg4[%add3A_292, %dma_wait3A_304] : memref<800000x8xf32, #tpu.memory_space<hbm>> -> memref<80x8xf32, #tpu.memory_space<hbm>>
        tpu.wait_dma2 semaphore(%dma_wait3A_300 : memref<!tpu.dma_semaphore, #tpu.memory_space<semaphore_mem>>) src(%dma_wait3A_305 : memref<80x8xf32, #tpu.memory_space<hbm>>) dst(%dma_wait3A_303 : memref<80x8xf32, #tpu.memory_space<vmem>>)
        %dma_wait3A_306 = arith.constant 0 : i32
        %dma_wait3A_307 = arith.constant 0 : i32
        %dma_wait3A_308 = arith.constant 0 : i32
        %dma_wait3A_309 = tpu.memref_slice %arg13[%dma_wait3A_307, %dma_wait3A_308] : memref<320x8xf32, #tpu.memory_space<vmem>> -> memref<80x8xf32, #tpu.memory_space<vmem>>
        %dma_wait3A_310 = arith.constant 0 : i32
        %dma_wait3A_311 = tpu.memref_slice %arg5[%add3A_292, %dma_wait3A_310] : memref<800000x8xf32, #tpu.memory_space<hbm>> -> memref<80x8xf32, #tpu.memory_space<hbm>>
        %dma_wait3A_312 = tpu.memref_slice %arg19[%dma_wait3A_306] : memref<4x!tpu.dma_semaphore, #tpu.memory_space<semaphore_mem>> -> memref<1x!tpu.dma_semaphore, #tpu.memory_space<semaphore_mem>>
        %dma_wait3A_313 = tpu.memref_squeeze %dma_wait3A_312 : memref<1x!tpu.dma_semaphore, #tpu.memory_space<semaphore_mem>> -> memref<!tpu.dma_semaphore, #tpu.memory_space<semaphore_mem>>
        %dma_wait3A_314 = arith.constant 0 : i32
        %dma_wait3A_315 = arith.constant 0 : i32
        %dma_wait3A_316 = tpu.memref_slice %arg13[%dma_wait3A_314, %dma_wait3A_315] : memref<320x8xf32, #tpu.memory_space<vmem>> -> memref<80x8xf32, #tpu.memory_space<vmem>>
        %dma_wait3A_317 = arith.constant 0 : i32
        %dma_wait3A_318 = tpu.memref_slice %arg5[%add3A_292, %dma_wait3A_317] : memref<800000x8xf32, #tpu.memory_space<hbm>> -> memref<80x8xf32, #tpu.memory_space<hbm>>
        tpu.wait_dma2 semaphore(%dma_wait3A_313 : memref<!tpu.dma_semaphore, #tpu.memory_space<semaphore_mem>>) src(%dma_wait3A_318 : memref<80x8xf32, #tpu.memory_space<hbm>>) dst(%dma_wait3A_316 : memref<80x8xf32, #tpu.memory_space<vmem>>)
        %mul3A_319 = arith.constant 320 : i32
        %mul3A_320 = arith.muli %add3A_200, %mul3A_319 : i32
        %add3A_321 = arith.constant 0 : i32
        %add3A_322 = arith.addi %mul3A_320, %add3A_321 : i32
        %dma_wait3A_323 = arith.constant 0 : i32
        %dma_wait3A_324 = arith.constant 0 : i32
        %dma_wait3A_325 = arith.constant 0 : i32
        %dma_wait3A_326 = tpu.memref_slice %arg14[%dma_wait3A_324, %dma_wait3A_325] : memref<320x64xf32, #tpu.memory_space<vmem>> -> memref<80x64xf32, #tpu.memory_space<vmem>>
        %dma_wait3A_327 = arith.constant 0 : i32
        %dma_wait3A_328 = tpu.memref_slice %arg6[%add3A_322, %dma_wait3A_327] : memref<800000x64xf32, #tpu.memory_space<hbm>> -> memref<80x64xf32, #tpu.memory_space<hbm>>
        %dma_wait3A_329 = tpu.memref_slice %arg20[%dma_wait3A_323] : memref<4x!tpu.dma_semaphore, #tpu.memory_space<semaphore_mem>> -> memref<1x!tpu.dma_semaphore, #tpu.memory_space<semaphore_mem>>
        %dma_wait3A_330 = tpu.memref_squeeze %dma_wait3A_329 : memref<1x!tpu.dma_semaphore, #tpu.memory_space<semaphore_mem>> -> memref<!tpu.dma_semaphore, #tpu.memory_space<semaphore_mem>>
        %dma_wait3A_331 = arith.constant 0 : i32
        %dma_wait3A_332 = arith.constant 0 : i32
        %dma_wait3A_333 = tpu.memref_slice %arg14[%dma_wait3A_331, %dma_wait3A_332] : memref<320x64xf32, #tpu.memory_space<vmem>> -> memref<80x64xf32, #tpu.memory_space<vmem>>
        %dma_wait3A_334 = arith.constant 0 : i32
        %dma_wait3A_335 = tpu.memref_slice %arg6[%add3A_322, %dma_wait3A_334] : memref<800000x64xf32, #tpu.memory_space<hbm>> -> memref<80x64xf32, #tpu.memory_space<hbm>>
        tpu.wait_dma2 semaphore(%dma_wait3A_330 : memref<!tpu.dma_semaphore, #tpu.memory_space<semaphore_mem>>) src(%dma_wait3A_335 : memref<80x64xf32, #tpu.memory_space<hbm>>) dst(%dma_wait3A_333 : memref<80x64xf32, #tpu.memory_space<vmem>>)
        %mul3A_336 = arith.constant 320 : i32
        %mul3A_337 = arith.muli %and3A_201, %mul3A_336 : i32
        %add3A_338 = arith.constant 0 : i32
        %add3A_339 = arith.addi %mul3A_337, %add3A_338 : i32
        %parallel_loop3A = arith.constant 0 : i32
        %parallel_loop3A_340 = arith.constant 5 : i32
        %parallel_loop3A_341 = arith.constant 1 : i32
        scf.for %parallel_loop3A_529 = %parallel_loop3A to %parallel_loop3A_340 step %parallel_loop3A_341  : i32 {
          %parallel_loop3A_530 = arith.constant 16 : i32
          %parallel_loop3A_531 = arith.muli %parallel_loop3A_529, %parallel_loop3A_530 : i32
          %parallel_loop3A_532 = arith.addi %add3A_339, %parallel_loop3A_531 : i32
          %parallel_loop3A_533 = arith.constant 16 : i32
          %parallel_loop3A_534 = arith.muli %parallel_loop3A_529, %parallel_loop3A_533 : i32
          %parallel_loop3A_535 = arith.constant 0 : i32
          %parallel_loop3A_536 = arith.addi %parallel_loop3A_535, %parallel_loop3A_534 : i32
          %parallel_loop3A_537 = vector.broadcast %parallel_loop3A_536 : i32 to vector<16xi32>
          %parallel_loop3A_538 = arith.addi %parallel_loop3A_537, %iota3A : vector<16xi32>
          %parallel_loop3A_539 = arith.constant 16 : i32
          %parallel_loop3A_540 = arith.muli %parallel_loop3A_529, %parallel_loop3A_539 : i32
          %parallel_loop3A_541 = arith.constant 0 : i32
          %parallel_loop3A_542 = arith.addi %parallel_loop3A_541, %parallel_loop3A_540 : i32
          %parallel_loop3A_543 = vector.broadcast %parallel_loop3A_542 : i32 to vector<16xi32>
          %parallel_loop3A_544 = arith.addi %parallel_loop3A_543, %iota3A : vector<16xi32>
          %parallel_loop3A_545 = arith.index_cast %parallel_loop3A_532 : i32 to index
          %parallel_loop3A_546 = tpu.vector_load %arg10[%parallel_loop3A_545] {strides = array<i32>} : memref<640xf32, #tpu.memory_space<vmem>>, vector<16xf32>,
          %parallel_loop3A_547 = arith.index_cast %parallel_loop3A_532 : i32 to index
          %parallel_loop3A_548 = tpu.vector_load %arg11[%parallel_loop3A_547] {strides = array<i32>} : memref<640xf32, #tpu.memory_space<vmem>>, vector<16xf32>,
          %parallel_loop3A_549 = arith.index_cast %parallel_loop3A_532 : i32 to index
          %parallel_loop3A_550 = tpu.vector_load %arg15[%parallel_loop3A_549] {strides = array<i32>} : memref<640xi32, #tpu.memory_space<vmem>>, vector<16xi32>,
          %parallel_loop3A_551 = arith.index_cast %parallel_loop3A_532 : i32 to index
          %parallel_loop3A_552 = tpu.vector_load %arg16[%parallel_loop3A_551] {strides = array<i32>} : memref<640xi32, #tpu.memory_space<vmem>>, vector<16xi32>,
          %parallel_loop3A_553 = arith.constant 0 : i32
          %parallel_loop3A_554 = vector.broadcast %parallel_loop3A_553 : i32 to vector<16xi32>
          %parallel_loop3A_555 = arith.constant 0 : i32
          %parallel_loop3A_556 = vector.broadcast %parallel_loop3A_555 : i32 to vector<16xi32>
          %parallel_loop3A_557 = arith.constant 0 : i32
          %parallel_loop3A_558 = vector.broadcast %parallel_loop3A_557 : i32 to vector<16xi32>
          %parallel_loop3A_559 = tpu.vector_load_idx %arg12[%parallel_loop3A_538, %parallel_loop3A_558] : memref<320x8xf32, #tpu.memory_space<vmem>>[vector<16xi32>, vector<16xi32>], vector<16xf32>,
          %parallel_loop3A_560 = tpu.vector_load_idx %arg13[%parallel_loop3A_538, %parallel_loop3A_558] : memref<320x8xf32, #tpu.memory_space<vmem>>[vector<16xi32>, vector<16xi32>], vector<16xf32>,
          %parallel_loop3A_561 = arith.cmpf ole, %parallel_loop3A_559, %parallel_loop3A_546 : vector<16xf32>
          %parallel_loop3A_562 = arith.extui %parallel_loop3A_561 : vector<16xi1> to vector<16xi32>
          %parallel_loop3A_563 = arith.addi %parallel_loop3A_554, %parallel_loop3A_562 : vector<16xi32>
          %parallel_loop3A_564 = arith.cmpf ole, %parallel_loop3A_560, %parallel_loop3A_548 : vector<16xf32>
          %parallel_loop3A_565 = arith.extui %parallel_loop3A_564 : vector<16xi1> to vector<16xi32>
          %parallel_loop3A_566 = arith.addi %parallel_loop3A_556, %parallel_loop3A_565 : vector<16xi32>
          %parallel_loop3A_567 = arith.constant 1 : i32
          %parallel_loop3A_568 = vector.broadcast %parallel_loop3A_567 : i32 to vector<16xi32>
          %parallel_loop3A_569 = tpu.vector_load_idx %arg12[%parallel_loop3A_538, %parallel_loop3A_568] : memref<320x8xf32, #tpu.memory_space<vmem>>[vector<16xi32>, vector<16xi32>], vector<16xf32>,
          %parallel_loop3A_570 = tpu.vector_load_idx %arg13[%parallel_loop3A_538, %parallel_loop3A_568] : memref<320x8xf32, #tpu.memory_space<vmem>>[vector<16xi32>, vector<16xi32>], vector<16xf32>,
          %parallel_loop3A_571 = arith.cmpf ole, %parallel_loop3A_569, %parallel_loop3A_546 : vector<16xf32>
          %parallel_loop3A_572 = arith.extui %parallel_loop3A_571 : vector<16xi1> to vector<16xi32>
          %parallel_loop3A_573 = arith.addi %parallel_loop3A_563, %parallel_loop3A_572 : vector<16xi32>
          %parallel_loop3A_574 = arith.cmpf ole, %parallel_loop3A_570, %parallel_loop3A_548 : vector<16xf32>
          %parallel_loop3A_575 = arith.extui %parallel_loop3A_574 : vector<16xi1> to vector<16xi32>
          %parallel_loop3A_576 = arith.addi %parallel_loop3A_566, %parallel_loop3A_575 : vector<16xi32>
          %parallel_loop3A_577 = arith.constant 2 : i32
          %parallel_loop3A_578 = vector.broadcast %parallel_loop3A_577 : i32 to vector<16xi32>
          %parallel_loop3A_579 = tpu.vector_load_idx %arg12[%parallel_loop3A_538, %parallel_loop3A_578] : memref<320x8xf32, #tpu.memory_space<vmem>>[vector<16xi32>, vector<16xi32>], vector<16xf32>,
          %parallel_loop3A_580 = tpu.vector_load_idx %arg13[%parallel_loop3A_538, %parallel_loop3A_578] : memref<320x8xf32, #tpu.memory_space<vmem>>[vector<16xi32>, vector<16xi32>], vector<16xf32>,
          %parallel_loop3A_581 = arith.cmpf ole, %parallel_loop3A_579, %parallel_loop3A_546 : vector<16xf32>
          %parallel_loop3A_582 = arith.extui %parallel_loop3A_581 : vector<16xi1> to vector<16xi32>
          %parallel_loop3A_583 = arith.addi %parallel_loop3A_573, %parallel_loop3A_582 : vector<16xi32>
          %parallel_loop3A_584 = arith.cmpf ole, %parallel_loop3A_580, %parallel_loop3A_548 : vector<16xf32>
          %parallel_loop3A_585 = arith.extui %parallel_loop3A_584 : vector<16xi1> to vector<16xi32>
          %parallel_loop3A_586 = arith.addi %parallel_loop3A_576, %parallel_loop3A_585 : vector<16xi32>
          %parallel_loop3A_587 = arith.constant 3 : i32
          %parallel_loop3A_588 = vector.broadcast %parallel_loop3A_587 : i32 to vector<16xi32>
          %parallel_loop3A_589 = tpu.vector_load_idx %arg12[%parallel_loop3A_538, %parallel_loop3A_588] : memref<320x8xf32, #tpu.memory_space<vmem>>[vector<16xi32>, vector<16xi32>], vector<16xf32>,
          %parallel_loop3A_590 = tpu.vector_load_idx %arg13[%parallel_loop3A_538, %parallel_loop3A_588] : memref<320x8xf32, #tpu.memory_space<vmem>>[vector<16xi32>, vector<16xi32>], vector<16xf32>,
          %parallel_loop3A_591 = arith.cmpf ole, %parallel_loop3A_589, %parallel_loop3A_546 : vector<16xf32>
          %parallel_loop3A_592 = arith.extui %parallel_loop3A_591 : vector<16xi1> to vector<16xi32>
          %parallel_loop3A_593 = arith.addi %parallel_loop3A_583, %parallel_loop3A_592 : vector<16xi32>
          %parallel_loop3A_594 = arith.cmpf ole, %parallel_loop3A_590, %parallel_loop3A_548 : vector<16xf32>
          %parallel_loop3A_595 = arith.extui %parallel_loop3A_594 : vector<16xi1> to vector<16xi32>
          %parallel_loop3A_596 = arith.addi %parallel_loop3A_586, %parallel_loop3A_595 : vector<16xi32>
          %parallel_loop3A_597 = arith.constant 4 : i32
          %parallel_loop3A_598 = vector.broadcast %parallel_loop3A_597 : i32 to vector<16xi32>
          %parallel_loop3A_599 = tpu.vector_load_idx %arg12[%parallel_loop3A_538, %parallel_loop3A_598] : memref<320x8xf32, #tpu.memory_space<vmem>>[vector<16xi32>, vector<16xi32>], vector<16xf32>,
          %parallel_loop3A_600 = tpu.vector_load_idx %arg13[%parallel_loop3A_538, %parallel_loop3A_598] : memref<320x8xf32, #tpu.memory_space<vmem>>[vector<16xi32>, vector<16xi32>], vector<16xf32>,
          %parallel_loop3A_601 = arith.cmpf ole, %parallel_loop3A_599, %parallel_loop3A_546 : vector<16xf32>
          %parallel_loop3A_602 = arith.extui %parallel_loop3A_601 : vector<16xi1> to vector<16xi32>
          %parallel_loop3A_603 = arith.addi %parallel_loop3A_593, %parallel_loop3A_602 : vector<16xi32>
          %parallel_loop3A_604 = arith.cmpf ole, %parallel_loop3A_600, %parallel_loop3A_548 : vector<16xf32>
          %parallel_loop3A_605 = arith.extui %parallel_loop3A_604 : vector<16xi1> to vector<16xi32>
          %parallel_loop3A_606 = arith.addi %parallel_loop3A_596, %parallel_loop3A_605 : vector<16xi32>
          %parallel_loop3A_607 = arith.constant 5 : i32
          %parallel_loop3A_608 = vector.broadcast %parallel_loop3A_607 : i32 to vector<16xi32>
          %parallel_loop3A_609 = tpu.vector_load_idx %arg12[%parallel_loop3A_538, %parallel_loop3A_608] : memref<320x8xf32, #tpu.memory_space<vmem>>[vector<16xi32>, vector<16xi32>], vector<16xf32>,
          %parallel_loop3A_610 = tpu.vector_load_idx %arg13[%parallel_loop3A_538, %parallel_loop3A_608] : memref<320x8xf32, #tpu.memory_space<vmem>>[vector<16xi32>, vector<16xi32>], vector<16xf32>,
          %parallel_loop3A_611 = arith.cmpf ole, %parallel_loop3A_609, %parallel_loop3A_546 : vector<16xf32>
          %parallel_loop3A_612 = arith.extui %parallel_loop3A_611 : vector<16xi1> to vector<16xi32>
          %parallel_loop3A_613 = arith.addi %parallel_loop3A_603, %parallel_loop3A_612 : vector<16xi32>
          %parallel_loop3A_614 = arith.cmpf ole, %parallel_loop3A_610, %parallel_loop3A_548 : vector<16xf32>
          %parallel_loop3A_615 = arith.extui %parallel_loop3A_614 : vector<16xi1> to vector<16xi32>
          %parallel_loop3A_616 = arith.addi %parallel_loop3A_606, %parallel_loop3A_615 : vector<16xi32>
          %parallel_loop3A_617 = arith.constant 6 : i32
          %parallel_loop3A_618 = vector.broadcast %parallel_loop3A_617 : i32 to vector<16xi32>
          %parallel_loop3A_619 = tpu.vector_load_idx %arg12[%parallel_loop3A_538, %parallel_loop3A_618] : memref<320x8xf32, #tpu.memory_space<vmem>>[vector<16xi32>, vector<16xi32>], vector<16xf32>,
          %parallel_loop3A_620 = tpu.vector_load_idx %arg13[%parallel_loop3A_538, %parallel_loop3A_618] : memref<320x8xf32, #tpu.memory_space<vmem>>[vector<16xi32>, vector<16xi32>], vector<16xf32>,
          %parallel_loop3A_621 = arith.cmpf ole, %parallel_loop3A_619, %parallel_loop3A_546 : vector<16xf32>
          %parallel_loop3A_622 = arith.extui %parallel_loop3A_621 : vector<16xi1> to vector<16xi32>
          %parallel_loop3A_623 = arith.addi %parallel_loop3A_613, %parallel_loop3A_622 : vector<16xi32>
          %parallel_loop3A_624 = arith.cmpf ole, %parallel_loop3A_620, %parallel_loop3A_548 : vector<16xf32>
          %parallel_loop3A_625 = arith.extui %parallel_loop3A_624 : vector<16xi1> to vector<16xi32>
          %parallel_loop3A_626 = arith.addi %parallel_loop3A_616, %parallel_loop3A_625 : vector<16xi32>
          %parallel_loop3A_627 = arith.constant 7 : i32
          %parallel_loop3A_628 = vector.broadcast %parallel_loop3A_627 : i32 to vector<16xi32>
          %parallel_loop3A_629 = tpu.vector_load_idx %arg12[%parallel_loop3A_538, %parallel_loop3A_628] : memref<320x8xf32, #tpu.memory_space<vmem>>[vector<16xi32>, vector<16xi32>], vector<16xf32>,
          %parallel_loop3A_630 = tpu.vector_load_idx %arg13[%parallel_loop3A_538, %parallel_loop3A_628] : memref<320x8xf32, #tpu.memory_space<vmem>>[vector<16xi32>, vector<16xi32>], vector<16xf32>,
          %parallel_loop3A_631 = arith.cmpf ole, %parallel_loop3A_629, %parallel_loop3A_546 : vector<16xf32>
          %parallel_loop3A_632 = arith.extui %parallel_loop3A_631 : vector<16xi1> to vector<16xi32>
          %parallel_loop3A_633 = arith.addi %parallel_loop3A_623, %parallel_loop3A_632 : vector<16xi32>
          %parallel_loop3A_634 = arith.cmpf ole, %parallel_loop3A_630, %parallel_loop3A_548 : vector<16xf32>
          %parallel_loop3A_635 = arith.extui %parallel_loop3A_634 : vector<16xi1> to vector<16xi32>
          %parallel_loop3A_636 = arith.addi %parallel_loop3A_626, %parallel_loop3A_635 : vector<16xi32>
          %parallel_loop3A_637 = arith.constant 1 : i32
          %parallel_loop3A_638 = vector.broadcast %parallel_loop3A_637 : i32 to vector<16xi32>
          %parallel_loop3A_639 = arith.subi %parallel_loop3A_550, %parallel_loop3A_638 : vector<16xi32>
          %parallel_loop3A_640 = arith.constant 0 : i32
          %parallel_loop3A_641 = vector.broadcast %parallel_loop3A_640 : i32 to vector<16xi32>
          %parallel_loop3A_642 = arith.maxsi %parallel_loop3A_639, %parallel_loop3A_641 : vector<16xi32>
          %parallel_loop3A_643 = arith.constant 1 : i32
          %parallel_loop3A_644 = vector.broadcast %parallel_loop3A_643 : i32 to vector<16xi32>
          %parallel_loop3A_645 = arith.subi %parallel_loop3A_552, %parallel_loop3A_644 : vector<16xi32>
          %parallel_loop3A_646 = arith.constant 0 : i32
          %parallel_loop3A_647 = vector.broadcast %parallel_loop3A_646 : i32 to vector<16xi32>
          %parallel_loop3A_648 = arith.maxsi %parallel_loop3A_645, %parallel_loop3A_647 : vector<16xi32>
          %parallel_loop3A_649 = arith.constant 1 : i32
          %parallel_loop3A_650 = vector.broadcast %parallel_loop3A_649 : i32 to vector<16xi32>
          %parallel_loop3A_651 = arith.maxsi %parallel_loop3A_633, %parallel_loop3A_650 : vector<16xi32>
          %parallel_loop3A_652 = arith.minsi %parallel_loop3A_651, %parallel_loop3A_642 : vector<16xi32>
          %parallel_loop3A_653 = arith.constant 1 : i32
          %parallel_loop3A_654 = vector.broadcast %parallel_loop3A_653 : i32 to vector<16xi32>
          %parallel_loop3A_655 = arith.maxsi %parallel_loop3A_636, %parallel_loop3A_654 : vector<16xi32>
          %parallel_loop3A_656 = arith.minsi %parallel_loop3A_655, %parallel_loop3A_648 : vector<16xi32>
          %parallel_loop3A_657 = arith.constant 1 : i32
          %parallel_loop3A_658 = vector.broadcast %parallel_loop3A_657 : i32 to vector<16xi32>
          %parallel_loop3A_659 = arith.subi %parallel_loop3A_652, %parallel_loop3A_658 : vector<16xi32>
          %parallel_loop3A_660 = arith.constant 1 : i32
          %parallel_loop3A_661 = vector.broadcast %parallel_loop3A_660 : i32 to vector<16xi32>
          %parallel_loop3A_662 = arith.subi %parallel_loop3A_656, %parallel_loop3A_661 : vector<16xi32>
          %parallel_loop3A_663 = tpu.vector_load_idx %arg12[%parallel_loop3A_538, %parallel_loop3A_659] : memref<320x8xf32, #tpu.memory_space<vmem>>[vector<16xi32>, vector<16xi32>], vector<16xf32>,
          %parallel_loop3A_664 = tpu.vector_load_idx %arg12[%parallel_loop3A_538, %parallel_loop3A_652] : memref<320x8xf32, #tpu.memory_space<vmem>>[vector<16xi32>, vector<16xi32>], vector<16xf32>,
          %parallel_loop3A_665 = tpu.vector_load_idx %arg13[%parallel_loop3A_538, %parallel_loop3A_662] : memref<320x8xf32, #tpu.memory_space<vmem>>[vector<16xi32>, vector<16xi32>], vector<16xf32>,
          %parallel_loop3A_666 = tpu.vector_load_idx %arg13[%parallel_loop3A_538, %parallel_loop3A_656] : memref<320x8xf32, #tpu.memory_space<vmem>>[vector<16xi32>, vector<16xi32>], vector<16xf32>,
          %parallel_loop3A_667 = arith.muli %parallel_loop3A_659, %parallel_loop3A_552 : vector<16xi32>
          %parallel_loop3A_668 = arith.addi %parallel_loop3A_667, %parallel_loop3A_662 : vector<16xi32>
          %parallel_loop3A_669 = arith.addi %parallel_loop3A_668, %parallel_loop3A_552 : vector<16xi32>
          %parallel_loop3A_670 = tpu.vector_load_idx %arg14[%parallel_loop3A_544, %parallel_loop3A_668] : memref<320x64xf32, #tpu.memory_space<vmem>>[vector<16xi32>, vector<16xi32>], vector<16xf32>,
          %parallel_loop3A_671 = arith.constant 1 : i32
          %parallel_loop3A_672 = vector.broadcast %parallel_loop3A_671 : i32 to vector<16xi32>
          %parallel_loop3A_673 = arith.addi %parallel_loop3A_668, %parallel_loop3A_672 : vector<16xi32>
          %parallel_loop3A_674 = tpu.vector_load_idx %arg14[%parallel_loop3A_544, %parallel_loop3A_673] : memref<320x64xf32, #tpu.memory_space<vmem>>[vector<16xi32>, vector<16xi32>], vector<16xf32>,
          %parallel_loop3A_675 = tpu.vector_load_idx %arg14[%parallel_loop3A_544, %parallel_loop3A_669] : memref<320x64xf32, #tpu.memory_space<vmem>>[vector<16xi32>, vector<16xi32>], vector<16xf32>,
          %parallel_loop3A_676 = arith.constant 1 : i32
          %parallel_loop3A_677 = vector.broadcast %parallel_loop3A_676 : i32 to vector<16xi32>
          %parallel_loop3A_678 = arith.addi %parallel_loop3A_669, %parallel_loop3A_677 : vector<16xi32>
          %parallel_loop3A_679 = tpu.vector_load_idx %arg14[%parallel_loop3A_544, %parallel_loop3A_678] : memref<320x64xf32, #tpu.memory_space<vmem>>[vector<16xi32>, vector<16xi32>], vector<16xf32>,
          %parallel_loop3A_680 = arith.subf %parallel_loop3A_664, %parallel_loop3A_663 : vector<16xf32>
          %parallel_loop3A_681 = arith.subf %parallel_loop3A_666, %parallel_loop3A_665 : vector<16xf32>
          %parallel_loop3A_682 = math.absf %parallel_loop3A_680 : vector<16xf32>
          %parallel_loop3A_683 = vector.broadcast %scan3A_179 : f32 to vector<16xf32>
          %parallel_loop3A_684 = arith.cmpf olt, %parallel_loop3A_682, %parallel_loop3A_683 : vector<16xf32>
          %parallel_loop3A_685 = math.absf %parallel_loop3A_681 : vector<16xf32>
          %parallel_loop3A_686 = vector.broadcast %scan3A_179 : f32 to vector<16xf32>
          %parallel_loop3A_687 = arith.cmpf olt, %parallel_loop3A_685, %parallel_loop3A_686 : vector<16xf32>
          %parallel_loop3A_688 = arith.maximumf %parallel_loop3A_663, %parallel_loop3A_546 : vector<16xf32>
          %parallel_loop3A_689 = arith.minimumf %parallel_loop3A_664, %parallel_loop3A_688 : vector<16xf32>
          %parallel_loop3A_690 = arith.maximumf %parallel_loop3A_665, %parallel_loop3A_548 : vector<16xf32>
          %parallel_loop3A_691 = arith.minimumf %parallel_loop3A_666, %parallel_loop3A_690 : vector<16xf32>
          %parallel_loop3A_692 = vector.broadcast %scan3A_179 : f32 to vector<16xf32>
          %parallel_loop3A_693 = arith.select %parallel_loop3A_684, %parallel_loop3A_692, %parallel_loop3A_680 : vector<16xi1>, vector<16xf32>
          %parallel_loop3A_694 = vector.broadcast %scan3A_179 : f32 to vector<16xf32>
          %parallel_loop3A_695 = arith.select %parallel_loop3A_687, %parallel_loop3A_694, %parallel_loop3A_681 : vector<16xi1>, vector<16xf32>
          %parallel_loop3A_696 = arith.constant 1.000000e+00 : f32
          %parallel_loop3A_697 = vector.broadcast %parallel_loop3A_696 : f32 to vector<16xf32>
          %parallel_loop3A_698 = arith.divf %parallel_loop3A_697, %parallel_loop3A_693 : vector<16xf32>
          %parallel_loop3A_699 = arith.constant 1.000000e+00 : f32
          %parallel_loop3A_700 = vector.broadcast %parallel_loop3A_699 : f32 to vector<16xf32>
          %parallel_loop3A_701 = arith.divf %parallel_loop3A_700, %parallel_loop3A_695 : vector<16xf32>
          %parallel_loop3A_702 = arith.mulf %parallel_loop3A_698, %parallel_loop3A_701 : vector<16xf32>
          %parallel_loop3A_703 = arith.subf %parallel_loop3A_689, %parallel_loop3A_663 : vector<16xf32>
          %parallel_loop3A_704 = arith.subf %parallel_loop3A_664, %parallel_loop3A_689 : vector<16xf32>
          %parallel_loop3A_705 = arith.subf %parallel_loop3A_691, %parallel_loop3A_665 : vector<16xf32>
          %parallel_loop3A_706 = arith.subf %parallel_loop3A_666, %parallel_loop3A_691 : vector<16xf32>
          %parallel_loop3A_707 = arith.mulf %parallel_loop3A_704, %parallel_loop3A_706 : vector<16xf32>
          %parallel_loop3A_708 = arith.mulf %parallel_loop3A_707, %parallel_loop3A_702 : vector<16xf32>
          %parallel_loop3A_709 = arith.mulf %parallel_loop3A_704, %parallel_loop3A_705 : vector<16xf32>
          %parallel_loop3A_710 = arith.mulf %parallel_loop3A_709, %parallel_loop3A_702 : vector<16xf32>
          %parallel_loop3A_711 = arith.mulf %parallel_loop3A_703, %parallel_loop3A_706 : vector<16xf32>
          %parallel_loop3A_712 = arith.mulf %parallel_loop3A_711, %parallel_loop3A_702 : vector<16xf32>
          %parallel_loop3A_713 = arith.mulf %parallel_loop3A_703, %parallel_loop3A_705 : vector<16xf32>
          %parallel_loop3A_714 = arith.mulf %parallel_loop3A_713, %parallel_loop3A_702 : vector<16xf32>
          %parallel_loop3A_715 = arith.mulf %parallel_loop3A_705, %parallel_loop3A_701 : vector<16xf32>
          %parallel_loop3A_716 = arith.constant 0.000000e+00 : f32
          %parallel_loop3A_717 = arith.constant 1.000000e+00 : f32
          %parallel_loop3A_718 = vector.broadcast %parallel_loop3A_716 : f32 to vector<16xf32>
          %parallel_loop3A_719 = arith.maximumf %parallel_loop3A_718, %parallel_loop3A_715 : vector<16xf32>
          %parallel_loop3A_720 = vector.broadcast %parallel_loop3A_717 : f32 to vector<16xf32>
          %parallel_loop3A_721 = arith.minimumf %parallel_loop3A_720, %parallel_loop3A_719 : vector<16xf32>
          %parallel_loop3A_722 = arith.mulf %parallel_loop3A_703, %parallel_loop3A_698 : vector<16xf32>
          %parallel_loop3A_723 = arith.constant 0.000000e+00 : f32
          %parallel_loop3A_724 = arith.constant 1.000000e+00 : f32
          %parallel_loop3A_725 = vector.broadcast %parallel_loop3A_723 : f32 to vector<16xf32>
          %parallel_loop3A_726 = arith.maximumf %parallel_loop3A_725, %parallel_loop3A_722 : vector<16xf32>
          %parallel_loop3A_727 = vector.broadcast %parallel_loop3A_724 : f32 to vector<16xf32>
          %parallel_loop3A_728 = arith.minimumf %parallel_loop3A_727, %parallel_loop3A_726 : vector<16xf32>
          %parallel_loop3A_729 = arith.constant 1.000000e+00 : f32
          %parallel_loop3A_730 = vector.broadcast %parallel_loop3A_729 : f32 to vector<16xf32>
          %parallel_loop3A_731 = arith.subf %parallel_loop3A_730, %parallel_loop3A_721 : vector<16xf32>
          %parallel_loop3A_732 = arith.constant 1.000000e+00 : f32
          %parallel_loop3A_733 = vector.broadcast %parallel_loop3A_732 : f32 to vector<16xf32>
          %parallel_loop3A_734 = arith.select %parallel_loop3A_687, %parallel_loop3A_733, %parallel_loop3A_731 : vector<16xi1>, vector<16xf32>
          %parallel_loop3A_735 = arith.constant 1.000000e+00 : f32
          %parallel_loop3A_736 = vector.broadcast %parallel_loop3A_735 : f32 to vector<16xf32>
          %parallel_loop3A_737 = arith.subf %parallel_loop3A_736, %parallel_loop3A_728 : vector<16xf32>
          %parallel_loop3A_738 = arith.select %parallel_loop3A_687, %parallel_loop3A_737, %parallel_loop3A_708 : vector<16xi1>, vector<16xf32>
          %parallel_loop3A_739 = arith.select %parallel_loop3A_684, %parallel_loop3A_734, %parallel_loop3A_738 : vector<16xi1>, vector<16xf32>
          %parallel_loop3A_740 = arith.constant 0.000000e+00 : f32
          %parallel_loop3A_741 = vector.broadcast %parallel_loop3A_740 : f32 to vector<16xf32>
          %parallel_loop3A_742 = arith.select %parallel_loop3A_687, %parallel_loop3A_741, %parallel_loop3A_721 : vector<16xi1>, vector<16xf32>
          %parallel_loop3A_743 = arith.constant 0.000000e+00 : f32
          %parallel_loop3A_744 = vector.broadcast %parallel_loop3A_743 : f32 to vector<16xf32>
          %parallel_loop3A_745 = arith.select %parallel_loop3A_687, %parallel_loop3A_744, %parallel_loop3A_710 : vector<16xi1>, vector<16xf32>
          %parallel_loop3A_746 = arith.select %parallel_loop3A_684, %parallel_loop3A_742, %parallel_loop3A_745 : vector<16xi1>, vector<16xf32>
          %parallel_loop3A_747 = arith.select %parallel_loop3A_687, %parallel_loop3A_728, %parallel_loop3A_712 : vector<16xi1>, vector<16xf32>
          %parallel_loop3A_748 = arith.constant 0.000000e+00 : f32
          %parallel_loop3A_749 = vector.broadcast %parallel_loop3A_748 : f32 to vector<16xf32>
          %parallel_loop3A_750 = arith.select %parallel_loop3A_684, %parallel_loop3A_749, %parallel_loop3A_747 : vector<16xi1>, vector<16xf32>
          %parallel_loop3A_751 = arith.constant 0.000000e+00 : f32
          %parallel_loop3A_752 = vector.broadcast %parallel_loop3A_751 : f32 to vector<16xf32>
          %parallel_loop3A_753 = arith.select %parallel_loop3A_687, %parallel_loop3A_752, %parallel_loop3A_714 : vector<16xi1>, vector<16xf32>
          %parallel_loop3A_754 = arith.constant 0.000000e+00 : f32
          %parallel_loop3A_755 = vector.broadcast %parallel_loop3A_754 : f32 to vector<16xf32>
          %parallel_loop3A_756 = arith.select %parallel_loop3A_684, %parallel_loop3A_755, %parallel_loop3A_753 : vector<16xi1>, vector<16xf32>
          %parallel_loop3A_757 = arith.mulf %parallel_loop3A_739, %parallel_loop3A_670 : vector<16xf32>
          %parallel_loop3A_758 = arith.mulf %parallel_loop3A_746, %parallel_loop3A_674 : vector<16xf32>
          %parallel_loop3A_759 = arith.addf %parallel_loop3A_757, %parallel_loop3A_758 : vector<16xf32>
          %parallel_loop3A_760 = arith.mulf %parallel_loop3A_750, %parallel_loop3A_675 : vector<16xf32>
          %parallel_loop3A_761 = arith.addf %parallel_loop3A_759, %parallel_loop3A_760 : vector<16xf32>
          %parallel_loop3A_762 = arith.mulf %parallel_loop3A_756, %parallel_loop3A_679 : vector<16xf32>
          %parallel_loop3A_763 = arith.addf %parallel_loop3A_761, %parallel_loop3A_762 : vector<16xf32>
          %parallel_loop3A_764 = arith.index_cast %parallel_loop3A_532 : i32 to index
          %parallel_loop3A_765 = tpu.vector_load %arg17[%parallel_loop3A_764] {strides = array<i32>} : memref<640xf32, #tpu.memory_space<vmem>>, vector<16xf32>,
          tpu.vector_store %arg17[%parallel_loop3A_764], %parallel_loop3A_763 {strides = array<i32>} : memref<640xf32, #tpu.memory_space<vmem>>, vector<16xf32>,
        } {sc.loop_unroll_factor = 2 : i64, sc.parallel_access}
        %lt3A_342 = arith.constant 2500 : i32
        %lt3A_343 = arith.cmpi slt, %add3A_205, %lt3A_342 : i32
        %convert_element_type3A_344 = arith.extui %lt3A_343 : i1 to i32
        %cond3A_345 = arith.constant 0 : i32
        %cond3A_346 = arith.cmpi ne, %convert_element_type3A_344, %cond3A_345 : i32
        scf.if %cond3A_346 {
          %mul3A_529 = arith.constant 320 : i32
          %mul3A_530 = arith.muli %add3A_205, %mul3A_529 : i32
          %add3A_531 = arith.constant 0 : i32
          %add3A_532 = arith.addi %mul3A_530, %add3A_531 : i32
          %dma_start3A_533 = arith.constant 0 : i32
          %dma_start3A_534 = arith.constant 0 : i32
          %dma_start3A_535 = arith.constant 0 : i32
          %dma_start3A_536 = tpu.memref_slice %arg12[%dma_start3A_534, %dma_start3A_535] : memref<320x8xf32, #tpu.memory_space<vmem>> -> memref<80x8xf32, #tpu.memory_space<vmem>>
          %dma_start3A_537 = arith.constant 0 : i32
          %dma_start3A_538 = tpu.memref_slice %arg4[%add3A_532, %dma_start3A_537] : memref<800000x8xf32, #tpu.memory_space<hbm>> -> memref<80x8xf32, #tpu.memory_space<hbm>>
          %dma_start3A_539 = tpu.memref_slice %arg19[%dma_start3A_533] : memref<4x!tpu.dma_semaphore, #tpu.memory_space<semaphore_mem>> -> memref<1x!tpu.dma_semaphore, #tpu.memory_space<semaphore_mem>>
          %dma_start3A_540 = tpu.memref_squeeze %dma_start3A_539 : memref<1x!tpu.dma_semaphore, #tpu.memory_space<semaphore_mem>> -> memref<!tpu.dma_semaphore, #tpu.memory_space<semaphore_mem>>
          %dma_start3A_541 = arith.constant 0 : i32
          %dma_start3A_542 = arith.constant 0 : i32
          %dma_start3A_543 = tpu.memref_slice %arg12[%dma_start3A_541, %dma_start3A_542] : memref<320x8xf32, #tpu.memory_space<vmem>> -> memref<80x8xf32, #tpu.memory_space<vmem>>
          %dma_start3A_544 = arith.constant 0 : i32
          %dma_start3A_545 = tpu.memref_slice %arg4[%add3A_532, %dma_start3A_544] : memref<800000x8xf32, #tpu.memory_space<hbm>> -> memref<80x8xf32, #tpu.memory_space<hbm>>
          tpu.enqueue_dma source(%dma_start3A_545 : memref<80x8xf32, #tpu.memory_space<hbm>>) target(%dma_start3A_543 : memref<80x8xf32, #tpu.memory_space<vmem>>) target_semaphore(%dma_start3A_540 : memref<!tpu.dma_semaphore, #tpu.memory_space<semaphore_mem>>)
          %dma_start3A_546 = arith.constant 0 : i32
          %dma_start3A_547 = arith.constant 0 : i32
          %dma_start3A_548 = arith.constant 0 : i32
          %dma_start3A_549 = tpu.memref_slice %arg13[%dma_start3A_547, %dma_start3A_548] : memref<320x8xf32, #tpu.memory_space<vmem>> -> memref<80x8xf32, #tpu.memory_space<vmem>>
          %dma_start3A_550 = arith.constant 0 : i32
          %dma_start3A_551 = tpu.memref_slice %arg5[%add3A_532, %dma_start3A_550] : memref<800000x8xf32, #tpu.memory_space<hbm>> -> memref<80x8xf32, #tpu.memory_space<hbm>>
          %dma_start3A_552 = tpu.memref_slice %arg19[%dma_start3A_546] : memref<4x!tpu.dma_semaphore, #tpu.memory_space<semaphore_mem>> -> memref<1x!tpu.dma_semaphore, #tpu.memory_space<semaphore_mem>>
          %dma_start3A_553 = tpu.memref_squeeze %dma_start3A_552 : memref<1x!tpu.dma_semaphore, #tpu.memory_space<semaphore_mem>> -> memref<!tpu.dma_semaphore, #tpu.memory_space<semaphore_mem>>
          %dma_start3A_554 = arith.constant 0 : i32
          %dma_start3A_555 = arith.constant 0 : i32
          %dma_start3A_556 = tpu.memref_slice %arg13[%dma_start3A_554, %dma_start3A_555] : memref<320x8xf32, #tpu.memory_space<vmem>> -> memref<80x8xf32, #tpu.memory_space<vmem>>
          %dma_start3A_557 = arith.constant 0 : i32
          %dma_start3A_558 = tpu.memref_slice %arg5[%add3A_532, %dma_start3A_557] : memref<800000x8xf32, #tpu.memory_space<hbm>> -> memref<80x8xf32, #tpu.memory_space<hbm>>
          tpu.enqueue_dma source(%dma_start3A_558 : memref<80x8xf32, #tpu.memory_space<hbm>>) target(%dma_start3A_556 : memref<80x8xf32, #tpu.memory_space<vmem>>) target_semaphore(%dma_start3A_553 : memref<!tpu.dma_semaphore, #tpu.memory_space<semaphore_mem>>)
          %mul3A_559 = arith.constant 320 : i32
          %mul3A_560 = arith.muli %add3A_205, %mul3A_559 : i32
          %add3A_561 = arith.constant 0 : i32
          %add3A_562 = arith.addi %mul3A_560, %add3A_561 : i32
          %dma_start3A_563 = arith.constant 0 : i32
          %dma_start3A_564 = arith.constant 0 : i32
          %dma_start3A_565 = arith.constant 0 : i32
          %dma_start3A_566 = tpu.memref_slice %arg14[%dma_start3A_564, %dma_start3A_565] : memref<320x64xf32, #tpu.memory_space<vmem>> -> memref<80x64xf32, #tpu.memory_space<vmem>>
          %dma_start3A_567 = arith.constant 0 : i32
          %dma_start3A_568 = tpu.memref_slice %arg6[%add3A_562, %dma_start3A_567] : memref<800000x64xf32, #tpu.memory_space<hbm>> -> memref<80x64xf32, #tpu.memory_space<hbm>>
          %dma_start3A_569 = tpu.memref_slice %arg20[%dma_start3A_563] : memref<4x!tpu.dma_semaphore, #tpu.memory_space<semaphore_mem>> -> memref<1x!tpu.dma_semaphore, #tpu.memory_space<semaphore_mem>>
          %dma_start3A_570 = tpu.memref_squeeze %dma_start3A_569 : memref<1x!tpu.dma_semaphore, #tpu.memory_space<semaphore_mem>> -> memref<!tpu.dma_semaphore, #tpu.memory_space<semaphore_mem>>
          %dma_start3A_571 = arith.constant 0 : i32
          %dma_start3A_572 = arith.constant 0 : i32
          %dma_start3A_573 = tpu.memref_slice %arg14[%dma_start3A_571, %dma_start3A_572] : memref<320x64xf32, #tpu.memory_space<vmem>> -> memref<80x64xf32, #tpu.memory_space<vmem>>
          %dma_start3A_574 = arith.constant 0 : i32
          %dma_start3A_575 = tpu.memref_slice %arg6[%add3A_562, %dma_start3A_574] : memref<800000x64xf32, #tpu.memory_space<hbm>> -> memref<80x64xf32, #tpu.memory_space<hbm>>
          tpu.enqueue_dma source(%dma_start3A_575 : memref<80x64xf32, #tpu.memory_space<hbm>>) target(%dma_start3A_573 : memref<80x64xf32, #tpu.memory_space<vmem>>) target_semaphore(%dma_start3A_570 : memref<!tpu.dma_semaphore, #tpu.memory_space<semaphore_mem>>)
        } else {
        }
        %mul3A_347 = arith.constant 320 : i32
        %mul3A_348 = arith.muli %add3A_200, %mul3A_347 : i32
        %add3A_349 = arith.constant 80 : i32
        %add3A_350 = arith.addi %mul3A_348, %add3A_349 : i32
        %dma_wait3A_351 = arith.constant 1 : i32
        %dma_wait3A_352 = arith.constant 80 : i32
        %dma_wait3A_353 = arith.constant 0 : i32
        %dma_wait3A_354 = tpu.memref_slice %arg12[%dma_wait3A_352, %dma_wait3A_353] : memref<320x8xf32, #tpu.memory_space<vmem>> -> memref<80x8xf32, #tpu.memory_space<vmem>>
        %dma_wait3A_355 = arith.constant 0 : i32
        %dma_wait3A_356 = tpu.memref_slice %arg4[%add3A_350, %dma_wait3A_355] : memref<800000x8xf32, #tpu.memory_space<hbm>> -> memref<80x8xf32, #tpu.memory_space<hbm>>
        %dma_wait3A_357 = tpu.memref_slice %arg19[%dma_wait3A_351] : memref<4x!tpu.dma_semaphore, #tpu.memory_space<semaphore_mem>> -> memref<1x!tpu.dma_semaphore, #tpu.memory_space<semaphore_mem>>
        %dma_wait3A_358 = tpu.memref_squeeze %dma_wait3A_357 : memref<1x!tpu.dma_semaphore, #tpu.memory_space<semaphore_mem>> -> memref<!tpu.dma_semaphore, #tpu.memory_space<semaphore_mem>>
        %dma_wait3A_359 = arith.constant 80 : i32
        %dma_wait3A_360 = arith.constant 0 : i32
        %dma_wait3A_361 = tpu.memref_slice %arg12[%dma_wait3A_359, %dma_wait3A_360] : memref<320x8xf32, #tpu.memory_space<vmem>> -> memref<80x8xf32, #tpu.memory_space<vmem>>
        %dma_wait3A_362 = arith.constant 0 : i32
        %dma_wait3A_363 = tpu.memref_slice %arg4[%add3A_350, %dma_wait3A_362] : memref<800000x8xf32, #tpu.memory_space<hbm>> -> memref<80x8xf32, #tpu.memory_space<hbm>>
        tpu.wait_dma2 semaphore(%dma_wait3A_358 : memref<!tpu.dma_semaphore, #tpu.memory_space<semaphore_mem>>) src(%dma_wait3A_363 : memref<80x8xf32, #tpu.memory_space<hbm>>) dst(%dma_wait3A_361 : memref<80x8xf32, #tpu.memory_space<vmem>>)
        %dma_wait3A_364 = arith.constant 1 : i32
        %dma_wait3A_365 = arith.constant 80 : i32
        %dma_wait3A_366 = arith.constant 0 : i32
        %dma_wait3A_367 = tpu.memref_slice %arg13[%dma_wait3A_365, %dma_wait3A_366] : memref<320x8xf32, #tpu.memory_space<vmem>> -> memref<80x8xf32, #tpu.memory_space<vmem>>
        %dma_wait3A_368 = arith.constant 0 : i32
        %dma_wait3A_369 = tpu.memref_slice %arg5[%add3A_350, %dma_wait3A_368] : memref<800000x8xf32, #tpu.memory_space<hbm>> -> memref<80x8xf32, #tpu.memory_space<hbm>>
        %dma_wait3A_370 = tpu.memref_slice %arg19[%dma_wait3A_364] : memref<4x!tpu.dma_semaphore, #tpu.memory_space<semaphore_mem>> -> memref<1x!tpu.dma_semaphore, #tpu.memory_space<semaphore_mem>>
        %dma_wait3A_371 = tpu.memref_squeeze %dma_wait3A_370 : memref<1x!tpu.dma_semaphore, #tpu.memory_space<semaphore_mem>> -> memref<!tpu.dma_semaphore, #tpu.memory_space<semaphore_mem>>
        %dma_wait3A_372 = arith.constant 80 : i32
        %dma_wait3A_373 = arith.constant 0 : i32
        %dma_wait3A_374 = tpu.memref_slice %arg13[%dma_wait3A_372, %dma_wait3A_373] : memref<320x8xf32, #tpu.memory_space<vmem>> -> memref<80x8xf32, #tpu.memory_space<vmem>>
        %dma_wait3A_375 = arith.constant 0 : i32
        %dma_wait3A_376 = tpu.memref_slice %arg5[%add3A_350, %dma_wait3A_375] : memref<800000x8xf32, #tpu.memory_space<hbm>> -> memref<80x8xf32, #tpu.memory_space<hbm>>
        tpu.wait_dma2 semaphore(%dma_wait3A_371 : memref<!tpu.dma_semaphore, #tpu.memory_space<semaphore_mem>>) src(%dma_wait3A_376 : memref<80x8xf32, #tpu.memory_space<hbm>>) dst(%dma_wait3A_374 : memref<80x8xf32, #tpu.memory_space<vmem>>)
        %mul3A_377 = arith.constant 320 : i32
        %mul3A_378 = arith.muli %add3A_200, %mul3A_377 : i32
        %add3A_379 = arith.constant 80 : i32
        %add3A_380 = arith.addi %mul3A_378, %add3A_379 : i32
        %dma_wait3A_381 = arith.constant 1 : i32
        %dma_wait3A_382 = arith.constant 80 : i32
        %dma_wait3A_383 = arith.constant 0 : i32
        %dma_wait3A_384 = tpu.memref_slice %arg14[%dma_wait3A_382, %dma_wait3A_383] : memref<320x64xf32, #tpu.memory_space<vmem>> -> memref<80x64xf32, #tpu.memory_space<vmem>>
        %dma_wait3A_385 = arith.constant 0 : i32
        %dma_wait3A_386 = tpu.memref_slice %arg6[%add3A_380, %dma_wait3A_385] : memref<800000x64xf32, #tpu.memory_space<hbm>> -> memref<80x64xf32, #tpu.memory_space<hbm>>
        %dma_wait3A_387 = tpu.memref_slice %arg20[%dma_wait3A_381] : memref<4x!tpu.dma_semaphore, #tpu.memory_space<semaphore_mem>> -> memref<1x!tpu.dma_semaphore, #tpu.memory_space<semaphore_mem>>
        %dma_wait3A_388 = tpu.memref_squeeze %dma_wait3A_387 : memref<1x!tpu.dma_semaphore, #tpu.memory_space<semaphore_mem>> -> memref<!tpu.dma_semaphore, #tpu.memory_space<semaphore_mem>>
        %dma_wait3A_389 = arith.constant 80 : i32
        %dma_wait3A_390 = arith.constant 0 : i32
        %dma_wait3A_391 = tpu.memref_slice %arg14[%dma_wait3A_389, %dma_wait3A_390] : memref<320x64xf32, #tpu.memory_space<vmem>> -> memref<80x64xf32, #tpu.memory_space<vmem>>
        %dma_wait3A_392 = arith.constant 0 : i32
        %dma_wait3A_393 = tpu.memref_slice %arg6[%add3A_380, %dma_wait3A_392] : memref<800000x64xf32, #tpu.memory_space<hbm>> -> memref<80x64xf32, #tpu.memory_space<hbm>>
        tpu.wait_dma2 semaphore(%dma_wait3A_388 : memref<!tpu.dma_semaphore, #tpu.memory_space<semaphore_mem>>) src(%dma_wait3A_393 : memref<80x64xf32, #tpu.memory_space<hbm>>) dst(%dma_wait3A_391 : memref<80x64xf32, #tpu.memory_space<vmem>>)
        %mul3A_394 = arith.constant 320 : i32
        %mul3A_395 = arith.muli %and3A_201, %mul3A_394 : i32
        %add3A_396 = arith.constant 80 : i32
        %add3A_397 = arith.addi %mul3A_395, %add3A_396 : i32
        %parallel_loop3A_398 = arith.constant 0 : i32
        %parallel_loop3A_399 = arith.constant 5 : i32
        %parallel_loop3A_400 = arith.constant 1 : i32
        scf.for %parallel_loop3A_529 = %parallel_loop3A_398 to %parallel_loop3A_399 step %parallel_loop3A_400  : i32 {
          %parallel_loop3A_530 = arith.constant 16 : i32
          %parallel_loop3A_531 = arith.muli %parallel_loop3A_529, %parallel_loop3A_530 : i32
          %parallel_loop3A_532 = arith.addi %add3A_397, %parallel_loop3A_531 : i32
          %parallel_loop3A_533 = arith.constant 16 : i32
          %parallel_loop3A_534 = arith.muli %parallel_loop3A_529, %parallel_loop3A_533 : i32
          %parallel_loop3A_535 = arith.constant 80 : i32
          %parallel_loop3A_536 = arith.addi %parallel_loop3A_535, %parallel_loop3A_534 : i32
          %parallel_loop3A_537 = vector.broadcast %parallel_loop3A_536 : i32 to vector<16xi32>
          %parallel_loop3A_538 = arith.addi %parallel_loop3A_537, %iota3A : vector<16xi32>
          %parallel_loop3A_539 = arith.constant 16 : i32
          %parallel_loop3A_540 = arith.muli %parallel_loop3A_529, %parallel_loop3A_539 : i32
          %parallel_loop3A_541 = arith.constant 80 : i32
          %parallel_loop3A_542 = arith.addi %parallel_loop3A_541, %parallel_loop3A_540 : i32
          %parallel_loop3A_543 = vector.broadcast %parallel_loop3A_542 : i32 to vector<16xi32>
          %parallel_loop3A_544 = arith.addi %parallel_loop3A_543, %iota3A : vector<16xi32>
          %parallel_loop3A_545 = arith.index_cast %parallel_loop3A_532 : i32 to index
          %parallel_loop3A_546 = tpu.vector_load %arg10[%parallel_loop3A_545] {strides = array<i32>} : memref<640xf32, #tpu.memory_space<vmem>>, vector<16xf32>,
          %parallel_loop3A_547 = arith.index_cast %parallel_loop3A_532 : i32 to index
          %parallel_loop3A_548 = tpu.vector_load %arg11[%parallel_loop3A_547] {strides = array<i32>} : memref<640xf32, #tpu.memory_space<vmem>>, vector<16xf32>,
          %parallel_loop3A_549 = arith.index_cast %parallel_loop3A_532 : i32 to index
          %parallel_loop3A_550 = tpu.vector_load %arg15[%parallel_loop3A_549] {strides = array<i32>} : memref<640xi32, #tpu.memory_space<vmem>>, vector<16xi32>,
          %parallel_loop3A_551 = arith.index_cast %parallel_loop3A_532 : i32 to index
          %parallel_loop3A_552 = tpu.vector_load %arg16[%parallel_loop3A_551] {strides = array<i32>} : memref<640xi32, #tpu.memory_space<vmem>>, vector<16xi32>,
          %parallel_loop3A_553 = arith.constant 0 : i32
          %parallel_loop3A_554 = vector.broadcast %parallel_loop3A_553 : i32 to vector<16xi32>
          %parallel_loop3A_555 = arith.constant 0 : i32
          %parallel_loop3A_556 = vector.broadcast %parallel_loop3A_555 : i32 to vector<16xi32>
          %parallel_loop3A_557 = arith.constant 0 : i32
          %parallel_loop3A_558 = vector.broadcast %parallel_loop3A_557 : i32 to vector<16xi32>
          %parallel_loop3A_559 = tpu.vector_load_idx %arg12[%parallel_loop3A_538, %parallel_loop3A_558] : memref<320x8xf32, #tpu.memory_space<vmem>>[vector<16xi32>, vector<16xi32>], vector<16xf32>,
          %parallel_loop3A_560 = tpu.vector_load_idx %arg13[%parallel_loop3A_538, %parallel_loop3A_558] : memref<320x8xf32, #tpu.memory_space<vmem>>[vector<16xi32>, vector<16xi32>], vector<16xf32>,
          %parallel_loop3A_561 = arith.cmpf ole, %parallel_loop3A_559, %parallel_loop3A_546 : vector<16xf32>
          %parallel_loop3A_562 = arith.extui %parallel_loop3A_561 : vector<16xi1> to vector<16xi32>
          %parallel_loop3A_563 = arith.addi %parallel_loop3A_554, %parallel_loop3A_562 : vector<16xi32>
          %parallel_loop3A_564 = arith.cmpf ole, %parallel_loop3A_560, %parallel_loop3A_548 : vector<16xf32>
          %parallel_loop3A_565 = arith.extui %parallel_loop3A_564 : vector<16xi1> to vector<16xi32>
          %parallel_loop3A_566 = arith.addi %parallel_loop3A_556, %parallel_loop3A_565 : vector<16xi32>
          %parallel_loop3A_567 = arith.constant 1 : i32
          %parallel_loop3A_568 = vector.broadcast %parallel_loop3A_567 : i32 to vector<16xi32>
          %parallel_loop3A_569 = tpu.vector_load_idx %arg12[%parallel_loop3A_538, %parallel_loop3A_568] : memref<320x8xf32, #tpu.memory_space<vmem>>[vector<16xi32>, vector<16xi32>], vector<16xf32>,
          %parallel_loop3A_570 = tpu.vector_load_idx %arg13[%parallel_loop3A_538, %parallel_loop3A_568] : memref<320x8xf32, #tpu.memory_space<vmem>>[vector<16xi32>, vector<16xi32>], vector<16xf32>,
          %parallel_loop3A_571 = arith.cmpf ole, %parallel_loop3A_569, %parallel_loop3A_546 : vector<16xf32>
          %parallel_loop3A_572 = arith.extui %parallel_loop3A_571 : vector<16xi1> to vector<16xi32>
          %parallel_loop3A_573 = arith.addi %parallel_loop3A_563, %parallel_loop3A_572 : vector<16xi32>
          %parallel_loop3A_574 = arith.cmpf ole, %parallel_loop3A_570, %parallel_loop3A_548 : vector<16xf32>
          %parallel_loop3A_575 = arith.extui %parallel_loop3A_574 : vector<16xi1> to vector<16xi32>
          %parallel_loop3A_576 = arith.addi %parallel_loop3A_566, %parallel_loop3A_575 : vector<16xi32>
          %parallel_loop3A_577 = arith.constant 2 : i32
          %parallel_loop3A_578 = vector.broadcast %parallel_loop3A_577 : i32 to vector<16xi32>
          %parallel_loop3A_579 = tpu.vector_load_idx %arg12[%parallel_loop3A_538, %parallel_loop3A_578] : memref<320x8xf32, #tpu.memory_space<vmem>>[vector<16xi32>, vector<16xi32>], vector<16xf32>,
          %parallel_loop3A_580 = tpu.vector_load_idx %arg13[%parallel_loop3A_538, %parallel_loop3A_578] : memref<320x8xf32, #tpu.memory_space<vmem>>[vector<16xi32>, vector<16xi32>], vector<16xf32>,
          %parallel_loop3A_581 = arith.cmpf ole, %parallel_loop3A_579, %parallel_loop3A_546 : vector<16xf32>
          %parallel_loop3A_582 = arith.extui %parallel_loop3A_581 : vector<16xi1> to vector<16xi32>
          %parallel_loop3A_583 = arith.addi %parallel_loop3A_573, %parallel_loop3A_582 : vector<16xi32>
          %parallel_loop3A_584 = arith.cmpf ole, %parallel_loop3A_580, %parallel_loop3A_548 : vector<16xf32>
          %parallel_loop3A_585 = arith.extui %parallel_loop3A_584 : vector<16xi1> to vector<16xi32>
          %parallel_loop3A_586 = arith.addi %parallel_loop3A_576, %parallel_loop3A_585 : vector<16xi32>
          %parallel_loop3A_587 = arith.constant 3 : i32
          %parallel_loop3A_588 = vector.broadcast %parallel_loop3A_587 : i32 to vector<16xi32>
          %parallel_loop3A_589 = tpu.vector_load_idx %arg12[%parallel_loop3A_538, %parallel_loop3A_588] : memref<320x8xf32, #tpu.memory_space<vmem>>[vector<16xi32>, vector<16xi32>], vector<16xf32>,
          %parallel_loop3A_590 = tpu.vector_load_idx %arg13[%parallel_loop3A_538, %parallel_loop3A_588] : memref<320x8xf32, #tpu.memory_space<vmem>>[vector<16xi32>, vector<16xi32>], vector<16xf32>,
          %parallel_loop3A_591 = arith.cmpf ole, %parallel_loop3A_589, %parallel_loop3A_546 : vector<16xf32>
          %parallel_loop3A_592 = arith.extui %parallel_loop3A_591 : vector<16xi1> to vector<16xi32>
          %parallel_loop3A_593 = arith.addi %parallel_loop3A_583, %parallel_loop3A_592 : vector<16xi32>
          %parallel_loop3A_594 = arith.cmpf ole, %parallel_loop3A_590, %parallel_loop3A_548 : vector<16xf32>
          %parallel_loop3A_595 = arith.extui %parallel_loop3A_594 : vector<16xi1> to vector<16xi32>
          %parallel_loop3A_596 = arith.addi %parallel_loop3A_586, %parallel_loop3A_595 : vector<16xi32>
          %parallel_loop3A_597 = arith.constant 4 : i32
          %parallel_loop3A_598 = vector.broadcast %parallel_loop3A_597 : i32 to vector<16xi32>
          %parallel_loop3A_599 = tpu.vector_load_idx %arg12[%parallel_loop3A_538, %parallel_loop3A_598] : memref<320x8xf32, #tpu.memory_space<vmem>>[vector<16xi32>, vector<16xi32>], vector<16xf32>,
          %parallel_loop3A_600 = tpu.vector_load_idx %arg13[%parallel_loop3A_538, %parallel_loop3A_598] : memref<320x8xf32, #tpu.memory_space<vmem>>[vector<16xi32>, vector<16xi32>], vector<16xf32>,
          %parallel_loop3A_601 = arith.cmpf ole, %parallel_loop3A_599, %parallel_loop3A_546 : vector<16xf32>
          %parallel_loop3A_602 = arith.extui %parallel_loop3A_601 : vector<16xi1> to vector<16xi32>
          %parallel_loop3A_603 = arith.addi %parallel_loop3A_593, %parallel_loop3A_602 : vector<16xi32>
          %parallel_loop3A_604 = arith.cmpf ole, %parallel_loop3A_600, %parallel_loop3A_548 : vector<16xf32>
          %parallel_loop3A_605 = arith.extui %parallel_loop3A_604 : vector<16xi1> to vector<16xi32>
          %parallel_loop3A_606 = arith.addi %parallel_loop3A_596, %parallel_loop3A_605 : vector<16xi32>
          %parallel_loop3A_607 = arith.constant 5 : i32
          %parallel_loop3A_608 = vector.broadcast %parallel_loop3A_607 : i32 to vector<16xi32>
          %parallel_loop3A_609 = tpu.vector_load_idx %arg12[%parallel_loop3A_538, %parallel_loop3A_608] : memref<320x8xf32, #tpu.memory_space<vmem>>[vector<16xi32>, vector<16xi32>], vector<16xf32>,
          %parallel_loop3A_610 = tpu.vector_load_idx %arg13[%parallel_loop3A_538, %parallel_loop3A_608] : memref<320x8xf32, #tpu.memory_space<vmem>>[vector<16xi32>, vector<16xi32>], vector<16xf32>,
          %parallel_loop3A_611 = arith.cmpf ole, %parallel_loop3A_609, %parallel_loop3A_546 : vector<16xf32>
          %parallel_loop3A_612 = arith.extui %parallel_loop3A_611 : vector<16xi1> to vector<16xi32>
          %parallel_loop3A_613 = arith.addi %parallel_loop3A_603, %parallel_loop3A_612 : vector<16xi32>
          %parallel_loop3A_614 = arith.cmpf ole, %parallel_loop3A_610, %parallel_loop3A_548 : vector<16xf32>
          %parallel_loop3A_615 = arith.extui %parallel_loop3A_614 : vector<16xi1> to vector<16xi32>
          %parallel_loop3A_616 = arith.addi %parallel_loop3A_606, %parallel_loop3A_615 : vector<16xi32>
          %parallel_loop3A_617 = arith.constant 6 : i32
          %parallel_loop3A_618 = vector.broadcast %parallel_loop3A_617 : i32 to vector<16xi32>
          %parallel_loop3A_619 = tpu.vector_load_idx %arg12[%parallel_loop3A_538, %parallel_loop3A_618] : memref<320x8xf32, #tpu.memory_space<vmem>>[vector<16xi32>, vector<16xi32>], vector<16xf32>,
          %parallel_loop3A_620 = tpu.vector_load_idx %arg13[%parallel_loop3A_538, %parallel_loop3A_618] : memref<320x8xf32, #tpu.memory_space<vmem>>[vector<16xi32>, vector<16xi32>], vector<16xf32>,
          %parallel_loop3A_621 = arith.cmpf ole, %parallel_loop3A_619, %parallel_loop3A_546 : vector<16xf32>
          %parallel_loop3A_622 = arith.extui %parallel_loop3A_621 : vector<16xi1> to vector<16xi32>
          %parallel_loop3A_623 = arith.addi %parallel_loop3A_613, %parallel_loop3A_622 : vector<16xi32>
          %parallel_loop3A_624 = arith.cmpf ole, %parallel_loop3A_620, %parallel_loop3A_548 : vector<16xf32>
          %parallel_loop3A_625 = arith.extui %parallel_loop3A_624 : vector<16xi1> to vector<16xi32>
          %parallel_loop3A_626 = arith.addi %parallel_loop3A_616, %parallel_loop3A_625 : vector<16xi32>
          %parallel_loop3A_627 = arith.constant 7 : i32
          %parallel_loop3A_628 = vector.broadcast %parallel_loop3A_627 : i32 to vector<16xi32>
          %parallel_loop3A_629 = tpu.vector_load_idx %arg12[%parallel_loop3A_538, %parallel_loop3A_628] : memref<320x8xf32, #tpu.memory_space<vmem>>[vector<16xi32>, vector<16xi32>], vector<16xf32>,
          %parallel_loop3A_630 = tpu.vector_load_idx %arg13[%parallel_loop3A_538, %parallel_loop3A_628] : memref<320x8xf32, #tpu.memory_space<vmem>>[vector<16xi32>, vector<16xi32>], vector<16xf32>,
          %parallel_loop3A_631 = arith.cmpf ole, %parallel_loop3A_629, %parallel_loop3A_546 : vector<16xf32>
          %parallel_loop3A_632 = arith.extui %parallel_loop3A_631 : vector<16xi1> to vector<16xi32>
          %parallel_loop3A_633 = arith.addi %parallel_loop3A_623, %parallel_loop3A_632 : vector<16xi32>
          %parallel_loop3A_634 = arith.cmpf ole, %parallel_loop3A_630, %parallel_loop3A_548 : vector<16xf32>
          %parallel_loop3A_635 = arith.extui %parallel_loop3A_634 : vector<16xi1> to vector<16xi32>
          %parallel_loop3A_636 = arith.addi %parallel_loop3A_626, %parallel_loop3A_635 : vector<16xi32>
          %parallel_loop3A_637 = arith.constant 1 : i32
          %parallel_loop3A_638 = vector.broadcast %parallel_loop3A_637 : i32 to vector<16xi32>
          %parallel_loop3A_639 = arith.subi %parallel_loop3A_550, %parallel_loop3A_638 : vector<16xi32>
          %parallel_loop3A_640 = arith.constant 0 : i32
          %parallel_loop3A_641 = vector.broadcast %parallel_loop3A_640 : i32 to vector<16xi32>
          %parallel_loop3A_642 = arith.maxsi %parallel_loop3A_639, %parallel_loop3A_641 : vector<16xi32>
          %parallel_loop3A_643 = arith.constant 1 : i32
          %parallel_loop3A_644 = vector.broadcast %parallel_loop3A_643 : i32 to vector<16xi32>
          %parallel_loop3A_645 = arith.subi %parallel_loop3A_552, %parallel_loop3A_644 : vector<16xi32>
          %parallel_loop3A_646 = arith.constant 0 : i32
          %parallel_loop3A_647 = vector.broadcast %parallel_loop3A_646 : i32 to vector<16xi32>
          %parallel_loop3A_648 = arith.maxsi %parallel_loop3A_645, %parallel_loop3A_647 : vector<16xi32>
          %parallel_loop3A_649 = arith.constant 1 : i32
          %parallel_loop3A_650 = vector.broadcast %parallel_loop3A_649 : i32 to vector<16xi32>
          %parallel_loop3A_651 = arith.maxsi %parallel_loop3A_633, %parallel_loop3A_650 : vector<16xi32>
          %parallel_loop3A_652 = arith.minsi %parallel_loop3A_651, %parallel_loop3A_642 : vector<16xi32>
          %parallel_loop3A_653 = arith.constant 1 : i32
          %parallel_loop3A_654 = vector.broadcast %parallel_loop3A_653 : i32 to vector<16xi32>
          %parallel_loop3A_655 = arith.maxsi %parallel_loop3A_636, %parallel_loop3A_654 : vector<16xi32>
          %parallel_loop3A_656 = arith.minsi %parallel_loop3A_655, %parallel_loop3A_648 : vector<16xi32>
          %parallel_loop3A_657 = arith.constant 1 : i32
          %parallel_loop3A_658 = vector.broadcast %parallel_loop3A_657 : i32 to vector<16xi32>
          %parallel_loop3A_659 = arith.subi %parallel_loop3A_652, %parallel_loop3A_658 : vector<16xi32>
          %parallel_loop3A_660 = arith.constant 1 : i32
          %parallel_loop3A_661 = vector.broadcast %parallel_loop3A_660 : i32 to vector<16xi32>
          %parallel_loop3A_662 = arith.subi %parallel_loop3A_656, %parallel_loop3A_661 : vector<16xi32>
          %parallel_loop3A_663 = tpu.vector_load_idx %arg12[%parallel_loop3A_538, %parallel_loop3A_659] : memref<320x8xf32, #tpu.memory_space<vmem>>[vector<16xi32>, vector<16xi32>], vector<16xf32>,
          %parallel_loop3A_664 = tpu.vector_load_idx %arg12[%parallel_loop3A_538, %parallel_loop3A_652] : memref<320x8xf32, #tpu.memory_space<vmem>>[vector<16xi32>, vector<16xi32>], vector<16xf32>,
          %parallel_loop3A_665 = tpu.vector_load_idx %arg13[%parallel_loop3A_538, %parallel_loop3A_662] : memref<320x8xf32, #tpu.memory_space<vmem>>[vector<16xi32>, vector<16xi32>], vector<16xf32>,
          %parallel_loop3A_666 = tpu.vector_load_idx %arg13[%parallel_loop3A_538, %parallel_loop3A_656] : memref<320x8xf32, #tpu.memory_space<vmem>>[vector<16xi32>, vector<16xi32>], vector<16xf32>,
          %parallel_loop3A_667 = arith.muli %parallel_loop3A_659, %parallel_loop3A_552 : vector<16xi32>
          %parallel_loop3A_668 = arith.addi %parallel_loop3A_667, %parallel_loop3A_662 : vector<16xi32>
          %parallel_loop3A_669 = arith.addi %parallel_loop3A_668, %parallel_loop3A_552 : vector<16xi32>
          %parallel_loop3A_670 = tpu.vector_load_idx %arg14[%parallel_loop3A_544, %parallel_loop3A_668] : memref<320x64xf32, #tpu.memory_space<vmem>>[vector<16xi32>, vector<16xi32>], vector<16xf32>,
          %parallel_loop3A_671 = arith.constant 1 : i32
          %parallel_loop3A_672 = vector.broadcast %parallel_loop3A_671 : i32 to vector<16xi32>
          %parallel_loop3A_673 = arith.addi %parallel_loop3A_668, %parallel_loop3A_672 : vector<16xi32>
          %parallel_loop3A_674 = tpu.vector_load_idx %arg14[%parallel_loop3A_544, %parallel_loop3A_673] : memref<320x64xf32, #tpu.memory_space<vmem>>[vector<16xi32>, vector<16xi32>], vector<16xf32>,
          %parallel_loop3A_675 = tpu.vector_load_idx %arg14[%parallel_loop3A_544, %parallel_loop3A_669] : memref<320x64xf32, #tpu.memory_space<vmem>>[vector<16xi32>, vector<16xi32>], vector<16xf32>,
          %parallel_loop3A_676 = arith.constant 1 : i32
          %parallel_loop3A_677 = vector.broadcast %parallel_loop3A_676 : i32 to vector<16xi32>
          %parallel_loop3A_678 = arith.addi %parallel_loop3A_669, %parallel_loop3A_677 : vector<16xi32>
          %parallel_loop3A_679 = tpu.vector_load_idx %arg14[%parallel_loop3A_544, %parallel_loop3A_678] : memref<320x64xf32, #tpu.memory_space<vmem>>[vector<16xi32>, vector<16xi32>], vector<16xf32>,
          %parallel_loop3A_680 = arith.subf %parallel_loop3A_664, %parallel_loop3A_663 : vector<16xf32>
          %parallel_loop3A_681 = arith.subf %parallel_loop3A_666, %parallel_loop3A_665 : vector<16xf32>
          %parallel_loop3A_682 = math.absf %parallel_loop3A_680 : vector<16xf32>
          %parallel_loop3A_683 = vector.broadcast %scan3A_179 : f32 to vector<16xf32>
          %parallel_loop3A_684 = arith.cmpf olt, %parallel_loop3A_682, %parallel_loop3A_683 : vector<16xf32>
          %parallel_loop3A_685 = math.absf %parallel_loop3A_681 : vector<16xf32>
          %parallel_loop3A_686 = vector.broadcast %scan3A_179 : f32 to vector<16xf32>
          %parallel_loop3A_687 = arith.cmpf olt, %parallel_loop3A_685, %parallel_loop3A_686 : vector<16xf32>
          %parallel_loop3A_688 = arith.maximumf %parallel_loop3A_663, %parallel_loop3A_546 : vector<16xf32>
          %parallel_loop3A_689 = arith.minimumf %parallel_loop3A_664, %parallel_loop3A_688 : vector<16xf32>
          %parallel_loop3A_690 = arith.maximumf %parallel_loop3A_665, %parallel_loop3A_548 : vector<16xf32>
          %parallel_loop3A_691 = arith.minimumf %parallel_loop3A_666, %parallel_loop3A_690 : vector<16xf32>
          %parallel_loop3A_692 = vector.broadcast %scan3A_179 : f32 to vector<16xf32>
          %parallel_loop3A_693 = arith.select %parallel_loop3A_684, %parallel_loop3A_692, %parallel_loop3A_680 : vector<16xi1>, vector<16xf32>
          %parallel_loop3A_694 = vector.broadcast %scan3A_179 : f32 to vector<16xf32>
          %parallel_loop3A_695 = arith.select %parallel_loop3A_687, %parallel_loop3A_694, %parallel_loop3A_681 : vector<16xi1>, vector<16xf32>
          %parallel_loop3A_696 = arith.constant 1.000000e+00 : f32
          %parallel_loop3A_697 = vector.broadcast %parallel_loop3A_696 : f32 to vector<16xf32>
          %parallel_loop3A_698 = arith.divf %parallel_loop3A_697, %parallel_loop3A_693 : vector<16xf32>
          %parallel_loop3A_699 = arith.constant 1.000000e+00 : f32
          %parallel_loop3A_700 = vector.broadcast %parallel_loop3A_699 : f32 to vector<16xf32>
          %parallel_loop3A_701 = arith.divf %parallel_loop3A_700, %parallel_loop3A_695 : vector<16xf32>
          %parallel_loop3A_702 = arith.mulf %parallel_loop3A_698, %parallel_loop3A_701 : vector<16xf32>
          %parallel_loop3A_703 = arith.subf %parallel_loop3A_689, %parallel_loop3A_663 : vector<16xf32>
          %parallel_loop3A_704 = arith.subf %parallel_loop3A_664, %parallel_loop3A_689 : vector<16xf32>
          %parallel_loop3A_705 = arith.subf %parallel_loop3A_691, %parallel_loop3A_665 : vector<16xf32>
          %parallel_loop3A_706 = arith.subf %parallel_loop3A_666, %parallel_loop3A_691 : vector<16xf32>
          %parallel_loop3A_707 = arith.mulf %parallel_loop3A_704, %parallel_loop3A_706 : vector<16xf32>
          %parallel_loop3A_708 = arith.mulf %parallel_loop3A_707, %parallel_loop3A_702 : vector<16xf32>
          %parallel_loop3A_709 = arith.mulf %parallel_loop3A_704, %parallel_loop3A_705 : vector<16xf32>
          %parallel_loop3A_710 = arith.mulf %parallel_loop3A_709, %parallel_loop3A_702 : vector<16xf32>
          %parallel_loop3A_711 = arith.mulf %parallel_loop3A_703, %parallel_loop3A_706 : vector<16xf32>
          %parallel_loop3A_712 = arith.mulf %parallel_loop3A_711, %parallel_loop3A_702 : vector<16xf32>
          %parallel_loop3A_713 = arith.mulf %parallel_loop3A_703, %parallel_loop3A_705 : vector<16xf32>
          %parallel_loop3A_714 = arith.mulf %parallel_loop3A_713, %parallel_loop3A_702 : vector<16xf32>
          %parallel_loop3A_715 = arith.mulf %parallel_loop3A_705, %parallel_loop3A_701 : vector<16xf32>
          %parallel_loop3A_716 = arith.constant 0.000000e+00 : f32
          %parallel_loop3A_717 = arith.constant 1.000000e+00 : f32
          %parallel_loop3A_718 = vector.broadcast %parallel_loop3A_716 : f32 to vector<16xf32>
          %parallel_loop3A_719 = arith.maximumf %parallel_loop3A_718, %parallel_loop3A_715 : vector<16xf32>
          %parallel_loop3A_720 = vector.broadcast %parallel_loop3A_717 : f32 to vector<16xf32>
          %parallel_loop3A_721 = arith.minimumf %parallel_loop3A_720, %parallel_loop3A_719 : vector<16xf32>
          %parallel_loop3A_722 = arith.mulf %parallel_loop3A_703, %parallel_loop3A_698 : vector<16xf32>
          %parallel_loop3A_723 = arith.constant 0.000000e+00 : f32
          %parallel_loop3A_724 = arith.constant 1.000000e+00 : f32
          %parallel_loop3A_725 = vector.broadcast %parallel_loop3A_723 : f32 to vector<16xf32>
          %parallel_loop3A_726 = arith.maximumf %parallel_loop3A_725, %parallel_loop3A_722 : vector<16xf32>
          %parallel_loop3A_727 = vector.broadcast %parallel_loop3A_724 : f32 to vector<16xf32>
          %parallel_loop3A_728 = arith.minimumf %parallel_loop3A_727, %parallel_loop3A_726 : vector<16xf32>
          %parallel_loop3A_729 = arith.constant 1.000000e+00 : f32
          %parallel_loop3A_730 = vector.broadcast %parallel_loop3A_729 : f32 to vector<16xf32>
          %parallel_loop3A_731 = arith.subf %parallel_loop3A_730, %parallel_loop3A_721 : vector<16xf32>
          %parallel_loop3A_732 = arith.constant 1.000000e+00 : f32
          %parallel_loop3A_733 = vector.broadcast %parallel_loop3A_732 : f32 to vector<16xf32>
          %parallel_loop3A_734 = arith.select %parallel_loop3A_687, %parallel_loop3A_733, %parallel_loop3A_731 : vector<16xi1>, vector<16xf32>
          %parallel_loop3A_735 = arith.constant 1.000000e+00 : f32
          %parallel_loop3A_736 = vector.broadcast %parallel_loop3A_735 : f32 to vector<16xf32>
          %parallel_loop3A_737 = arith.subf %parallel_loop3A_736, %parallel_loop3A_728 : vector<16xf32>
          %parallel_loop3A_738 = arith.select %parallel_loop3A_687, %parallel_loop3A_737, %parallel_loop3A_708 : vector<16xi1>, vector<16xf32>
          %parallel_loop3A_739 = arith.select %parallel_loop3A_684, %parallel_loop3A_734, %parallel_loop3A_738 : vector<16xi1>, vector<16xf32>
          %parallel_loop3A_740 = arith.constant 0.000000e+00 : f32
          %parallel_loop3A_741 = vector.broadcast %parallel_loop3A_740 : f32 to vector<16xf32>
          %parallel_loop3A_742 = arith.select %parallel_loop3A_687, %parallel_loop3A_741, %parallel_loop3A_721 : vector<16xi1>, vector<16xf32>
          %parallel_loop3A_743 = arith.constant 0.000000e+00 : f32
          %parallel_loop3A_744 = vector.broadcast %parallel_loop3A_743 : f32 to vector<16xf32>
          %parallel_loop3A_745 = arith.select %parallel_loop3A_687, %parallel_loop3A_744, %parallel_loop3A_710 : vector<16xi1>, vector<16xf32>
          %parallel_loop3A_746 = arith.select %parallel_loop3A_684, %parallel_loop3A_742, %parallel_loop3A_745 : vector<16xi1>, vector<16xf32>
          %parallel_loop3A_747 = arith.select %parallel_loop3A_687, %parallel_loop3A_728, %parallel_loop3A_712 : vector<16xi1>, vector<16xf32>
          %parallel_loop3A_748 = arith.constant 0.000000e+00 : f32
          %parallel_loop3A_749 = vector.broadcast %parallel_loop3A_748 : f32 to vector<16xf32>
          %parallel_loop3A_750 = arith.select %parallel_loop3A_684, %parallel_loop3A_749, %parallel_loop3A_747 : vector<16xi1>, vector<16xf32>
          %parallel_loop3A_751 = arith.constant 0.000000e+00 : f32
          %parallel_loop3A_752 = vector.broadcast %parallel_loop3A_751 : f32 to vector<16xf32>
          %parallel_loop3A_753 = arith.select %parallel_loop3A_687, %parallel_loop3A_752, %parallel_loop3A_714 : vector<16xi1>, vector<16xf32>
          %parallel_loop3A_754 = arith.constant 0.000000e+00 : f32
          %parallel_loop3A_755 = vector.broadcast %parallel_loop3A_754 : f32 to vector<16xf32>
          %parallel_loop3A_756 = arith.select %parallel_loop3A_684, %parallel_loop3A_755, %parallel_loop3A_753 : vector<16xi1>, vector<16xf32>
          %parallel_loop3A_757 = arith.mulf %parallel_loop3A_739, %parallel_loop3A_670 : vector<16xf32>
          %parallel_loop3A_758 = arith.mulf %parallel_loop3A_746, %parallel_loop3A_674 : vector<16xf32>
          %parallel_loop3A_759 = arith.addf %parallel_loop3A_757, %parallel_loop3A_758 : vector<16xf32>
          %parallel_loop3A_760 = arith.mulf %parallel_loop3A_750, %parallel_loop3A_675 : vector<16xf32>
          %parallel_loop3A_761 = arith.addf %parallel_loop3A_759, %parallel_loop3A_760 : vector<16xf32>
          %parallel_loop3A_762 = arith.mulf %parallel_loop3A_756, %parallel_loop3A_679 : vector<16xf32>
          %parallel_loop3A_763 = arith.addf %parallel_loop3A_761, %parallel_loop3A_762 : vector<16xf32>
          %parallel_loop3A_764 = arith.index_cast %parallel_loop3A_532 : i32 to index
          %parallel_loop3A_765 = tpu.vector_load %arg17[%parallel_loop3A_764] {strides = array<i32>} : memref<640xf32, #tpu.memory_space<vmem>>, vector<16xf32>,
          tpu.vector_store %arg17[%parallel_loop3A_764], %parallel_loop3A_763 {strides = array<i32>} : memref<640xf32, #tpu.memory_space<vmem>>, vector<16xf32>,
        } {sc.loop_unroll_factor = 2 : i64, sc.parallel_access}
        %lt3A_401 = arith.constant 2500 : i32
        %lt3A_402 = arith.cmpi slt, %add3A_205, %lt3A_401 : i32
        %convert_element_type3A_403 = arith.extui %lt3A_402 : i1 to i32
        %cond3A_404 = arith.constant 0 : i32
        %cond3A_405 = arith.cmpi ne, %convert_element_type3A_403, %cond3A_404 : i32
        scf.if %cond3A_405 {
          %mul3A_529 = arith.constant 320 : i32
          %mul3A_530 = arith.muli %add3A_205, %mul3A_529 : i32
          %add3A_531 = arith.constant 80 : i32
          %add3A_532 = arith.addi %mul3A_530, %add3A_531 : i32
          %dma_start3A_533 = arith.constant 1 : i32
          %dma_start3A_534 = arith.constant 80 : i32
          %dma_start3A_535 = arith.constant 0 : i32
          %dma_start3A_536 = tpu.memref_slice %arg12[%dma_start3A_534, %dma_start3A_535] : memref<320x8xf32, #tpu.memory_space<vmem>> -> memref<80x8xf32, #tpu.memory_space<vmem>>
          %dma_start3A_537 = arith.constant 0 : i32
          %dma_start3A_538 = tpu.memref_slice %arg4[%add3A_532, %dma_start3A_537] : memref<800000x8xf32, #tpu.memory_space<hbm>> -> memref<80x8xf32, #tpu.memory_space<hbm>>
          %dma_start3A_539 = tpu.memref_slice %arg19[%dma_start3A_533] : memref<4x!tpu.dma_semaphore, #tpu.memory_space<semaphore_mem>> -> memref<1x!tpu.dma_semaphore, #tpu.memory_space<semaphore_mem>>
          %dma_start3A_540 = tpu.memref_squeeze %dma_start3A_539 : memref<1x!tpu.dma_semaphore, #tpu.memory_space<semaphore_mem>> -> memref<!tpu.dma_semaphore, #tpu.memory_space<semaphore_mem>>
          %dma_start3A_541 = arith.constant 80 : i32
          %dma_start3A_542 = arith.constant 0 : i32
          %dma_start3A_543 = tpu.memref_slice %arg12[%dma_start3A_541, %dma_start3A_542] : memref<320x8xf32, #tpu.memory_space<vmem>> -> memref<80x8xf32, #tpu.memory_space<vmem>>
          %dma_start3A_544 = arith.constant 0 : i32
          %dma_start3A_545 = tpu.memref_slice %arg4[%add3A_532, %dma_start3A_544] : memref<800000x8xf32, #tpu.memory_space<hbm>> -> memref<80x8xf32, #tpu.memory_space<hbm>>
          tpu.enqueue_dma source(%dma_start3A_545 : memref<80x8xf32, #tpu.memory_space<hbm>>) target(%dma_start3A_543 : memref<80x8xf32, #tpu.memory_space<vmem>>) target_semaphore(%dma_start3A_540 : memref<!tpu.dma_semaphore, #tpu.memory_space<semaphore_mem>>)
          %dma_start3A_546 = arith.constant 1 : i32
          %dma_start3A_547 = arith.constant 80 : i32
          %dma_start3A_548 = arith.constant 0 : i32
          %dma_start3A_549 = tpu.memref_slice %arg13[%dma_start3A_547, %dma_start3A_548] : memref<320x8xf32, #tpu.memory_space<vmem>> -> memref<80x8xf32, #tpu.memory_space<vmem>>
          %dma_start3A_550 = arith.constant 0 : i32
          %dma_start3A_551 = tpu.memref_slice %arg5[%add3A_532, %dma_start3A_550] : memref<800000x8xf32, #tpu.memory_space<hbm>> -> memref<80x8xf32, #tpu.memory_space<hbm>>
          %dma_start3A_552 = tpu.memref_slice %arg19[%dma_start3A_546] : memref<4x!tpu.dma_semaphore, #tpu.memory_space<semaphore_mem>> -> memref<1x!tpu.dma_semaphore, #tpu.memory_space<semaphore_mem>>
          %dma_start3A_553 = tpu.memref_squeeze %dma_start3A_552 : memref<1x!tpu.dma_semaphore, #tpu.memory_space<semaphore_mem>> -> memref<!tpu.dma_semaphore, #tpu.memory_space<semaphore_mem>>
          %dma_start3A_554 = arith.constant 80 : i32
          %dma_start3A_555 = arith.constant 0 : i32
          %dma_start3A_556 = tpu.memref_slice %arg13[%dma_start3A_554, %dma_start3A_555] : memref<320x8xf32, #tpu.memory_space<vmem>> -> memref<80x8xf32, #tpu.memory_space<vmem>>
          %dma_start3A_557 = arith.constant 0 : i32
          %dma_start3A_558 = tpu.memref_slice %arg5[%add3A_532, %dma_start3A_557] : memref<800000x8xf32, #tpu.memory_space<hbm>> -> memref<80x8xf32, #tpu.memory_space<hbm>>
          tpu.enqueue_dma source(%dma_start3A_558 : memref<80x8xf32, #tpu.memory_space<hbm>>) target(%dma_start3A_556 : memref<80x8xf32, #tpu.memory_space<vmem>>) target_semaphore(%dma_start3A_553 : memref<!tpu.dma_semaphore, #tpu.memory_space<semaphore_mem>>)
          %mul3A_559 = arith.constant 320 : i32
          %mul3A_560 = arith.muli %add3A_205, %mul3A_559 : i32
          %add3A_561 = arith.constant 80 : i32
          %add3A_562 = arith.addi %mul3A_560, %add3A_561 : i32
          %dma_start3A_563 = arith.constant 1 : i32
          %dma_start3A_564 = arith.constant 80 : i32
          %dma_start3A_565 = arith.constant 0 : i32
          %dma_start3A_566 = tpu.memref_slice %arg14[%dma_start3A_564, %dma_start3A_565] : memref<320x64xf32, #tpu.memory_space<vmem>> -> memref<80x64xf32, #tpu.memory_space<vmem>>
          %dma_start3A_567 = arith.constant 0 : i32
          %dma_start3A_568 = tpu.memref_slice %arg6[%add3A_562, %dma_start3A_567] : memref<800000x64xf32, #tpu.memory_space<hbm>> -> memref<80x64xf32, #tpu.memory_space<hbm>>
          %dma_start3A_569 = tpu.memref_slice %arg20[%dma_start3A_563] : memref<4x!tpu.dma_semaphore, #tpu.memory_space<semaphore_mem>> -> memref<1x!tpu.dma_semaphore, #tpu.memory_space<semaphore_mem>>
          %dma_start3A_570 = tpu.memref_squeeze %dma_start3A_569 : memref<1x!tpu.dma_semaphore, #tpu.memory_space<semaphore_mem>> -> memref<!tpu.dma_semaphore, #tpu.memory_space<semaphore_mem>>
          %dma_start3A_571 = arith.constant 80 : i32
          %dma_start3A_572 = arith.constant 0 : i32
          %dma_start3A_573 = tpu.memref_slice %arg14[%dma_start3A_571, %dma_start3A_572] : memref<320x64xf32, #tpu.memory_space<vmem>> -> memref<80x64xf32, #tpu.memory_space<vmem>>
          %dma_start3A_574 = arith.constant 0 : i32
          %dma_start3A_575 = tpu.memref_slice %arg6[%add3A_562, %dma_start3A_574] : memref<800000x64xf32, #tpu.memory_space<hbm>> -> memref<80x64xf32, #tpu.memory_space<hbm>>
          tpu.enqueue_dma source(%dma_start3A_575 : memref<80x64xf32, #tpu.memory_space<hbm>>) target(%dma_start3A_573 : memref<80x64xf32, #tpu.memory_space<vmem>>) target_semaphore(%dma_start3A_570 : memref<!tpu.dma_semaphore, #tpu.memory_space<semaphore_mem>>)
        } else {
        }
        %mul3A_406 = arith.constant 320 : i32
        %mul3A_407 = arith.muli %add3A_200, %mul3A_406 : i32
        %add3A_408 = arith.constant 160 : i32
        %add3A_409 = arith.addi %mul3A_407, %add3A_408 : i32
        %dma_wait3A_410 = arith.constant 2 : i32
        %dma_wait3A_411 = arith.constant 160 : i32
        %dma_wait3A_412 = arith.constant 0 : i32
        %dma_wait3A_413 = tpu.memref_slice %arg12[%dma_wait3A_411, %dma_wait3A_412] : memref<320x8xf32, #tpu.memory_space<vmem>> -> memref<80x8xf32, #tpu.memory_space<vmem>>
        %dma_wait3A_414 = arith.constant 0 : i32
        %dma_wait3A_415 = tpu.memref_slice %arg4[%add3A_409, %dma_wait3A_414] : memref<800000x8xf32, #tpu.memory_space<hbm>> -> memref<80x8xf32, #tpu.memory_space<hbm>>
        %dma_wait3A_416 = tpu.memref_slice %arg19[%dma_wait3A_410] : memref<4x!tpu.dma_semaphore, #tpu.memory_space<semaphore_mem>> -> memref<1x!tpu.dma_semaphore, #tpu.memory_space<semaphore_mem>>
        %dma_wait3A_417 = tpu.memref_squeeze %dma_wait3A_416 : memref<1x!tpu.dma_semaphore, #tpu.memory_space<semaphore_mem>> -> memref<!tpu.dma_semaphore, #tpu.memory_space<semaphore_mem>>
        %dma_wait3A_418 = arith.constant 160 : i32
        %dma_wait3A_419 = arith.constant 0 : i32
        %dma_wait3A_420 = tpu.memref_slice %arg12[%dma_wait3A_418, %dma_wait3A_419] : memref<320x8xf32, #tpu.memory_space<vmem>> -> memref<80x8xf32, #tpu.memory_space<vmem>>
        %dma_wait3A_421 = arith.constant 0 : i32
        %dma_wait3A_422 = tpu.memref_slice %arg4[%add3A_409, %dma_wait3A_421] : memref<800000x8xf32, #tpu.memory_space<hbm>> -> memref<80x8xf32, #tpu.memory_space<hbm>>
        tpu.wait_dma2 semaphore(%dma_wait3A_417 : memref<!tpu.dma_semaphore, #tpu.memory_space<semaphore_mem>>) src(%dma_wait3A_422 : memref<80x8xf32, #tpu.memory_space<hbm>>) dst(%dma_wait3A_420 : memref<80x8xf32, #tpu.memory_space<vmem>>)
        %dma_wait3A_423 = arith.constant 2 : i32
        %dma_wait3A_424 = arith.constant 160 : i32
        %dma_wait3A_425 = arith.constant 0 : i32
        %dma_wait3A_426 = tpu.memref_slice %arg13[%dma_wait3A_424, %dma_wait3A_425] : memref<320x8xf32, #tpu.memory_space<vmem>> -> memref<80x8xf32, #tpu.memory_space<vmem>>
        %dma_wait3A_427 = arith.constant 0 : i32
        %dma_wait3A_428 = tpu.memref_slice %arg5[%add3A_409, %dma_wait3A_427] : memref<800000x8xf32, #tpu.memory_space<hbm>> -> memref<80x8xf32, #tpu.memory_space<hbm>>
        %dma_wait3A_429 = tpu.memref_slice %arg19[%dma_wait3A_423] : memref<4x!tpu.dma_semaphore, #tpu.memory_space<semaphore_mem>> -> memref<1x!tpu.dma_semaphore, #tpu.memory_space<semaphore_mem>>
        %dma_wait3A_430 = tpu.memref_squeeze %dma_wait3A_429 : memref<1x!tpu.dma_semaphore, #tpu.memory_space<semaphore_mem>> -> memref<!tpu.dma_semaphore, #tpu.memory_space<semaphore_mem>>
        %dma_wait3A_431 = arith.constant 160 : i32
        %dma_wait3A_432 = arith.constant 0 : i32
        %dma_wait3A_433 = tpu.memref_slice %arg13[%dma_wait3A_431, %dma_wait3A_432] : memref<320x8xf32, #tpu.memory_space<vmem>> -> memref<80x8xf32, #tpu.memory_space<vmem>>
        %dma_wait3A_434 = arith.constant 0 : i32
        %dma_wait3A_435 = tpu.memref_slice %arg5[%add3A_409, %dma_wait3A_434] : memref<800000x8xf32, #tpu.memory_space<hbm>> -> memref<80x8xf32, #tpu.memory_space<hbm>>
        tpu.wait_dma2 semaphore(%dma_wait3A_430 : memref<!tpu.dma_semaphore, #tpu.memory_space<semaphore_mem>>) src(%dma_wait3A_435 : memref<80x8xf32, #tpu.memory_space<hbm>>) dst(%dma_wait3A_433 : memref<80x8xf32, #tpu.memory_space<vmem>>)
        %mul3A_436 = arith.constant 320 : i32
        %mul3A_437 = arith.muli %add3A_200, %mul3A_436 : i32
        %add3A_438 = arith.constant 160 : i32
        %add3A_439 = arith.addi %mul3A_437, %add3A_438 : i32
        %dma_wait3A_440 = arith.constant 2 : i32
        %dma_wait3A_441 = arith.constant 160 : i32
        %dma_wait3A_442 = arith.constant 0 : i32
        %dma_wait3A_443 = tpu.memref_slice %arg14[%dma_wait3A_441, %dma_wait3A_442] : memref<320x64xf32, #tpu.memory_space<vmem>> -> memref<80x64xf32, #tpu.memory_space<vmem>>
        %dma_wait3A_444 = arith.constant 0 : i32
        %dma_wait3A_445 = tpu.memref_slice %arg6[%add3A_439, %dma_wait3A_444] : memref<800000x64xf32, #tpu.memory_space<hbm>> -> memref<80x64xf32, #tpu.memory_space<hbm>>
        %dma_wait3A_446 = tpu.memref_slice %arg20[%dma_wait3A_440] : memref<4x!tpu.dma_semaphore, #tpu.memory_space<semaphore_mem>> -> memref<1x!tpu.dma_semaphore, #tpu.memory_space<semaphore_mem>>
        %dma_wait3A_447 = tpu.memref_squeeze %dma_wait3A_446 : memref<1x!tpu.dma_semaphore, #tpu.memory_space<semaphore_mem>> -> memref<!tpu.dma_semaphore, #tpu.memory_space<semaphore_mem>>
        %dma_wait3A_448 = arith.constant 160 : i32
        %dma_wait3A_449 = arith.constant 0 : i32
        %dma_wait3A_450 = tpu.memref_slice %arg14[%dma_wait3A_448, %dma_wait3A_449] : memref<320x64xf32, #tpu.memory_space<vmem>> -> memref<80x64xf32, #tpu.memory_space<vmem>>
        %dma_wait3A_451 = arith.constant 0 : i32
        %dma_wait3A_452 = tpu.memref_slice %arg6[%add3A_439, %dma_wait3A_451] : memref<800000x64xf32, #tpu.memory_space<hbm>> -> memref<80x64xf32, #tpu.memory_space<hbm>>
        tpu.wait_dma2 semaphore(%dma_wait3A_447 : memref<!tpu.dma_semaphore, #tpu.memory_space<semaphore_mem>>) src(%dma_wait3A_452 : memref<80x64xf32, #tpu.memory_space<hbm>>) dst(%dma_wait3A_450 : memref<80x64xf32, #tpu.memory_space<vmem>>)
        %mul3A_453 = arith.constant 320 : i32
        %mul3A_454 = arith.muli %and3A_201, %mul3A_453 : i32
        %add3A_455 = arith.constant 160 : i32
        %add3A_456 = arith.addi %mul3A_454, %add3A_455 : i32
        %parallel_loop3A_457 = arith.constant 0 : i32
        %parallel_loop3A_458 = arith.constant 5 : i32
        %parallel_loop3A_459 = arith.constant 1 : i32
        scf.for %parallel_loop3A_529 = %parallel_loop3A_457 to %parallel_loop3A_458 step %parallel_loop3A_459  : i32 {
          %parallel_loop3A_530 = arith.constant 16 : i32
          %parallel_loop3A_531 = arith.muli %parallel_loop3A_529, %parallel_loop3A_530 : i32
          %parallel_loop3A_532 = arith.addi %add3A_456, %parallel_loop3A_531 : i32
          %parallel_loop3A_533 = arith.constant 16 : i32
          %parallel_loop3A_534 = arith.muli %parallel_loop3A_529, %parallel_loop3A_533 : i32
          %parallel_loop3A_535 = arith.constant 160 : i32
          %parallel_loop3A_536 = arith.addi %parallel_loop3A_535, %parallel_loop3A_534 : i32
          %parallel_loop3A_537 = vector.broadcast %parallel_loop3A_536 : i32 to vector<16xi32>
          %parallel_loop3A_538 = arith.addi %parallel_loop3A_537, %iota3A : vector<16xi32>
          %parallel_loop3A_539 = arith.constant 16 : i32
          %parallel_loop3A_540 = arith.muli %parallel_loop3A_529, %parallel_loop3A_539 : i32
          %parallel_loop3A_541 = arith.constant 160 : i32
          %parallel_loop3A_542 = arith.addi %parallel_loop3A_541, %parallel_loop3A_540 : i32
          %parallel_loop3A_543 = vector.broadcast %parallel_loop3A_542 : i32 to vector<16xi32>
          %parallel_loop3A_544 = arith.addi %parallel_loop3A_543, %iota3A : vector<16xi32>
          %parallel_loop3A_545 = arith.index_cast %parallel_loop3A_532 : i32 to index
          %parallel_loop3A_546 = tpu.vector_load %arg10[%parallel_loop3A_545] {strides = array<i32>} : memref<640xf32, #tpu.memory_space<vmem>>, vector<16xf32>,
          %parallel_loop3A_547 = arith.index_cast %parallel_loop3A_532 : i32 to index
          %parallel_loop3A_548 = tpu.vector_load %arg11[%parallel_loop3A_547] {strides = array<i32>} : memref<640xf32, #tpu.memory_space<vmem>>, vector<16xf32>,
          %parallel_loop3A_549 = arith.index_cast %parallel_loop3A_532 : i32 to index
          %parallel_loop3A_550 = tpu.vector_load %arg15[%parallel_loop3A_549] {strides = array<i32>} : memref<640xi32, #tpu.memory_space<vmem>>, vector<16xi32>,
          %parallel_loop3A_551 = arith.index_cast %parallel_loop3A_532 : i32 to index
          %parallel_loop3A_552 = tpu.vector_load %arg16[%parallel_loop3A_551] {strides = array<i32>} : memref<640xi32, #tpu.memory_space<vmem>>, vector<16xi32>,
          %parallel_loop3A_553 = arith.constant 0 : i32
          %parallel_loop3A_554 = vector.broadcast %parallel_loop3A_553 : i32 to vector<16xi32>
          %parallel_loop3A_555 = arith.constant 0 : i32
          %parallel_loop3A_556 = vector.broadcast %parallel_loop3A_555 : i32 to vector<16xi32>
          %parallel_loop3A_557 = arith.constant 0 : i32
          %parallel_loop3A_558 = vector.broadcast %parallel_loop3A_557 : i32 to vector<16xi32>
          %parallel_loop3A_559 = tpu.vector_load_idx %arg12[%parallel_loop3A_538, %parallel_loop3A_558] : memref<320x8xf32, #tpu.memory_space<vmem>>[vector<16xi32>, vector<16xi32>], vector<16xf32>,
          %parallel_loop3A_560 = tpu.vector_load_idx %arg13[%parallel_loop3A_538, %parallel_loop3A_558] : memref<320x8xf32, #tpu.memory_space<vmem>>[vector<16xi32>, vector<16xi32>], vector<16xf32>,
          %parallel_loop3A_561 = arith.cmpf ole, %parallel_loop3A_559, %parallel_loop3A_546 : vector<16xf32>
          %parallel_loop3A_562 = arith.extui %parallel_loop3A_561 : vector<16xi1> to vector<16xi32>
          %parallel_loop3A_563 = arith.addi %parallel_loop3A_554, %parallel_loop3A_562 : vector<16xi32>
          %parallel_loop3A_564 = arith.cmpf ole, %parallel_loop3A_560, %parallel_loop3A_548 : vector<16xf32>
          %parallel_loop3A_565 = arith.extui %parallel_loop3A_564 : vector<16xi1> to vector<16xi32>
          %parallel_loop3A_566 = arith.addi %parallel_loop3A_556, %parallel_loop3A_565 : vector<16xi32>
          %parallel_loop3A_567 = arith.constant 1 : i32
          %parallel_loop3A_568 = vector.broadcast %parallel_loop3A_567 : i32 to vector<16xi32>
          %parallel_loop3A_569 = tpu.vector_load_idx %arg12[%parallel_loop3A_538, %parallel_loop3A_568] : memref<320x8xf32, #tpu.memory_space<vmem>>[vector<16xi32>, vector<16xi32>], vector<16xf32>,
          %parallel_loop3A_570 = tpu.vector_load_idx %arg13[%parallel_loop3A_538, %parallel_loop3A_568] : memref<320x8xf32, #tpu.memory_space<vmem>>[vector<16xi32>, vector<16xi32>], vector<16xf32>,
          %parallel_loop3A_571 = arith.cmpf ole, %parallel_loop3A_569, %parallel_loop3A_546 : vector<16xf32>
          %parallel_loop3A_572 = arith.extui %parallel_loop3A_571 : vector<16xi1> to vector<16xi32>
          %parallel_loop3A_573 = arith.addi %parallel_loop3A_563, %parallel_loop3A_572 : vector<16xi32>
          %parallel_loop3A_574 = arith.cmpf ole, %parallel_loop3A_570, %parallel_loop3A_548 : vector<16xf32>
          %parallel_loop3A_575 = arith.extui %parallel_loop3A_574 : vector<16xi1> to vector<16xi32>
          %parallel_loop3A_576 = arith.addi %parallel_loop3A_566, %parallel_loop3A_575 : vector<16xi32>
          %parallel_loop3A_577 = arith.constant 2 : i32
          %parallel_loop3A_578 = vector.broadcast %parallel_loop3A_577 : i32 to vector<16xi32>
          %parallel_loop3A_579 = tpu.vector_load_idx %arg12[%parallel_loop3A_538, %parallel_loop3A_578] : memref<320x8xf32, #tpu.memory_space<vmem>>[vector<16xi32>, vector<16xi32>], vector<16xf32>,
          %parallel_loop3A_580 = tpu.vector_load_idx %arg13[%parallel_loop3A_538, %parallel_loop3A_578] : memref<320x8xf32, #tpu.memory_space<vmem>>[vector<16xi32>, vector<16xi32>], vector<16xf32>,
          %parallel_loop3A_581 = arith.cmpf ole, %parallel_loop3A_579, %parallel_loop3A_546 : vector<16xf32>
          %parallel_loop3A_582 = arith.extui %parallel_loop3A_581 : vector<16xi1> to vector<16xi32>
          %parallel_loop3A_583 = arith.addi %parallel_loop3A_573, %parallel_loop3A_582 : vector<16xi32>
          %parallel_loop3A_584 = arith.cmpf ole, %parallel_loop3A_580, %parallel_loop3A_548 : vector<16xf32>
          %parallel_loop3A_585 = arith.extui %parallel_loop3A_584 : vector<16xi1> to vector<16xi32>
          %parallel_loop3A_586 = arith.addi %parallel_loop3A_576, %parallel_loop3A_585 : vector<16xi32>
          %parallel_loop3A_587 = arith.constant 3 : i32
          %parallel_loop3A_588 = vector.broadcast %parallel_loop3A_587 : i32 to vector<16xi32>
          %parallel_loop3A_589 = tpu.vector_load_idx %arg12[%parallel_loop3A_538, %parallel_loop3A_588] : memref<320x8xf32, #tpu.memory_space<vmem>>[vector<16xi32>, vector<16xi32>], vector<16xf32>,
          %parallel_loop3A_590 = tpu.vector_load_idx %arg13[%parallel_loop3A_538, %parallel_loop3A_588] : memref<320x8xf32, #tpu.memory_space<vmem>>[vector<16xi32>, vector<16xi32>], vector<16xf32>,
          %parallel_loop3A_591 = arith.cmpf ole, %parallel_loop3A_589, %parallel_loop3A_546 : vector<16xf32>
          %parallel_loop3A_592 = arith.extui %parallel_loop3A_591 : vector<16xi1> to vector<16xi32>
          %parallel_loop3A_593 = arith.addi %parallel_loop3A_583, %parallel_loop3A_592 : vector<16xi32>
          %parallel_loop3A_594 = arith.cmpf ole, %parallel_loop3A_590, %parallel_loop3A_548 : vector<16xf32>
          %parallel_loop3A_595 = arith.extui %parallel_loop3A_594 : vector<16xi1> to vector<16xi32>
          %parallel_loop3A_596 = arith.addi %parallel_loop3A_586, %parallel_loop3A_595 : vector<16xi32>
          %parallel_loop3A_597 = arith.constant 4 : i32
          %parallel_loop3A_598 = vector.broadcast %parallel_loop3A_597 : i32 to vector<16xi32>
          %parallel_loop3A_599 = tpu.vector_load_idx %arg12[%parallel_loop3A_538, %parallel_loop3A_598] : memref<320x8xf32, #tpu.memory_space<vmem>>[vector<16xi32>, vector<16xi32>], vector<16xf32>,
          %parallel_loop3A_600 = tpu.vector_load_idx %arg13[%parallel_loop3A_538, %parallel_loop3A_598] : memref<320x8xf32, #tpu.memory_space<vmem>>[vector<16xi32>, vector<16xi32>], vector<16xf32>,
          %parallel_loop3A_601 = arith.cmpf ole, %parallel_loop3A_599, %parallel_loop3A_546 : vector<16xf32>
          %parallel_loop3A_602 = arith.extui %parallel_loop3A_601 : vector<16xi1> to vector<16xi32>
          %parallel_loop3A_603 = arith.addi %parallel_loop3A_593, %parallel_loop3A_602 : vector<16xi32>
          %parallel_loop3A_604 = arith.cmpf ole, %parallel_loop3A_600, %parallel_loop3A_548 : vector<16xf32>
          %parallel_loop3A_605 = arith.extui %parallel_loop3A_604 : vector<16xi1> to vector<16xi32>
          %parallel_loop3A_606 = arith.addi %parallel_loop3A_596, %parallel_loop3A_605 : vector<16xi32>
          %parallel_loop3A_607 = arith.constant 5 : i32
          %parallel_loop3A_608 = vector.broadcast %parallel_loop3A_607 : i32 to vector<16xi32>
          %parallel_loop3A_609 = tpu.vector_load_idx %arg12[%parallel_loop3A_538, %parallel_loop3A_608] : memref<320x8xf32, #tpu.memory_space<vmem>>[vector<16xi32>, vector<16xi32>], vector<16xf32>,
          %parallel_loop3A_610 = tpu.vector_load_idx %arg13[%parallel_loop3A_538, %parallel_loop3A_608] : memref<320x8xf32, #tpu.memory_space<vmem>>[vector<16xi32>, vector<16xi32>], vector<16xf32>,
          %parallel_loop3A_611 = arith.cmpf ole, %parallel_loop3A_609, %parallel_loop3A_546 : vector<16xf32>
          %parallel_loop3A_612 = arith.extui %parallel_loop3A_611 : vector<16xi1> to vector<16xi32>
          %parallel_loop3A_613 = arith.addi %parallel_loop3A_603, %parallel_loop3A_612 : vector<16xi32>
          %parallel_loop3A_614 = arith.cmpf ole, %parallel_loop3A_610, %parallel_loop3A_548 : vector<16xf32>
          %parallel_loop3A_615 = arith.extui %parallel_loop3A_614 : vector<16xi1> to vector<16xi32>
          %parallel_loop3A_616 = arith.addi %parallel_loop3A_606, %parallel_loop3A_615 : vector<16xi32>
          %parallel_loop3A_617 = arith.constant 6 : i32
          %parallel_loop3A_618 = vector.broadcast %parallel_loop3A_617 : i32 to vector<16xi32>
          %parallel_loop3A_619 = tpu.vector_load_idx %arg12[%parallel_loop3A_538, %parallel_loop3A_618] : memref<320x8xf32, #tpu.memory_space<vmem>>[vector<16xi32>, vector<16xi32>], vector<16xf32>,
          %parallel_loop3A_620 = tpu.vector_load_idx %arg13[%parallel_loop3A_538, %parallel_loop3A_618] : memref<320x8xf32, #tpu.memory_space<vmem>>[vector<16xi32>, vector<16xi32>], vector<16xf32>,
          %parallel_loop3A_621 = arith.cmpf ole, %parallel_loop3A_619, %parallel_loop3A_546 : vector<16xf32>
          %parallel_loop3A_622 = arith.extui %parallel_loop3A_621 : vector<16xi1> to vector<16xi32>
          %parallel_loop3A_623 = arith.addi %parallel_loop3A_613, %parallel_loop3A_622 : vector<16xi32>
          %parallel_loop3A_624 = arith.cmpf ole, %parallel_loop3A_620, %parallel_loop3A_548 : vector<16xf32>
          %parallel_loop3A_625 = arith.extui %parallel_loop3A_624 : vector<16xi1> to vector<16xi32>
          %parallel_loop3A_626 = arith.addi %parallel_loop3A_616, %parallel_loop3A_625 : vector<16xi32>
          %parallel_loop3A_627 = arith.constant 7 : i32
          %parallel_loop3A_628 = vector.broadcast %parallel_loop3A_627 : i32 to vector<16xi32>
          %parallel_loop3A_629 = tpu.vector_load_idx %arg12[%parallel_loop3A_538, %parallel_loop3A_628] : memref<320x8xf32, #tpu.memory_space<vmem>>[vector<16xi32>, vector<16xi32>], vector<16xf32>,
          %parallel_loop3A_630 = tpu.vector_load_idx %arg13[%parallel_loop3A_538, %parallel_loop3A_628] : memref<320x8xf32, #tpu.memory_space<vmem>>[vector<16xi32>, vector<16xi32>], vector<16xf32>,
          %parallel_loop3A_631 = arith.cmpf ole, %parallel_loop3A_629, %parallel_loop3A_546 : vector<16xf32>
          %parallel_loop3A_632 = arith.extui %parallel_loop3A_631 : vector<16xi1> to vector<16xi32>
          %parallel_loop3A_633 = arith.addi %parallel_loop3A_623, %parallel_loop3A_632 : vector<16xi32>
          %parallel_loop3A_634 = arith.cmpf ole, %parallel_loop3A_630, %parallel_loop3A_548 : vector<16xf32>
          %parallel_loop3A_635 = arith.extui %parallel_loop3A_634 : vector<16xi1> to vector<16xi32>
          %parallel_loop3A_636 = arith.addi %parallel_loop3A_626, %parallel_loop3A_635 : vector<16xi32>
          %parallel_loop3A_637 = arith.constant 1 : i32
          %parallel_loop3A_638 = vector.broadcast %parallel_loop3A_637 : i32 to vector<16xi32>
          %parallel_loop3A_639 = arith.subi %parallel_loop3A_550, %parallel_loop3A_638 : vector<16xi32>
          %parallel_loop3A_640 = arith.constant 0 : i32
          %parallel_loop3A_641 = vector.broadcast %parallel_loop3A_640 : i32 to vector<16xi32>
          %parallel_loop3A_642 = arith.maxsi %parallel_loop3A_639, %parallel_loop3A_641 : vector<16xi32>
          %parallel_loop3A_643 = arith.constant 1 : i32
          %parallel_loop3A_644 = vector.broadcast %parallel_loop3A_643 : i32 to vector<16xi32>
          %parallel_loop3A_645 = arith.subi %parallel_loop3A_552, %parallel_loop3A_644 : vector<16xi32>
          %parallel_loop3A_646 = arith.constant 0 : i32
          %parallel_loop3A_647 = vector.broadcast %parallel_loop3A_646 : i32 to vector<16xi32>
          %parallel_loop3A_648 = arith.maxsi %parallel_loop3A_645, %parallel_loop3A_647 : vector<16xi32>
          %parallel_loop3A_649 = arith.constant 1 : i32
          %parallel_loop3A_650 = vector.broadcast %parallel_loop3A_649 : i32 to vector<16xi32>
          %parallel_loop3A_651 = arith.maxsi %parallel_loop3A_633, %parallel_loop3A_650 : vector<16xi32>
          %parallel_loop3A_652 = arith.minsi %parallel_loop3A_651, %parallel_loop3A_642 : vector<16xi32>
          %parallel_loop3A_653 = arith.constant 1 : i32
          %parallel_loop3A_654 = vector.broadcast %parallel_loop3A_653 : i32 to vector<16xi32>
          %parallel_loop3A_655 = arith.maxsi %parallel_loop3A_636, %parallel_loop3A_654 : vector<16xi32>
          %parallel_loop3A_656 = arith.minsi %parallel_loop3A_655, %parallel_loop3A_648 : vector<16xi32>
          %parallel_loop3A_657 = arith.constant 1 : i32
          %parallel_loop3A_658 = vector.broadcast %parallel_loop3A_657 : i32 to vector<16xi32>
          %parallel_loop3A_659 = arith.subi %parallel_loop3A_652, %parallel_loop3A_658 : vector<16xi32>
          %parallel_loop3A_660 = arith.constant 1 : i32
          %parallel_loop3A_661 = vector.broadcast %parallel_loop3A_660 : i32 to vector<16xi32>
          %parallel_loop3A_662 = arith.subi %parallel_loop3A_656, %parallel_loop3A_661 : vector<16xi32>
          %parallel_loop3A_663 = tpu.vector_load_idx %arg12[%parallel_loop3A_538, %parallel_loop3A_659] : memref<320x8xf32, #tpu.memory_space<vmem>>[vector<16xi32>, vector<16xi32>], vector<16xf32>,
          %parallel_loop3A_664 = tpu.vector_load_idx %arg12[%parallel_loop3A_538, %parallel_loop3A_652] : memref<320x8xf32, #tpu.memory_space<vmem>>[vector<16xi32>, vector<16xi32>], vector<16xf32>,
          %parallel_loop3A_665 = tpu.vector_load_idx %arg13[%parallel_loop3A_538, %parallel_loop3A_662] : memref<320x8xf32, #tpu.memory_space<vmem>>[vector<16xi32>, vector<16xi32>], vector<16xf32>,
          %parallel_loop3A_666 = tpu.vector_load_idx %arg13[%parallel_loop3A_538, %parallel_loop3A_656] : memref<320x8xf32, #tpu.memory_space<vmem>>[vector<16xi32>, vector<16xi32>], vector<16xf32>,
          %parallel_loop3A_667 = arith.muli %parallel_loop3A_659, %parallel_loop3A_552 : vector<16xi32>
          %parallel_loop3A_668 = arith.addi %parallel_loop3A_667, %parallel_loop3A_662 : vector<16xi32>
          %parallel_loop3A_669 = arith.addi %parallel_loop3A_668, %parallel_loop3A_552 : vector<16xi32>
          %parallel_loop3A_670 = tpu.vector_load_idx %arg14[%parallel_loop3A_544, %parallel_loop3A_668] : memref<320x64xf32, #tpu.memory_space<vmem>>[vector<16xi32>, vector<16xi32>], vector<16xf32>,
          %parallel_loop3A_671 = arith.constant 1 : i32
          %parallel_loop3A_672 = vector.broadcast %parallel_loop3A_671 : i32 to vector<16xi32>
          %parallel_loop3A_673 = arith.addi %parallel_loop3A_668, %parallel_loop3A_672 : vector<16xi32>
          %parallel_loop3A_674 = tpu.vector_load_idx %arg14[%parallel_loop3A_544, %parallel_loop3A_673] : memref<320x64xf32, #tpu.memory_space<vmem>>[vector<16xi32>, vector<16xi32>], vector<16xf32>,
          %parallel_loop3A_675 = tpu.vector_load_idx %arg14[%parallel_loop3A_544, %parallel_loop3A_669] : memref<320x64xf32, #tpu.memory_space<vmem>>[vector<16xi32>, vector<16xi32>], vector<16xf32>,
          %parallel_loop3A_676 = arith.constant 1 : i32
          %parallel_loop3A_677 = vector.broadcast %parallel_loop3A_676 : i32 to vector<16xi32>
          %parallel_loop3A_678 = arith.addi %parallel_loop3A_669, %parallel_loop3A_677 : vector<16xi32>
          %parallel_loop3A_679 = tpu.vector_load_idx %arg14[%parallel_loop3A_544, %parallel_loop3A_678] : memref<320x64xf32, #tpu.memory_space<vmem>>[vector<16xi32>, vector<16xi32>], vector<16xf32>,
          %parallel_loop3A_680 = arith.subf %parallel_loop3A_664, %parallel_loop3A_663 : vector<16xf32>
          %parallel_loop3A_681 = arith.subf %parallel_loop3A_666, %parallel_loop3A_665 : vector<16xf32>
          %parallel_loop3A_682 = math.absf %parallel_loop3A_680 : vector<16xf32>
          %parallel_loop3A_683 = vector.broadcast %scan3A_179 : f32 to vector<16xf32>
          %parallel_loop3A_684 = arith.cmpf olt, %parallel_loop3A_682, %parallel_loop3A_683 : vector<16xf32>
          %parallel_loop3A_685 = math.absf %parallel_loop3A_681 : vector<16xf32>
          %parallel_loop3A_686 = vector.broadcast %scan3A_179 : f32 to vector<16xf32>
          %parallel_loop3A_687 = arith.cmpf olt, %parallel_loop3A_685, %parallel_loop3A_686 : vector<16xf32>
          %parallel_loop3A_688 = arith.maximumf %parallel_loop3A_663, %parallel_loop3A_546 : vector<16xf32>
          %parallel_loop3A_689 = arith.minimumf %parallel_loop3A_664, %parallel_loop3A_688 : vector<16xf32>
          %parallel_loop3A_690 = arith.maximumf %parallel_loop3A_665, %parallel_loop3A_548 : vector<16xf32>
          %parallel_loop3A_691 = arith.minimumf %parallel_loop3A_666, %parallel_loop3A_690 : vector<16xf32>
          %parallel_loop3A_692 = vector.broadcast %scan3A_179 : f32 to vector<16xf32>
          %parallel_loop3A_693 = arith.select %parallel_loop3A_684, %parallel_loop3A_692, %parallel_loop3A_680 : vector<16xi1>, vector<16xf32>
          %parallel_loop3A_694 = vector.broadcast %scan3A_179 : f32 to vector<16xf32>
          %parallel_loop3A_695 = arith.select %parallel_loop3A_687, %parallel_loop3A_694, %parallel_loop3A_681 : vector<16xi1>, vector<16xf32>
          %parallel_loop3A_696 = arith.constant 1.000000e+00 : f32
          %parallel_loop3A_697 = vector.broadcast %parallel_loop3A_696 : f32 to vector<16xf32>
          %parallel_loop3A_698 = arith.divf %parallel_loop3A_697, %parallel_loop3A_693 : vector<16xf32>
          %parallel_loop3A_699 = arith.constant 1.000000e+00 : f32
          %parallel_loop3A_700 = vector.broadcast %parallel_loop3A_699 : f32 to vector<16xf32>
          %parallel_loop3A_701 = arith.divf %parallel_loop3A_700, %parallel_loop3A_695 : vector<16xf32>
          %parallel_loop3A_702 = arith.mulf %parallel_loop3A_698, %parallel_loop3A_701 : vector<16xf32>
          %parallel_loop3A_703 = arith.subf %parallel_loop3A_689, %parallel_loop3A_663 : vector<16xf32>
          %parallel_loop3A_704 = arith.subf %parallel_loop3A_664, %parallel_loop3A_689 : vector<16xf32>
          %parallel_loop3A_705 = arith.subf %parallel_loop3A_691, %parallel_loop3A_665 : vector<16xf32>
          %parallel_loop3A_706 = arith.subf %parallel_loop3A_666, %parallel_loop3A_691 : vector<16xf32>
          %parallel_loop3A_707 = arith.mulf %parallel_loop3A_704, %parallel_loop3A_706 : vector<16xf32>
          %parallel_loop3A_708 = arith.mulf %parallel_loop3A_707, %parallel_loop3A_702 : vector<16xf32>
          %parallel_loop3A_709 = arith.mulf %parallel_loop3A_704, %parallel_loop3A_705 : vector<16xf32>
          %parallel_loop3A_710 = arith.mulf %parallel_loop3A_709, %parallel_loop3A_702 : vector<16xf32>
          %parallel_loop3A_711 = arith.mulf %parallel_loop3A_703, %parallel_loop3A_706 : vector<16xf32>
          %parallel_loop3A_712 = arith.mulf %parallel_loop3A_711, %parallel_loop3A_702 : vector<16xf32>
          %parallel_loop3A_713 = arith.mulf %parallel_loop3A_703, %parallel_loop3A_705 : vector<16xf32>
          %parallel_loop3A_714 = arith.mulf %parallel_loop3A_713, %parallel_loop3A_702 : vector<16xf32>
          %parallel_loop3A_715 = arith.mulf %parallel_loop3A_705, %parallel_loop3A_701 : vector<16xf32>
          %parallel_loop3A_716 = arith.constant 0.000000e+00 : f32
          %parallel_loop3A_717 = arith.constant 1.000000e+00 : f32
          %parallel_loop3A_718 = vector.broadcast %parallel_loop3A_716 : f32 to vector<16xf32>
          %parallel_loop3A_719 = arith.maximumf %parallel_loop3A_718, %parallel_loop3A_715 : vector<16xf32>
          %parallel_loop3A_720 = vector.broadcast %parallel_loop3A_717 : f32 to vector<16xf32>
          %parallel_loop3A_721 = arith.minimumf %parallel_loop3A_720, %parallel_loop3A_719 : vector<16xf32>
          %parallel_loop3A_722 = arith.mulf %parallel_loop3A_703, %parallel_loop3A_698 : vector<16xf32>
          %parallel_loop3A_723 = arith.constant 0.000000e+00 : f32
          %parallel_loop3A_724 = arith.constant 1.000000e+00 : f32
          %parallel_loop3A_725 = vector.broadcast %parallel_loop3A_723 : f32 to vector<16xf32>
          %parallel_loop3A_726 = arith.maximumf %parallel_loop3A_725, %parallel_loop3A_722 : vector<16xf32>
          %parallel_loop3A_727 = vector.broadcast %parallel_loop3A_724 : f32 to vector<16xf32>
          %parallel_loop3A_728 = arith.minimumf %parallel_loop3A_727, %parallel_loop3A_726 : vector<16xf32>
          %parallel_loop3A_729 = arith.constant 1.000000e+00 : f32
          %parallel_loop3A_730 = vector.broadcast %parallel_loop3A_729 : f32 to vector<16xf32>
          %parallel_loop3A_731 = arith.subf %parallel_loop3A_730, %parallel_loop3A_721 : vector<16xf32>
          %parallel_loop3A_732 = arith.constant 1.000000e+00 : f32
          %parallel_loop3A_733 = vector.broadcast %parallel_loop3A_732 : f32 to vector<16xf32>
          %parallel_loop3A_734 = arith.select %parallel_loop3A_687, %parallel_loop3A_733, %parallel_loop3A_731 : vector<16xi1>, vector<16xf32>
          %parallel_loop3A_735 = arith.constant 1.000000e+00 : f32
          %parallel_loop3A_736 = vector.broadcast %parallel_loop3A_735 : f32 to vector<16xf32>
          %parallel_loop3A_737 = arith.subf %parallel_loop3A_736, %parallel_loop3A_728 : vector<16xf32>
          %parallel_loop3A_738 = arith.select %parallel_loop3A_687, %parallel_loop3A_737, %parallel_loop3A_708 : vector<16xi1>, vector<16xf32>
          %parallel_loop3A_739 = arith.select %parallel_loop3A_684, %parallel_loop3A_734, %parallel_loop3A_738 : vector<16xi1>, vector<16xf32>
          %parallel_loop3A_740 = arith.constant 0.000000e+00 : f32
          %parallel_loop3A_741 = vector.broadcast %parallel_loop3A_740 : f32 to vector<16xf32>
          %parallel_loop3A_742 = arith.select %parallel_loop3A_687, %parallel_loop3A_741, %parallel_loop3A_721 : vector<16xi1>, vector<16xf32>
          %parallel_loop3A_743 = arith.constant 0.000000e+00 : f32
          %parallel_loop3A_744 = vector.broadcast %parallel_loop3A_743 : f32 to vector<16xf32>
          %parallel_loop3A_745 = arith.select %parallel_loop3A_687, %parallel_loop3A_744, %parallel_loop3A_710 : vector<16xi1>, vector<16xf32>
          %parallel_loop3A_746 = arith.select %parallel_loop3A_684, %parallel_loop3A_742, %parallel_loop3A_745 : vector<16xi1>, vector<16xf32>
          %parallel_loop3A_747 = arith.select %parallel_loop3A_687, %parallel_loop3A_728, %parallel_loop3A_712 : vector<16xi1>, vector<16xf32>
          %parallel_loop3A_748 = arith.constant 0.000000e+00 : f32
          %parallel_loop3A_749 = vector.broadcast %parallel_loop3A_748 : f32 to vector<16xf32>
          %parallel_loop3A_750 = arith.select %parallel_loop3A_684, %parallel_loop3A_749, %parallel_loop3A_747 : vector<16xi1>, vector<16xf32>
          %parallel_loop3A_751 = arith.constant 0.000000e+00 : f32
          %parallel_loop3A_752 = vector.broadcast %parallel_loop3A_751 : f32 to vector<16xf32>
          %parallel_loop3A_753 = arith.select %parallel_loop3A_687, %parallel_loop3A_752, %parallel_loop3A_714 : vector<16xi1>, vector<16xf32>
          %parallel_loop3A_754 = arith.constant 0.000000e+00 : f32
          %parallel_loop3A_755 = vector.broadcast %parallel_loop3A_754 : f32 to vector<16xf32>
          %parallel_loop3A_756 = arith.select %parallel_loop3A_684, %parallel_loop3A_755, %parallel_loop3A_753 : vector<16xi1>, vector<16xf32>
          %parallel_loop3A_757 = arith.mulf %parallel_loop3A_739, %parallel_loop3A_670 : vector<16xf32>
          %parallel_loop3A_758 = arith.mulf %parallel_loop3A_746, %parallel_loop3A_674 : vector<16xf32>
          %parallel_loop3A_759 = arith.addf %parallel_loop3A_757, %parallel_loop3A_758 : vector<16xf32>
          %parallel_loop3A_760 = arith.mulf %parallel_loop3A_750, %parallel_loop3A_675 : vector<16xf32>
          %parallel_loop3A_761 = arith.addf %parallel_loop3A_759, %parallel_loop3A_760 : vector<16xf32>
          %parallel_loop3A_762 = arith.mulf %parallel_loop3A_756, %parallel_loop3A_679 : vector<16xf32>
          %parallel_loop3A_763 = arith.addf %parallel_loop3A_761, %parallel_loop3A_762 : vector<16xf32>
          %parallel_loop3A_764 = arith.index_cast %parallel_loop3A_532 : i32 to index
          %parallel_loop3A_765 = tpu.vector_load %arg17[%parallel_loop3A_764] {strides = array<i32>} : memref<640xf32, #tpu.memory_space<vmem>>, vector<16xf32>,
          tpu.vector_store %arg17[%parallel_loop3A_764], %parallel_loop3A_763 {strides = array<i32>} : memref<640xf32, #tpu.memory_space<vmem>>, vector<16xf32>,
        } {sc.loop_unroll_factor = 2 : i64, sc.parallel_access}
        %lt3A_460 = arith.constant 2500 : i32
        %lt3A_461 = arith.cmpi slt, %add3A_205, %lt3A_460 : i32
        %convert_element_type3A_462 = arith.extui %lt3A_461 : i1 to i32
        %cond3A_463 = arith.constant 0 : i32
        %cond3A_464 = arith.cmpi ne, %convert_element_type3A_462, %cond3A_463 : i32
        scf.if %cond3A_464 {
          %mul3A_529 = arith.constant 320 : i32
          %mul3A_530 = arith.muli %add3A_205, %mul3A_529 : i32
          %add3A_531 = arith.constant 160 : i32
          %add3A_532 = arith.addi %mul3A_530, %add3A_531 : i32
          %dma_start3A_533 = arith.constant 2 : i32
          %dma_start3A_534 = arith.constant 160 : i32
          %dma_start3A_535 = arith.constant 0 : i32
          %dma_start3A_536 = tpu.memref_slice %arg12[%dma_start3A_534, %dma_start3A_535] : memref<320x8xf32, #tpu.memory_space<vmem>> -> memref<80x8xf32, #tpu.memory_space<vmem>>
          %dma_start3A_537 = arith.constant 0 : i32
          %dma_start3A_538 = tpu.memref_slice %arg4[%add3A_532, %dma_start3A_537] : memref<800000x8xf32, #tpu.memory_space<hbm>> -> memref<80x8xf32, #tpu.memory_space<hbm>>
          %dma_start3A_539 = tpu.memref_slice %arg19[%dma_start3A_533] : memref<4x!tpu.dma_semaphore, #tpu.memory_space<semaphore_mem>> -> memref<1x!tpu.dma_semaphore, #tpu.memory_space<semaphore_mem>>
          %dma_start3A_540 = tpu.memref_squeeze %dma_start3A_539 : memref<1x!tpu.dma_semaphore, #tpu.memory_space<semaphore_mem>> -> memref<!tpu.dma_semaphore, #tpu.memory_space<semaphore_mem>>
          %dma_start3A_541 = arith.constant 160 : i32
          %dma_start3A_542 = arith.constant 0 : i32
          %dma_start3A_543 = tpu.memref_slice %arg12[%dma_start3A_541, %dma_start3A_542] : memref<320x8xf32, #tpu.memory_space<vmem>> -> memref<80x8xf32, #tpu.memory_space<vmem>>
          %dma_start3A_544 = arith.constant 0 : i32
          %dma_start3A_545 = tpu.memref_slice %arg4[%add3A_532, %dma_start3A_544] : memref<800000x8xf32, #tpu.memory_space<hbm>> -> memref<80x8xf32, #tpu.memory_space<hbm>>
          tpu.enqueue_dma source(%dma_start3A_545 : memref<80x8xf32, #tpu.memory_space<hbm>>) target(%dma_start3A_543 : memref<80x8xf32, #tpu.memory_space<vmem>>) target_semaphore(%dma_start3A_540 : memref<!tpu.dma_semaphore, #tpu.memory_space<semaphore_mem>>)
          %dma_start3A_546 = arith.constant 2 : i32
          %dma_start3A_547 = arith.constant 160 : i32
          %dma_start3A_548 = arith.constant 0 : i32
          %dma_start3A_549 = tpu.memref_slice %arg13[%dma_start3A_547, %dma_start3A_548] : memref<320x8xf32, #tpu.memory_space<vmem>> -> memref<80x8xf32, #tpu.memory_space<vmem>>
          %dma_start3A_550 = arith.constant 0 : i32
          %dma_start3A_551 = tpu.memref_slice %arg5[%add3A_532, %dma_start3A_550] : memref<800000x8xf32, #tpu.memory_space<hbm>> -> memref<80x8xf32, #tpu.memory_space<hbm>>
          %dma_start3A_552 = tpu.memref_slice %arg19[%dma_start3A_546] : memref<4x!tpu.dma_semaphore, #tpu.memory_space<semaphore_mem>> -> memref<1x!tpu.dma_semaphore, #tpu.memory_space<semaphore_mem>>
          %dma_start3A_553 = tpu.memref_squeeze %dma_start3A_552 : memref<1x!tpu.dma_semaphore, #tpu.memory_space<semaphore_mem>> -> memref<!tpu.dma_semaphore, #tpu.memory_space<semaphore_mem>>
          %dma_start3A_554 = arith.constant 160 : i32
          %dma_start3A_555 = arith.constant 0 : i32
          %dma_start3A_556 = tpu.memref_slice %arg13[%dma_start3A_554, %dma_start3A_555] : memref<320x8xf32, #tpu.memory_space<vmem>> -> memref<80x8xf32, #tpu.memory_space<vmem>>
          %dma_start3A_557 = arith.constant 0 : i32
          %dma_start3A_558 = tpu.memref_slice %arg5[%add3A_532, %dma_start3A_557] : memref<800000x8xf32, #tpu.memory_space<hbm>> -> memref<80x8xf32, #tpu.memory_space<hbm>>
          tpu.enqueue_dma source(%dma_start3A_558 : memref<80x8xf32, #tpu.memory_space<hbm>>) target(%dma_start3A_556 : memref<80x8xf32, #tpu.memory_space<vmem>>) target_semaphore(%dma_start3A_553 : memref<!tpu.dma_semaphore, #tpu.memory_space<semaphore_mem>>)
          %mul3A_559 = arith.constant 320 : i32
          %mul3A_560 = arith.muli %add3A_205, %mul3A_559 : i32
          %add3A_561 = arith.constant 160 : i32
          %add3A_562 = arith.addi %mul3A_560, %add3A_561 : i32
          %dma_start3A_563 = arith.constant 2 : i32
          %dma_start3A_564 = arith.constant 160 : i32
          %dma_start3A_565 = arith.constant 0 : i32
          %dma_start3A_566 = tpu.memref_slice %arg14[%dma_start3A_564, %dma_start3A_565] : memref<320x64xf32, #tpu.memory_space<vmem>> -> memref<80x64xf32, #tpu.memory_space<vmem>>
          %dma_start3A_567 = arith.constant 0 : i32
          %dma_start3A_568 = tpu.memref_slice %arg6[%add3A_562, %dma_start3A_567] : memref<800000x64xf32, #tpu.memory_space<hbm>> -> memref<80x64xf32, #tpu.memory_space<hbm>>
          %dma_start3A_569 = tpu.memref_slice %arg20[%dma_start3A_563] : memref<4x!tpu.dma_semaphore, #tpu.memory_space<semaphore_mem>> -> memref<1x!tpu.dma_semaphore, #tpu.memory_space<semaphore_mem>>
          %dma_start3A_570 = tpu.memref_squeeze %dma_start3A_569 : memref<1x!tpu.dma_semaphore, #tpu.memory_space<semaphore_mem>> -> memref<!tpu.dma_semaphore, #tpu.memory_space<semaphore_mem>>
          %dma_start3A_571 = arith.constant 160 : i32
          %dma_start3A_572 = arith.constant 0 : i32
          %dma_start3A_573 = tpu.memref_slice %arg14[%dma_start3A_571, %dma_start3A_572] : memref<320x64xf32, #tpu.memory_space<vmem>> -> memref<80x64xf32, #tpu.memory_space<vmem>>
          %dma_start3A_574 = arith.constant 0 : i32
          %dma_start3A_575 = tpu.memref_slice %arg6[%add3A_562, %dma_start3A_574] : memref<800000x64xf32, #tpu.memory_space<hbm>> -> memref<80x64xf32, #tpu.memory_space<hbm>>
          tpu.enqueue_dma source(%dma_start3A_575 : memref<80x64xf32, #tpu.memory_space<hbm>>) target(%dma_start3A_573 : memref<80x64xf32, #tpu.memory_space<vmem>>) target_semaphore(%dma_start3A_570 : memref<!tpu.dma_semaphore, #tpu.memory_space<semaphore_mem>>)
        } else {
        }
        %mul3A_465 = arith.constant 320 : i32
        %mul3A_466 = arith.muli %add3A_200, %mul3A_465 : i32
        %add3A_467 = arith.constant 240 : i32
        %add3A_468 = arith.addi %mul3A_466, %add3A_467 : i32
        %dma_wait3A_469 = arith.constant 3 : i32
        %dma_wait3A_470 = arith.constant 240 : i32
        %dma_wait3A_471 = arith.constant 0 : i32
        %dma_wait3A_472 = tpu.memref_slice %arg12[%dma_wait3A_470, %dma_wait3A_471] : memref<320x8xf32, #tpu.memory_space<vmem>> -> memref<80x8xf32, #tpu.memory_space<vmem>>
        %dma_wait3A_473 = arith.constant 0 : i32
        %dma_wait3A_474 = tpu.memref_slice %arg4[%add3A_468, %dma_wait3A_473] : memref<800000x8xf32, #tpu.memory_space<hbm>> -> memref<80x8xf32, #tpu.memory_space<hbm>>
        %dma_wait3A_475 = tpu.memref_slice %arg19[%dma_wait3A_469] : memref<4x!tpu.dma_semaphore, #tpu.memory_space<semaphore_mem>> -> memref<1x!tpu.dma_semaphore, #tpu.memory_space<semaphore_mem>>
        %dma_wait3A_476 = tpu.memref_squeeze %dma_wait3A_475 : memref<1x!tpu.dma_semaphore, #tpu.memory_space<semaphore_mem>> -> memref<!tpu.dma_semaphore, #tpu.memory_space<semaphore_mem>>
        %dma_wait3A_477 = arith.constant 240 : i32
        %dma_wait3A_478 = arith.constant 0 : i32
        %dma_wait3A_479 = tpu.memref_slice %arg12[%dma_wait3A_477, %dma_wait3A_478] : memref<320x8xf32, #tpu.memory_space<vmem>> -> memref<80x8xf32, #tpu.memory_space<vmem>>
        %dma_wait3A_480 = arith.constant 0 : i32
        %dma_wait3A_481 = tpu.memref_slice %arg4[%add3A_468, %dma_wait3A_480] : memref<800000x8xf32, #tpu.memory_space<hbm>> -> memref<80x8xf32, #tpu.memory_space<hbm>>
        tpu.wait_dma2 semaphore(%dma_wait3A_476 : memref<!tpu.dma_semaphore, #tpu.memory_space<semaphore_mem>>) src(%dma_wait3A_481 : memref<80x8xf32, #tpu.memory_space<hbm>>) dst(%dma_wait3A_479 : memref<80x8xf32, #tpu.memory_space<vmem>>)
        %dma_wait3A_482 = arith.constant 3 : i32
        %dma_wait3A_483 = arith.constant 240 : i32
        %dma_wait3A_484 = arith.constant 0 : i32
        %dma_wait3A_485 = tpu.memref_slice %arg13[%dma_wait3A_483, %dma_wait3A_484] : memref<320x8xf32, #tpu.memory_space<vmem>> -> memref<80x8xf32, #tpu.memory_space<vmem>>
        %dma_wait3A_486 = arith.constant 0 : i32
        %dma_wait3A_487 = tpu.memref_slice %arg5[%add3A_468, %dma_wait3A_486] : memref<800000x8xf32, #tpu.memory_space<hbm>> -> memref<80x8xf32, #tpu.memory_space<hbm>>
        %dma_wait3A_488 = tpu.memref_slice %arg19[%dma_wait3A_482] : memref<4x!tpu.dma_semaphore, #tpu.memory_space<semaphore_mem>> -> memref<1x!tpu.dma_semaphore, #tpu.memory_space<semaphore_mem>>
        %dma_wait3A_489 = tpu.memref_squeeze %dma_wait3A_488 : memref<1x!tpu.dma_semaphore, #tpu.memory_space<semaphore_mem>> -> memref<!tpu.dma_semaphore, #tpu.memory_space<semaphore_mem>>
        %dma_wait3A_490 = arith.constant 240 : i32
        %dma_wait3A_491 = arith.constant 0 : i32
        %dma_wait3A_492 = tpu.memref_slice %arg13[%dma_wait3A_490, %dma_wait3A_491] : memref<320x8xf32, #tpu.memory_space<vmem>> -> memref<80x8xf32, #tpu.memory_space<vmem>>
        %dma_wait3A_493 = arith.constant 0 : i32
        %dma_wait3A_494 = tpu.memref_slice %arg5[%add3A_468, %dma_wait3A_493] : memref<800000x8xf32, #tpu.memory_space<hbm>> -> memref<80x8xf32, #tpu.memory_space<hbm>>
        tpu.wait_dma2 semaphore(%dma_wait3A_489 : memref<!tpu.dma_semaphore, #tpu.memory_space<semaphore_mem>>) src(%dma_wait3A_494 : memref<80x8xf32, #tpu.memory_space<hbm>>) dst(%dma_wait3A_492 : memref<80x8xf32, #tpu.memory_space<vmem>>)
        %mul3A_495 = arith.constant 320 : i32
        %mul3A_496 = arith.muli %add3A_200, %mul3A_495 : i32
        %add3A_497 = arith.constant 240 : i32
        %add3A_498 = arith.addi %mul3A_496, %add3A_497 : i32
        %dma_wait3A_499 = arith.constant 3 : i32
        %dma_wait3A_500 = arith.constant 240 : i32
        %dma_wait3A_501 = arith.constant 0 : i32
        %dma_wait3A_502 = tpu.memref_slice %arg14[%dma_wait3A_500, %dma_wait3A_501] : memref<320x64xf32, #tpu.memory_space<vmem>> -> memref<80x64xf32, #tpu.memory_space<vmem>>
        %dma_wait3A_503 = arith.constant 0 : i32
        %dma_wait3A_504 = tpu.memref_slice %arg6[%add3A_498, %dma_wait3A_503] : memref<800000x64xf32, #tpu.memory_space<hbm>> -> memref<80x64xf32, #tpu.memory_space<hbm>>
        %dma_wait3A_505 = tpu.memref_slice %arg20[%dma_wait3A_499] : memref<4x!tpu.dma_semaphore, #tpu.memory_space<semaphore_mem>> -> memref<1x!tpu.dma_semaphore, #tpu.memory_space<semaphore_mem>>
        %dma_wait3A_506 = tpu.memref_squeeze %dma_wait3A_505 : memref<1x!tpu.dma_semaphore, #tpu.memory_space<semaphore_mem>> -> memref<!tpu.dma_semaphore, #tpu.memory_space<semaphore_mem>>
        %dma_wait3A_507 = arith.constant 240 : i32
        %dma_wait3A_508 = arith.constant 0 : i32
        %dma_wait3A_509 = tpu.memref_slice %arg14[%dma_wait3A_507, %dma_wait3A_508] : memref<320x64xf32, #tpu.memory_space<vmem>> -> memref<80x64xf32, #tpu.memory_space<vmem>>
        %dma_wait3A_510 = arith.constant 0 : i32
        %dma_wait3A_511 = tpu.memref_slice %arg6[%add3A_498, %dma_wait3A_510] : memref<800000x64xf32, #tpu.memory_space<hbm>> -> memref<80x64xf32, #tpu.memory_space<hbm>>
        tpu.wait_dma2 semaphore(%dma_wait3A_506 : memref<!tpu.dma_semaphore, #tpu.memory_space<semaphore_mem>>) src(%dma_wait3A_511 : memref<80x64xf32, #tpu.memory_space<hbm>>) dst(%dma_wait3A_509 : memref<80x64xf32, #tpu.memory_space<vmem>>)
        %mul3A_512 = arith.constant 320 : i32
        %mul3A_513 = arith.muli %and3A_201, %mul3A_512 : i32
        %add3A_514 = arith.constant 240 : i32
        %add3A_515 = arith.addi %mul3A_513, %add3A_514 : i32
        %parallel_loop3A_516 = arith.constant 0 : i32
        %parallel_loop3A_517 = arith.constant 5 : i32
        %parallel_loop3A_518 = arith.constant 1 : i32
        scf.for %parallel_loop3A_529 = %parallel_loop3A_516 to %parallel_loop3A_517 step %parallel_loop3A_518  : i32 {
          %parallel_loop3A_530 = arith.constant 16 : i32
          %parallel_loop3A_531 = arith.muli %parallel_loop3A_529, %parallel_loop3A_530 : i32
          %parallel_loop3A_532 = arith.addi %add3A_515, %parallel_loop3A_531 : i32
          %parallel_loop3A_533 = arith.constant 16 : i32
          %parallel_loop3A_534 = arith.muli %parallel_loop3A_529, %parallel_loop3A_533 : i32
          %parallel_loop3A_535 = arith.constant 240 : i32
          %parallel_loop3A_536 = arith.addi %parallel_loop3A_535, %parallel_loop3A_534 : i32
          %parallel_loop3A_537 = vector.broadcast %parallel_loop3A_536 : i32 to vector<16xi32>
          %parallel_loop3A_538 = arith.addi %parallel_loop3A_537, %iota3A : vector<16xi32>
          %parallel_loop3A_539 = arith.constant 16 : i32
          %parallel_loop3A_540 = arith.muli %parallel_loop3A_529, %parallel_loop3A_539 : i32
          %parallel_loop3A_541 = arith.constant 240 : i32
          %parallel_loop3A_542 = arith.addi %parallel_loop3A_541, %parallel_loop3A_540 : i32
          %parallel_loop3A_543 = vector.broadcast %parallel_loop3A_542 : i32 to vector<16xi32>
          %parallel_loop3A_544 = arith.addi %parallel_loop3A_543, %iota3A : vector<16xi32>
          %parallel_loop3A_545 = arith.index_cast %parallel_loop3A_532 : i32 to index
          %parallel_loop3A_546 = tpu.vector_load %arg10[%parallel_loop3A_545] {strides = array<i32>} : memref<640xf32, #tpu.memory_space<vmem>>, vector<16xf32>,
          %parallel_loop3A_547 = arith.index_cast %parallel_loop3A_532 : i32 to index
          %parallel_loop3A_548 = tpu.vector_load %arg11[%parallel_loop3A_547] {strides = array<i32>} : memref<640xf32, #tpu.memory_space<vmem>>, vector<16xf32>,
          %parallel_loop3A_549 = arith.index_cast %parallel_loop3A_532 : i32 to index
          %parallel_loop3A_550 = tpu.vector_load %arg15[%parallel_loop3A_549] {strides = array<i32>} : memref<640xi32, #tpu.memory_space<vmem>>, vector<16xi32>,
          %parallel_loop3A_551 = arith.index_cast %parallel_loop3A_532 : i32 to index
          %parallel_loop3A_552 = tpu.vector_load %arg16[%parallel_loop3A_551] {strides = array<i32>} : memref<640xi32, #tpu.memory_space<vmem>>, vector<16xi32>,
          %parallel_loop3A_553 = arith.constant 0 : i32
          %parallel_loop3A_554 = vector.broadcast %parallel_loop3A_553 : i32 to vector<16xi32>
          %parallel_loop3A_555 = arith.constant 0 : i32
          %parallel_loop3A_556 = vector.broadcast %parallel_loop3A_555 : i32 to vector<16xi32>
          %parallel_loop3A_557 = arith.constant 0 : i32
          %parallel_loop3A_558 = vector.broadcast %parallel_loop3A_557 : i32 to vector<16xi32>
          %parallel_loop3A_559 = tpu.vector_load_idx %arg12[%parallel_loop3A_538, %parallel_loop3A_558] : memref<320x8xf32, #tpu.memory_space<vmem>>[vector<16xi32>, vector<16xi32>], vector<16xf32>,
          %parallel_loop3A_560 = tpu.vector_load_idx %arg13[%parallel_loop3A_538, %parallel_loop3A_558] : memref<320x8xf32, #tpu.memory_space<vmem>>[vector<16xi32>, vector<16xi32>], vector<16xf32>,
          %parallel_loop3A_561 = arith.cmpf ole, %parallel_loop3A_559, %parallel_loop3A_546 : vector<16xf32>
          %parallel_loop3A_562 = arith.extui %parallel_loop3A_561 : vector<16xi1> to vector<16xi32>
          %parallel_loop3A_563 = arith.addi %parallel_loop3A_554, %parallel_loop3A_562 : vector<16xi32>
          %parallel_loop3A_564 = arith.cmpf ole, %parallel_loop3A_560, %parallel_loop3A_548 : vector<16xf32>
          %parallel_loop3A_565 = arith.extui %parallel_loop3A_564 : vector<16xi1> to vector<16xi32>
          %parallel_loop3A_566 = arith.addi %parallel_loop3A_556, %parallel_loop3A_565 : vector<16xi32>
          %parallel_loop3A_567 = arith.constant 1 : i32
          %parallel_loop3A_568 = vector.broadcast %parallel_loop3A_567 : i32 to vector<16xi32>
          %parallel_loop3A_569 = tpu.vector_load_idx %arg12[%parallel_loop3A_538, %parallel_loop3A_568] : memref<320x8xf32, #tpu.memory_space<vmem>>[vector<16xi32>, vector<16xi32>], vector<16xf32>,
          %parallel_loop3A_570 = tpu.vector_load_idx %arg13[%parallel_loop3A_538, %parallel_loop3A_568] : memref<320x8xf32, #tpu.memory_space<vmem>>[vector<16xi32>, vector<16xi32>], vector<16xf32>,
          %parallel_loop3A_571 = arith.cmpf ole, %parallel_loop3A_569, %parallel_loop3A_546 : vector<16xf32>
          %parallel_loop3A_572 = arith.extui %parallel_loop3A_571 : vector<16xi1> to vector<16xi32>
          %parallel_loop3A_573 = arith.addi %parallel_loop3A_563, %parallel_loop3A_572 : vector<16xi32>
          %parallel_loop3A_574 = arith.cmpf ole, %parallel_loop3A_570, %parallel_loop3A_548 : vector<16xf32>
          %parallel_loop3A_575 = arith.extui %parallel_loop3A_574 : vector<16xi1> to vector<16xi32>
          %parallel_loop3A_576 = arith.addi %parallel_loop3A_566, %parallel_loop3A_575 : vector<16xi32>
          %parallel_loop3A_577 = arith.constant 2 : i32
          %parallel_loop3A_578 = vector.broadcast %parallel_loop3A_577 : i32 to vector<16xi32>
          %parallel_loop3A_579 = tpu.vector_load_idx %arg12[%parallel_loop3A_538, %parallel_loop3A_578] : memref<320x8xf32, #tpu.memory_space<vmem>>[vector<16xi32>, vector<16xi32>], vector<16xf32>,
          %parallel_loop3A_580 = tpu.vector_load_idx %arg13[%parallel_loop3A_538, %parallel_loop3A_578] : memref<320x8xf32, #tpu.memory_space<vmem>>[vector<16xi32>, vector<16xi32>], vector<16xf32>,
          %parallel_loop3A_581 = arith.cmpf ole, %parallel_loop3A_579, %parallel_loop3A_546 : vector<16xf32>
          %parallel_loop3A_582 = arith.extui %parallel_loop3A_581 : vector<16xi1> to vector<16xi32>
          %parallel_loop3A_583 = arith.addi %parallel_loop3A_573, %parallel_loop3A_582 : vector<16xi32>
          %parallel_loop3A_584 = arith.cmpf ole, %parallel_loop3A_580, %parallel_loop3A_548 : vector<16xf32>
          %parallel_loop3A_585 = arith.extui %parallel_loop3A_584 : vector<16xi1> to vector<16xi32>
          %parallel_loop3A_586 = arith.addi %parallel_loop3A_576, %parallel_loop3A_585 : vector<16xi32>
          %parallel_loop3A_587 = arith.constant 3 : i32
          %parallel_loop3A_588 = vector.broadcast %parallel_loop3A_587 : i32 to vector<16xi32>
          %parallel_loop3A_589 = tpu.vector_load_idx %arg12[%parallel_loop3A_538, %parallel_loop3A_588] : memref<320x8xf32, #tpu.memory_space<vmem>>[vector<16xi32>, vector<16xi32>], vector<16xf32>,
          %parallel_loop3A_590 = tpu.vector_load_idx %arg13[%parallel_loop3A_538, %parallel_loop3A_588] : memref<320x8xf32, #tpu.memory_space<vmem>>[vector<16xi32>, vector<16xi32>], vector<16xf32>,
          %parallel_loop3A_591 = arith.cmpf ole, %parallel_loop3A_589, %parallel_loop3A_546 : vector<16xf32>
          %parallel_loop3A_592 = arith.extui %parallel_loop3A_591 : vector<16xi1> to vector<16xi32>
          %parallel_loop3A_593 = arith.addi %parallel_loop3A_583, %parallel_loop3A_592 : vector<16xi32>
          %parallel_loop3A_594 = arith.cmpf ole, %parallel_loop3A_590, %parallel_loop3A_548 : vector<16xf32>
          %parallel_loop3A_595 = arith.extui %parallel_loop3A_594 : vector<16xi1> to vector<16xi32>
          %parallel_loop3A_596 = arith.addi %parallel_loop3A_586, %parallel_loop3A_595 : vector<16xi32>
          %parallel_loop3A_597 = arith.constant 4 : i32
          %parallel_loop3A_598 = vector.broadcast %parallel_loop3A_597 : i32 to vector<16xi32>
          %parallel_loop3A_599 = tpu.vector_load_idx %arg12[%parallel_loop3A_538, %parallel_loop3A_598] : memref<320x8xf32, #tpu.memory_space<vmem>>[vector<16xi32>, vector<16xi32>], vector<16xf32>,
          %parallel_loop3A_600 = tpu.vector_load_idx %arg13[%parallel_loop3A_538, %parallel_loop3A_598] : memref<320x8xf32, #tpu.memory_space<vmem>>[vector<16xi32>, vector<16xi32>], vector<16xf32>,
          %parallel_loop3A_601 = arith.cmpf ole, %parallel_loop3A_599, %parallel_loop3A_546 : vector<16xf32>
          %parallel_loop3A_602 = arith.extui %parallel_loop3A_601 : vector<16xi1> to vector<16xi32>
          %parallel_loop3A_603 = arith.addi %parallel_loop3A_593, %parallel_loop3A_602 : vector<16xi32>
          %parallel_loop3A_604 = arith.cmpf ole, %parallel_loop3A_600, %parallel_loop3A_548 : vector<16xf32>
          %parallel_loop3A_605 = arith.extui %parallel_loop3A_604 : vector<16xi1> to vector<16xi32>
          %parallel_loop3A_606 = arith.addi %parallel_loop3A_596, %parallel_loop3A_605 : vector<16xi32>
          %parallel_loop3A_607 = arith.constant 5 : i32
          %parallel_loop3A_608 = vector.broadcast %parallel_loop3A_607 : i32 to vector<16xi32>
          %parallel_loop3A_609 = tpu.vector_load_idx %arg12[%parallel_loop3A_538, %parallel_loop3A_608] : memref<320x8xf32, #tpu.memory_space<vmem>>[vector<16xi32>, vector<16xi32>], vector<16xf32>,
          %parallel_loop3A_610 = tpu.vector_load_idx %arg13[%parallel_loop3A_538, %parallel_loop3A_608] : memref<320x8xf32, #tpu.memory_space<vmem>>[vector<16xi32>, vector<16xi32>], vector<16xf32>,
          %parallel_loop3A_611 = arith.cmpf ole, %parallel_loop3A_609, %parallel_loop3A_546 : vector<16xf32>
          %parallel_loop3A_612 = arith.extui %parallel_loop3A_611 : vector<16xi1> to vector<16xi32>
          %parallel_loop3A_613 = arith.addi %parallel_loop3A_603, %parallel_loop3A_612 : vector<16xi32>
          %parallel_loop3A_614 = arith.cmpf ole, %parallel_loop3A_610, %parallel_loop3A_548 : vector<16xf32>
          %parallel_loop3A_615 = arith.extui %parallel_loop3A_614 : vector<16xi1> to vector<16xi32>
          %parallel_loop3A_616 = arith.addi %parallel_loop3A_606, %parallel_loop3A_615 : vector<16xi32>
          %parallel_loop3A_617 = arith.constant 6 : i32
          %parallel_loop3A_618 = vector.broadcast %parallel_loop3A_617 : i32 to vector<16xi32>
          %parallel_loop3A_619 = tpu.vector_load_idx %arg12[%parallel_loop3A_538, %parallel_loop3A_618] : memref<320x8xf32, #tpu.memory_space<vmem>>[vector<16xi32>, vector<16xi32>], vector<16xf32>,
          %parallel_loop3A_620 = tpu.vector_load_idx %arg13[%parallel_loop3A_538, %parallel_loop3A_618] : memref<320x8xf32, #tpu.memory_space<vmem>>[vector<16xi32>, vector<16xi32>], vector<16xf32>,
          %parallel_loop3A_621 = arith.cmpf ole, %parallel_loop3A_619, %parallel_loop3A_546 : vector<16xf32>
          %parallel_loop3A_622 = arith.extui %parallel_loop3A_621 : vector<16xi1> to vector<16xi32>
          %parallel_loop3A_623 = arith.addi %parallel_loop3A_613, %parallel_loop3A_622 : vector<16xi32>
          %parallel_loop3A_624 = arith.cmpf ole, %parallel_loop3A_620, %parallel_loop3A_548 : vector<16xf32>
          %parallel_loop3A_625 = arith.extui %parallel_loop3A_624 : vector<16xi1> to vector<16xi32>
          %parallel_loop3A_626 = arith.addi %parallel_loop3A_616, %parallel_loop3A_625 : vector<16xi32>
          %parallel_loop3A_627 = arith.constant 7 : i32
          %parallel_loop3A_628 = vector.broadcast %parallel_loop3A_627 : i32 to vector<16xi32>
          %parallel_loop3A_629 = tpu.vector_load_idx %arg12[%parallel_loop3A_538, %parallel_loop3A_628] : memref<320x8xf32, #tpu.memory_space<vmem>>[vector<16xi32>, vector<16xi32>], vector<16xf32>,
          %parallel_loop3A_630 = tpu.vector_load_idx %arg13[%parallel_loop3A_538, %parallel_loop3A_628] : memref<320x8xf32, #tpu.memory_space<vmem>>[vector<16xi32>, vector<16xi32>], vector<16xf32>,
          %parallel_loop3A_631 = arith.cmpf ole, %parallel_loop3A_629, %parallel_loop3A_546 : vector<16xf32>
          %parallel_loop3A_632 = arith.extui %parallel_loop3A_631 : vector<16xi1> to vector<16xi32>
          %parallel_loop3A_633 = arith.addi %parallel_loop3A_623, %parallel_loop3A_632 : vector<16xi32>
          %parallel_loop3A_634 = arith.cmpf ole, %parallel_loop3A_630, %parallel_loop3A_548 : vector<16xf32>
          %parallel_loop3A_635 = arith.extui %parallel_loop3A_634 : vector<16xi1> to vector<16xi32>
          %parallel_loop3A_636 = arith.addi %parallel_loop3A_626, %parallel_loop3A_635 : vector<16xi32>
          %parallel_loop3A_637 = arith.constant 1 : i32
          %parallel_loop3A_638 = vector.broadcast %parallel_loop3A_637 : i32 to vector<16xi32>
          %parallel_loop3A_639 = arith.subi %parallel_loop3A_550, %parallel_loop3A_638 : vector<16xi32>
          %parallel_loop3A_640 = arith.constant 0 : i32
          %parallel_loop3A_641 = vector.broadcast %parallel_loop3A_640 : i32 to vector<16xi32>
          %parallel_loop3A_642 = arith.maxsi %parallel_loop3A_639, %parallel_loop3A_641 : vector<16xi32>
          %parallel_loop3A_643 = arith.constant 1 : i32
          %parallel_loop3A_644 = vector.broadcast %parallel_loop3A_643 : i32 to vector<16xi32>
          %parallel_loop3A_645 = arith.subi %parallel_loop3A_552, %parallel_loop3A_644 : vector<16xi32>
          %parallel_loop3A_646 = arith.constant 0 : i32
          %parallel_loop3A_647 = vector.broadcast %parallel_loop3A_646 : i32 to vector<16xi32>
          %parallel_loop3A_648 = arith.maxsi %parallel_loop3A_645, %parallel_loop3A_647 : vector<16xi32>
          %parallel_loop3A_649 = arith.constant 1 : i32
          %parallel_loop3A_650 = vector.broadcast %parallel_loop3A_649 : i32 to vector<16xi32>
          %parallel_loop3A_651 = arith.maxsi %parallel_loop3A_633, %parallel_loop3A_650 : vector<16xi32>
          %parallel_loop3A_652 = arith.minsi %parallel_loop3A_651, %parallel_loop3A_642 : vector<16xi32>
          %parallel_loop3A_653 = arith.constant 1 : i32
          %parallel_loop3A_654 = vector.broadcast %parallel_loop3A_653 : i32 to vector<16xi32>
          %parallel_loop3A_655 = arith.maxsi %parallel_loop3A_636, %parallel_loop3A_654 : vector<16xi32>
          %parallel_loop3A_656 = arith.minsi %parallel_loop3A_655, %parallel_loop3A_648 : vector<16xi32>
          %parallel_loop3A_657 = arith.constant 1 : i32
          %parallel_loop3A_658 = vector.broadcast %parallel_loop3A_657 : i32 to vector<16xi32>
          %parallel_loop3A_659 = arith.subi %parallel_loop3A_652, %parallel_loop3A_658 : vector<16xi32>
          %parallel_loop3A_660 = arith.constant 1 : i32
          %parallel_loop3A_661 = vector.broadcast %parallel_loop3A_660 : i32 to vector<16xi32>
          %parallel_loop3A_662 = arith.subi %parallel_loop3A_656, %parallel_loop3A_661 : vector<16xi32>
          %parallel_loop3A_663 = tpu.vector_load_idx %arg12[%parallel_loop3A_538, %parallel_loop3A_659] : memref<320x8xf32, #tpu.memory_space<vmem>>[vector<16xi32>, vector<16xi32>], vector<16xf32>,
          %parallel_loop3A_664 = tpu.vector_load_idx %arg12[%parallel_loop3A_538, %parallel_loop3A_652] : memref<320x8xf32, #tpu.memory_space<vmem>>[vector<16xi32>, vector<16xi32>], vector<16xf32>,
          %parallel_loop3A_665 = tpu.vector_load_idx %arg13[%parallel_loop3A_538, %parallel_loop3A_662] : memref<320x8xf32, #tpu.memory_space<vmem>>[vector<16xi32>, vector<16xi32>], vector<16xf32>,
          %parallel_loop3A_666 = tpu.vector_load_idx %arg13[%parallel_loop3A_538, %parallel_loop3A_656] : memref<320x8xf32, #tpu.memory_space<vmem>>[vector<16xi32>, vector<16xi32>], vector<16xf32>,
          %parallel_loop3A_667 = arith.muli %parallel_loop3A_659, %parallel_loop3A_552 : vector<16xi32>
          %parallel_loop3A_668 = arith.addi %parallel_loop3A_667, %parallel_loop3A_662 : vector<16xi32>
          %parallel_loop3A_669 = arith.addi %parallel_loop3A_668, %parallel_loop3A_552 : vector<16xi32>
          %parallel_loop3A_670 = tpu.vector_load_idx %arg14[%parallel_loop3A_544, %parallel_loop3A_668] : memref<320x64xf32, #tpu.memory_space<vmem>>[vector<16xi32>, vector<16xi32>], vector<16xf32>,
          %parallel_loop3A_671 = arith.constant 1 : i32
          %parallel_loop3A_672 = vector.broadcast %parallel_loop3A_671 : i32 to vector<16xi32>
          %parallel_loop3A_673 = arith.addi %parallel_loop3A_668, %parallel_loop3A_672 : vector<16xi32>
          %parallel_loop3A_674 = tpu.vector_load_idx %arg14[%parallel_loop3A_544, %parallel_loop3A_673] : memref<320x64xf32, #tpu.memory_space<vmem>>[vector<16xi32>, vector<16xi32>], vector<16xf32>,
          %parallel_loop3A_675 = tpu.vector_load_idx %arg14[%parallel_loop3A_544, %parallel_loop3A_669] : memref<320x64xf32, #tpu.memory_space<vmem>>[vector<16xi32>, vector<16xi32>], vector<16xf32>,
          %parallel_loop3A_676 = arith.constant 1 : i32
          %parallel_loop3A_677 = vector.broadcast %parallel_loop3A_676 : i32 to vector<16xi32>
          %parallel_loop3A_678 = arith.addi %parallel_loop3A_669, %parallel_loop3A_677 : vector<16xi32>
          %parallel_loop3A_679 = tpu.vector_load_idx %arg14[%parallel_loop3A_544, %parallel_loop3A_678] : memref<320x64xf32, #tpu.memory_space<vmem>>[vector<16xi32>, vector<16xi32>], vector<16xf32>,
          %parallel_loop3A_680 = arith.subf %parallel_loop3A_664, %parallel_loop3A_663 : vector<16xf32>
          %parallel_loop3A_681 = arith.subf %parallel_loop3A_666, %parallel_loop3A_665 : vector<16xf32>
          %parallel_loop3A_682 = math.absf %parallel_loop3A_680 : vector<16xf32>
          %parallel_loop3A_683 = vector.broadcast %scan3A_179 : f32 to vector<16xf32>
          %parallel_loop3A_684 = arith.cmpf olt, %parallel_loop3A_682, %parallel_loop3A_683 : vector<16xf32>
          %parallel_loop3A_685 = math.absf %parallel_loop3A_681 : vector<16xf32>
          %parallel_loop3A_686 = vector.broadcast %scan3A_179 : f32 to vector<16xf32>
          %parallel_loop3A_687 = arith.cmpf olt, %parallel_loop3A_685, %parallel_loop3A_686 : vector<16xf32>
          %parallel_loop3A_688 = arith.maximumf %parallel_loop3A_663, %parallel_loop3A_546 : vector<16xf32>
          %parallel_loop3A_689 = arith.minimumf %parallel_loop3A_664, %parallel_loop3A_688 : vector<16xf32>
          %parallel_loop3A_690 = arith.maximumf %parallel_loop3A_665, %parallel_loop3A_548 : vector<16xf32>
          %parallel_loop3A_691 = arith.minimumf %parallel_loop3A_666, %parallel_loop3A_690 : vector<16xf32>
          %parallel_loop3A_692 = vector.broadcast %scan3A_179 : f32 to vector<16xf32>
          %parallel_loop3A_693 = arith.select %parallel_loop3A_684, %parallel_loop3A_692, %parallel_loop3A_680 : vector<16xi1>, vector<16xf32>
          %parallel_loop3A_694 = vector.broadcast %scan3A_179 : f32 to vector<16xf32>
          %parallel_loop3A_695 = arith.select %parallel_loop3A_687, %parallel_loop3A_694, %parallel_loop3A_681 : vector<16xi1>, vector<16xf32>
          %parallel_loop3A_696 = arith.constant 1.000000e+00 : f32
          %parallel_loop3A_697 = vector.broadcast %parallel_loop3A_696 : f32 to vector<16xf32>
          %parallel_loop3A_698 = arith.divf %parallel_loop3A_697, %parallel_loop3A_693 : vector<16xf32>
          %parallel_loop3A_699 = arith.constant 1.000000e+00 : f32
          %parallel_loop3A_700 = vector.broadcast %parallel_loop3A_699 : f32 to vector<16xf32>
          %parallel_loop3A_701 = arith.divf %parallel_loop3A_700, %parallel_loop3A_695 : vector<16xf32>
          %parallel_loop3A_702 = arith.mulf %parallel_loop3A_698, %parallel_loop3A_701 : vector<16xf32>
          %parallel_loop3A_703 = arith.subf %parallel_loop3A_689, %parallel_loop3A_663 : vector<16xf32>
          %parallel_loop3A_704 = arith.subf %parallel_loop3A_664, %parallel_loop3A_689 : vector<16xf32>
          %parallel_loop3A_705 = arith.subf %parallel_loop3A_691, %parallel_loop3A_665 : vector<16xf32>
          %parallel_loop3A_706 = arith.subf %parallel_loop3A_666, %parallel_loop3A_691 : vector<16xf32>
          %parallel_loop3A_707 = arith.mulf %parallel_loop3A_704, %parallel_loop3A_706 : vector<16xf32>
          %parallel_loop3A_708 = arith.mulf %parallel_loop3A_707, %parallel_loop3A_702 : vector<16xf32>
          %parallel_loop3A_709 = arith.mulf %parallel_loop3A_704, %parallel_loop3A_705 : vector<16xf32>
          %parallel_loop3A_710 = arith.mulf %parallel_loop3A_709, %parallel_loop3A_702 : vector<16xf32>
          %parallel_loop3A_711 = arith.mulf %parallel_loop3A_703, %parallel_loop3A_706 : vector<16xf32>
          %parallel_loop3A_712 = arith.mulf %parallel_loop3A_711, %parallel_loop3A_702 : vector<16xf32>
          %parallel_loop3A_713 = arith.mulf %parallel_loop3A_703, %parallel_loop3A_705 : vector<16xf32>
          %parallel_loop3A_714 = arith.mulf %parallel_loop3A_713, %parallel_loop3A_702 : vector<16xf32>
          %parallel_loop3A_715 = arith.mulf %parallel_loop3A_705, %parallel_loop3A_701 : vector<16xf32>
          %parallel_loop3A_716 = arith.constant 0.000000e+00 : f32
          %parallel_loop3A_717 = arith.constant 1.000000e+00 : f32
          %parallel_loop3A_718 = vector.broadcast %parallel_loop3A_716 : f32 to vector<16xf32>
          %parallel_loop3A_719 = arith.maximumf %parallel_loop3A_718, %parallel_loop3A_715 : vector<16xf32>
          %parallel_loop3A_720 = vector.broadcast %parallel_loop3A_717 : f32 to vector<16xf32>
          %parallel_loop3A_721 = arith.minimumf %parallel_loop3A_720, %parallel_loop3A_719 : vector<16xf32>
          %parallel_loop3A_722 = arith.mulf %parallel_loop3A_703, %parallel_loop3A_698 : vector<16xf32>
          %parallel_loop3A_723 = arith.constant 0.000000e+00 : f32
          %parallel_loop3A_724 = arith.constant 1.000000e+00 : f32
          %parallel_loop3A_725 = vector.broadcast %parallel_loop3A_723 : f32 to vector<16xf32>
          %parallel_loop3A_726 = arith.maximumf %parallel_loop3A_725, %parallel_loop3A_722 : vector<16xf32>
          %parallel_loop3A_727 = vector.broadcast %parallel_loop3A_724 : f32 to vector<16xf32>
          %parallel_loop3A_728 = arith.minimumf %parallel_loop3A_727, %parallel_loop3A_726 : vector<16xf32>
          %parallel_loop3A_729 = arith.constant 1.000000e+00 : f32
          %parallel_loop3A_730 = vector.broadcast %parallel_loop3A_729 : f32 to vector<16xf32>
          %parallel_loop3A_731 = arith.subf %parallel_loop3A_730, %parallel_loop3A_721 : vector<16xf32>
          %parallel_loop3A_732 = arith.constant 1.000000e+00 : f32
          %parallel_loop3A_733 = vector.broadcast %parallel_loop3A_732 : f32 to vector<16xf32>
          %parallel_loop3A_734 = arith.select %parallel_loop3A_687, %parallel_loop3A_733, %parallel_loop3A_731 : vector<16xi1>, vector<16xf32>
          %parallel_loop3A_735 = arith.constant 1.000000e+00 : f32
          %parallel_loop3A_736 = vector.broadcast %parallel_loop3A_735 : f32 to vector<16xf32>
          %parallel_loop3A_737 = arith.subf %parallel_loop3A_736, %parallel_loop3A_728 : vector<16xf32>
          %parallel_loop3A_738 = arith.select %parallel_loop3A_687, %parallel_loop3A_737, %parallel_loop3A_708 : vector<16xi1>, vector<16xf32>
          %parallel_loop3A_739 = arith.select %parallel_loop3A_684, %parallel_loop3A_734, %parallel_loop3A_738 : vector<16xi1>, vector<16xf32>
          %parallel_loop3A_740 = arith.constant 0.000000e+00 : f32
          %parallel_loop3A_741 = vector.broadcast %parallel_loop3A_740 : f32 to vector<16xf32>
          %parallel_loop3A_742 = arith.select %parallel_loop3A_687, %parallel_loop3A_741, %parallel_loop3A_721 : vector<16xi1>, vector<16xf32>
          %parallel_loop3A_743 = arith.constant 0.000000e+00 : f32
          %parallel_loop3A_744 = vector.broadcast %parallel_loop3A_743 : f32 to vector<16xf32>
          %parallel_loop3A_745 = arith.select %parallel_loop3A_687, %parallel_loop3A_744, %parallel_loop3A_710 : vector<16xi1>, vector<16xf32>
          %parallel_loop3A_746 = arith.select %parallel_loop3A_684, %parallel_loop3A_742, %parallel_loop3A_745 : vector<16xi1>, vector<16xf32>
          %parallel_loop3A_747 = arith.select %parallel_loop3A_687, %parallel_loop3A_728, %parallel_loop3A_712 : vector<16xi1>, vector<16xf32>
          %parallel_loop3A_748 = arith.constant 0.000000e+00 : f32
          %parallel_loop3A_749 = vector.broadcast %parallel_loop3A_748 : f32 to vector<16xf32>
          %parallel_loop3A_750 = arith.select %parallel_loop3A_684, %parallel_loop3A_749, %parallel_loop3A_747 : vector<16xi1>, vector<16xf32>
          %parallel_loop3A_751 = arith.constant 0.000000e+00 : f32
          %parallel_loop3A_752 = vector.broadcast %parallel_loop3A_751 : f32 to vector<16xf32>
          %parallel_loop3A_753 = arith.select %parallel_loop3A_687, %parallel_loop3A_752, %parallel_loop3A_714 : vector<16xi1>, vector<16xf32>
          %parallel_loop3A_754 = arith.constant 0.000000e+00 : f32
          %parallel_loop3A_755 = vector.broadcast %parallel_loop3A_754 : f32 to vector<16xf32>
          %parallel_loop3A_756 = arith.select %parallel_loop3A_684, %parallel_loop3A_755, %parallel_loop3A_753 : vector<16xi1>, vector<16xf32>
          %parallel_loop3A_757 = arith.mulf %parallel_loop3A_739, %parallel_loop3A_670 : vector<16xf32>
          %parallel_loop3A_758 = arith.mulf %parallel_loop3A_746, %parallel_loop3A_674 : vector<16xf32>
          %parallel_loop3A_759 = arith.addf %parallel_loop3A_757, %parallel_loop3A_758 : vector<16xf32>
          %parallel_loop3A_760 = arith.mulf %parallel_loop3A_750, %parallel_loop3A_675 : vector<16xf32>
          %parallel_loop3A_761 = arith.addf %parallel_loop3A_759, %parallel_loop3A_760 : vector<16xf32>
          %parallel_loop3A_762 = arith.mulf %parallel_loop3A_756, %parallel_loop3A_679 : vector<16xf32>
          %parallel_loop3A_763 = arith.addf %parallel_loop3A_761, %parallel_loop3A_762 : vector<16xf32>
          %parallel_loop3A_764 = arith.index_cast %parallel_loop3A_532 : i32 to index
          %parallel_loop3A_765 = tpu.vector_load %arg17[%parallel_loop3A_764] {strides = array<i32>} : memref<640xf32, #tpu.memory_space<vmem>>, vector<16xf32>,
          tpu.vector_store %arg17[%parallel_loop3A_764], %parallel_loop3A_763 {strides = array<i32>} : memref<640xf32, #tpu.memory_space<vmem>>, vector<16xf32>,
        } {sc.loop_unroll_factor = 2 : i64, sc.parallel_access}
        %mul3A_519 = arith.constant 320 : i32
        %mul3A_520 = arith.muli %and3A_201, %mul3A_519 : i32
        %mul3A_521 = arith.constant 320 : i32
        %mul3A_522 = arith.muli %add3A_200, %mul3A_521 : i32
        %dma_start3A_523 = tpu.memref_slice %arg17[%mul3A_520] : memref<640xf32, #tpu.memory_space<vmem>> -> memref<320xf32, #tpu.memory_space<vmem>>
        %dma_start3A_524 = tpu.memref_slice %arg9[%mul3A_522] : memref<800000xf32, #tpu.memory_space<hbm>> -> memref<320xf32, #tpu.memory_space<hbm>>
        %dma_start3A_525 = tpu.memref_slice %arg21[%and3A_201] : memref<2x!tpu.dma_semaphore, #tpu.memory_space<semaphore_mem>> -> memref<1x!tpu.dma_semaphore, #tpu.memory_space<semaphore_mem>>
        %dma_start3A_526 = tpu.memref_squeeze %dma_start3A_525 : memref<1x!tpu.dma_semaphore, #tpu.memory_space<semaphore_mem>> -> memref<!tpu.dma_semaphore, #tpu.memory_space<semaphore_mem>>
        %dma_start3A_527 = tpu.memref_slice %arg9[%mul3A_522] : memref<800000xf32, #tpu.memory_space<hbm>> -> memref<320xf32, #tpu.memory_space<hbm>>
        %dma_start3A_528 = tpu.memref_slice %arg17[%mul3A_520] : memref<640xf32, #tpu.memory_space<vmem>> -> memref<320xf32, #tpu.memory_space<vmem>>
        tpu.enqueue_dma source(%dma_start3A_528 : memref<320xf32, #tpu.memory_space<vmem>>) target(%dma_start3A_527 : memref<320xf32, #tpu.memory_space<hbm>>) target_semaphore(%dma_start3A_526 : memref<!tpu.dma_semaphore, #tpu.memory_space<semaphore_mem>>)
      } else {
      }
    }
    %scan3A_184 = arith.constant 79 : i32
    %sub3A = arith.constant 2500 : i32
    %sub3A_185 = arith.subi %sub3A, %add3A : i32
    %add3A_186 = arith.constant 32 : i32
    %add3A_187 = arith.addi %sub3A_185, %add3A_186 : i32
    %sub3A_188 = arith.constant 1 : i32
    %sub3A_189 = arith.subi %add3A_187, %sub3A_188 : i32
    %shift_right_logical3A = arith.constant 5 : i32
    %shift_right_logical3A_190 = arith.shrui %sub3A_189, %shift_right_logical3A : i32
    %scan3A_191 = arith.constant 0 : i32
    %scan3A_192 = arith.constant 0 : i32
    %scan3A_193 = arith.constant 2 : i32
    %scan3A_194 = arith.addi %scan3A_192, %scan3A_193 : i32
    %scan3A_195 = arith.constant 1 : i32
    scf.for %scan3A_197 = %scan3A_192 to %scan3A_194 step %scan3A_195  : i32 {
      %sub3A_198 = arith.constant 2 : i32
      %sub3A_199 = arith.subi %shift_right_logical3A_190, %sub3A_198 : i32
      %add3A_200 = arith.addi %sub3A_199, %scan3A_197 : i32
      %ge3A = arith.constant 0 : i32
      %ge3A_201 = arith.cmpi sge, %add3A_200, %ge3A : i32
      %convert_element_type3A = arith.extui %ge3A_201 : i1 to i32
      %cond3A = arith.constant 0 : i32
      %cond3A_202 = arith.cmpi ne, %convert_element_type3A, %cond3A : i32
      scf.if %cond3A_202 {
        %mul3A_203 = arith.constant 32 : i32
        %mul3A_204 = arith.muli %add3A_200, %mul3A_203 : i32
        %add3A_205 = arith.addi %add3A, %mul3A_204 : i32
        %and3A = arith.constant 1 : i32
        %and3A_206 = arith.andi %add3A_200, %and3A : i32
        %mul3A_207 = arith.constant 320 : i32
        %mul3A_208 = arith.muli %and3A_206, %mul3A_207 : i32
        %mul3A_209 = arith.constant 320 : i32
        %mul3A_210 = arith.muli %add3A_205, %mul3A_209 : i32
        %dma_wait3A = tpu.memref_slice %arg17[%mul3A_208] : memref<640xf32, #tpu.memory_space<vmem>> -> memref<320xf32, #tpu.memory_space<vmem>>
        %dma_wait3A_211 = tpu.memref_slice %arg9[%mul3A_210] : memref<800000xf32, #tpu.memory_space<hbm>> -> memref<320xf32, #tpu.memory_space<hbm>>
        %dma_wait3A_212 = tpu.memref_slice %arg21[%and3A_206] : memref<2x!tpu.dma_semaphore, #tpu.memory_space<semaphore_mem>> -> memref<1x!tpu.dma_semaphore, #tpu.memory_space<semaphore_mem>>
        %dma_wait3A_213 = tpu.memref_squeeze %dma_wait3A_212 : memref<1x!tpu.dma_semaphore, #tpu.memory_space<semaphore_mem>> -> memref<!tpu.dma_semaphore, #tpu.memory_space<semaphore_mem>>
        %dma_wait3A_214 = tpu.memref_slice %arg9[%mul3A_210] : memref<800000xf32, #tpu.memory_space<hbm>> -> memref<320xf32, #tpu.memory_space<hbm>>
        %dma_wait3A_215 = tpu.memref_slice %arg17[%mul3A_208] : memref<640xf32, #tpu.memory_space<vmem>> -> memref<320xf32, #tpu.memory_space<vmem>>
        tpu.wait_dma2 semaphore(%dma_wait3A_213 : memref<!tpu.dma_semaphore, #tpu.memory_space<semaphore_mem>>) src(%dma_wait3A_215 : memref<320xf32, #tpu.memory_space<vmem>>) dst(%dma_wait3A_214 : memref<320xf32, #tpu.memory_space<hbm>>)
      } else {
      }
    }
    %scan3A_196 = arith.constant 2 : i32
    return
  }
}

</mosaic_0001>

<sc_bundles>
// kernel: _sc_call.3.cloned.1.call-start
scs
__scs_entry_jumppad:
0x0: {  	(pc) =	sbr.rel $0x88, $3  }
0x1: {  	(tag) =	ssettag $0x0;
	lr =	simm.s32 $0x1  }
0x2: {  	[smem:$0x3F9A] =	sst lr;
	_ =	strace $0xD0000000  }
0x3: {  	_ = 	snop  }
0x4: {  	_ = 	snop  }
0x5: {  	_ = 	snop  }
0x6: {  	_ = 	snop  }
0x7: {  	_ = 	snop  }
__scs_overlays_trampoline_lowered:
0x8: {  	[smem:$0x3FA9] =	sst s0  }
0x9: {  	[smem:$0x3FAA] =	sst s1  }
0xa: {  	[smem:$0x3FAB] =	sst s2  }
0xb: {  	[smem:$0x3FAC] =	sst s3  }
0xc: {  	[smem:$0x3FAD] =	sst s4  }
0xd: {  	[smem:$0x3FAE] =	sst s5  }
0xe: {  	[smem:$0x3FAF] =	sst s6  }
0xf: {  	[smem:$0x3FB0] =	sst s7  }
0x10: {  	[smem:$0x3FB1] =	sst s8  }
0x11: {  	[smem:$0x3FB2] =	sst s9;
	s0 =	simm.s32 @!p0 $0x0  }
0x12: {  	s1 =	sld [smem:$0x3F98];
	s0 =	simm.s32 @p0 $0x1  }
0x13: {  	[smem:$0x3FB3] =	sst s0;
	s0 =	simm.s32 @!p1 $0x0  }
0x14: {  	s2 =	sld [smem:$0x3F97];
	s0 =	simm.s32 @p1 $0x1  }
0x15: {  	[smem:$0x3FB4] =	sst s0;
	s0 =	simm.s32 @!p2 $0x0  }
0x16: {  	s3 =	sld [smem:$0x3FDB];
	s0 =	simm.s32 @p2 $0x1  }
0x17: {  	s4 =	simm.s32 $0x1BF5;
	[smem:$0x3FB6] =	sst s0  }
0x18: {  	s0 =	sld [smem:$0x3F99];
	_ =	swait.ge [sflag:s4], $0x0  }
0x19: {  	s7 =	sld [smem:$0x3F9A]  }
0x1a: {  	s8 =	sadd.s32 $0xFFFFE003, lr  }
0x1b: {  	s9 =	sadd.s32 $0xFFFFFEF7, lr;
	s5 =	simm.s32 $0xFFFFFFFF;
	p2 =	slt.u32 s8, $0xFFFFF086  }
0x1c: {  	p1 =	slt.u32 s9, $0xF7A;
	s5 =	simm.s32 @!p2 $0x0  }
0x1d: {  	s5 =	simm.s32 @p1 $0x1;
	p0 =	seq.s32 s7, s2  }
0x1e: {  	s7 =	smul.u32 @!p0 $0xF7A, s2;
	p2 =	seq.s32 @!p0 s5, $0x0  }
0x1f: {  	s9 =	smul.u32 $0xF7A, s1;
	s8 =	simm.s32 @!p0 $0x1BF5;
	p2 =	por !p2, p0  }
0x20: {  	[sflag:s8] =	ssyncset.s32 @!p0 $0xFFFFF086;
	s6 =	sadd.s32 @!p0 s3, s7;
	s7 =	simm.s32 @!p0 $0x108  }
0x21: {  	s3 =	sadd.s32 s3, s9;
	s6 =	sadd.s32 @!p0 $0x88, s6;
	s7 =	simm.s32 @p2 $0x1082  }
0x22: {  	[simem:s7], [sflag:s8] =	dma.local @!p0 [hbm:s6], $0xF7A  }
0x23: {  	s9 =	sor.u32 $0xD0000000, s2;
	s6 =	simm.s32 $0x108;
	_ =	swait.ge @!p0 [sflag:s8], $0x0  }
0x24: {  	s3 =	sadd.s32 $0x88, s3;
	s6 =	simm.s32 @!p1 $0x1082;
	[sflag:s4] =	ssyncset.s32 $0xFFFFF086  }
0x25: {  	[simem:s6], [sflag:s4] =	dma.local [hbm:s3], $0xF7A  }
0x26: {  	[smem:$0x3F9A] =	sst s1;
	(tag) =	ssettag s2;
	_ =	strace s9  }
0x27: {  	s1 =	sld [smem:$0x3FAA]  }
0x28: {  	s2 =	sld [smem:$0x3FAB]  }
0x29: {  	s4 =	sld [smem:$0x3FAD]  }
0x2a: {  	p0 =	seq.s32 s5, $0x0;
	s5 =	sld [smem:$0x3FAE]  }
0x2b: {  	s6 =	sld [smem:$0x3FAF]  }
0x2c: {  	s7 =	sld [smem:$0x3FB0]  }
0x2d: {  	s3 =	simm.s32 $0x108;
	s8 =	sld [smem:$0x3FB1]  }
0x2e: {  	s3 =	simm.s32 @!p0 $0x1082;
	s9 =	sld [smem:$0x3FB2]  }
0x2f: {  	lr =	sadd.s32 s0, s3;
	s0 =	sld [smem:$0x3FA9]  }
0x30: {  	s3 =	sld [smem:$0x3FAC]  }
0x31: {  	[smem:$0x3FB5] =	sst s10  }
0x32: {  	s10 =	sld [smem:$0x3FB3];
	_ =	sdelay $0x3  }
0x33: {  	p0 =	seq.s32 s10, $0x1;
	s10 =	sld [smem:$0x3FB5];
	_ =	sdelay $0x3  }
0x34: {  	[smem:$0x3FB5] =	sst s10  }
0x35: {  	s10 =	sld [smem:$0x3FB4];
	_ =	sdelay $0x3  }
0x36: {  	p1 =	seq.s32 s10, $0x1;
	s10 =	sld [smem:$0x3FB5];
	_ =	sdelay $0x3  }
0x37: {  	[smem:$0x3FB5] =	sst s10  }
0x38: {  	s10 =	sld [smem:$0x3FB6]  }
0x39: {  	_ = 	snop;
	(pc) =	sbr.ind lr, $3  }
0x3a: {  	_ = 	snop  }
0x3b: {  	_ = 	snop  }
0x3c: {  	p2 =	seq.s32 s10, $0x1;
	s10 =	sld [smem:$0x3FB5]  }
0x3d: {  	_ =	shalt  }
0x3e: {  	_ =	shalt  }
0x3f: {  	_ =	shalt  }
0x40: {  	_ =	shalt  }
0x41: {  	_ =	shalt  }
0x42: {  	_ =	shalt  }
0x43: {  	_ =	shalt  }
0x44: {  	_ =	shalt  }
0x45: {  	_ =	shalt  }
0x46: {  	_ =	shalt  }
0x47: {  	_ =	shalt  }
0x48: {  	_ =	shalt  }
0x49: {  	_ =	shalt  }
0x4a: {  	_ =	shalt  }
0x4b: {  	_ =	shalt  }
0x4c: {  	_ =	shalt  }
0x4d: {  	_ =	shalt  }
0x4e: {  	_ =	shalt  }
0x4f: {  	_ =	shalt  }
0x50: {  	_ =	shalt  }
0x51: {  	_ =	shalt  }
0x52: {  	_ =	shalt  }
0x53: {  	_ =	shalt  }
0x54: {  	_ =	shalt  }
0x55: {  	_ =	shalt  }
0x56: {  	_ =	shalt  }
0x57: {  	_ =	shalt  }
0x58: {  	_ =	shalt  }
0x59: {  	_ =	shalt  }
0x5a: {  	_ =	shalt  }
0x5b: {  	_ =	shalt  }
0x5c: {  	_ =	shalt  }
0x5d: {  	_ =	shalt  }
0x5e: {  	_ =	shalt  }
0x5f: {  	_ =	shalt  }
0x60: {  	_ =	shalt  }
0x61: {  	_ =	shalt  }
0x62: {  	_ =	shalt  }
0x63: {  	_ =	shalt  }
0x64: {  	_ =	shalt  }
0x65: {  	_ =	shalt  }
0x66: {  	_ =	shalt  }
0x67: {  	_ =	shalt  }
0x68: {  	_ =	shalt  }
0x69: {  	_ =	shalt  }
0x6a: {  	_ =	shalt  }
0x6b: {  	_ =	shalt  }
0x6c: {  	_ =	shalt  }
0x6d: {  	_ =	shalt  }
0x6e: {  	_ =	shalt  }
0x6f: {  	_ =	shalt  }
0x70: {  	_ =	shalt  }
0x71: {  	_ =	shalt  }
0x72: {  	_ =	shalt  }
0x73: {  	_ =	shalt  }
0x74: {  	_ =	shalt  }
0x75: {  	_ =	shalt  }
0x76: {  	_ =	shalt  }
0x77: {  	_ =	shalt  }
0x78: {  	_ =	shalt  }
0x79: {  	_ =	shalt  }
0x7a: {  	_ =	shalt  }
0x7b: {  	_ =	shalt  }
0x7c: {  	_ =	shalt  }
0x7d: {  	_ =	shalt  }
0x7e: {  	_ =	shalt  }
0x7f: {  	_ =	shalt  }
0x80: {  	_ =	shalt  }
0x81: {  	_ =	shalt  }
0x82: {  	_ =	shalt  }
0x83: {  	_ =	shalt  }
0x84: {  	_ =	shalt  }
0x85: {  	_ =	shalt  }
0x86: {  	_ =	shalt  }
0x87: {  	_ =	shalt  }
.Lfunc_end0:
.L_simem_size_0:
called_computation_lowered:
.L_overlay_start_0:
0x88: {  	s2 =	sld [smem:$0x3FD9]  }
0x89: {  	s3 =	sld [smem:$0x3FFE];
	_ =	sdelay $0x1  }
0x8a: {  	s1 =	srdreg.scid  }
0x8b: {  	s0 =	sand.u32 $0x1, s1  }
0x8c: {  	s17 =	sshll.u32 s0, $0xA;
	s2 =	sadd.s32 s3, s2  }
0x8d: {  	s2 =	sadd.s32 s2, s17  }
0x8e: {  	[smem:$0x3FC1] =	sst s2  }
0x8f: {  	_ = 	snop  }
0x90: {  	s2 =	sld [smem:$0x3FC9]  }
0x91: {  	s18 =	sld [smem:$0x3FC8]  }
0x92: {  	s4 =	sld [smem:$0x3FC4]  }
0x93: {  	s5 =	sld [smem:$0x3FC3]  }
0x94: {  	s6 =	sld [smem:$0x3FD0];
	(tm) =	ssettm $0x1  }
0x95: {  	s7 =	sld [smem:$0x3FFB];
	_ =	sdelay $0x3  }
0x96: {  	_ =	strace s7  }
0x97: {  	s7 =	sld [smem:$0x3FFC];
	_ =	sdelay $0x3  }
0x98: {  	_ =	strace s7  }
0x99: {  	s7 =	sld [smem:$0x3FFD];
	_ =	sdelay $0x3  }
0x9a: {  	_ =	strace s7  }
0x9b: {  	_ =	strace $0x8FFFFFFF  }
0x9c: {  	s19 =	sld [smem:$0x3FDB];
	_ =	sdelay $0x1  }
0x9d: {  	s8 =	simm.s32 $_scs_section_size  }
0x9e: {  	s9 =	simm.s32 $_size__tile_overlayer_lowered;
	s10 =	simm.s32 $_tile_overlayer_lowered  }
0x9f: {  	s22 =	simm.s32 $0x1BFF;
	s21 =	sshll.u32 s10, $0x1;
	s7 =	sadd.s32 s8, s19  }
0xa0: {  	s11 =	simm.s32 $0x0;
	s20 =	sshll.u32 s9, $0x1;
	s9 =	sadd.s32 s21, s7  }
0xa1: {  	[timem:s11], [sflag:s22] =	dma.local [hbm:s9], s20  }
0xa2: {  	_ =	swait.ge [sflag:s22], s20  }
0xa3: {  	s8 =	ssub.s32 $0x0, s20;
	[sflag:s22] =	ssyncset.done $0x0  }
0xa4: {  	[sflag:s22] =	ssyncadd.s32 s8;
	_ =	sdelay $0x1  }
0xa5: {  	s23 =	simm.s32 $0x1B8B  }
0xa6: {  	_ =	swait.ge [sflag:s23], $0x1  }
0xa7: {  	[sflag:s23] =	ssyncset.done $0x0  }
0xa8: {  	s25 =	simm.s32 $0x1B8E;
	s24 =	sld [smem:$0x3FFE];
	[sflag:s23] =	ssyncadd.s32 $0xFFFFFFFF  }
0xa9: {  	s26 =	simm.s32 $execute0_lowered;
	[smem:$0x3FD2] =	sst s25  }
0xaa: {  	s9 =	sshll.u32 s26, $0x1;
	_ =	strace $0x80000046;
	[dreg:$0x1] =	wrdreg $0xFFFFFFFF  }
0xab: {  	s28 =	simm.s32 $_size_execute0_lowered;
	s7 =	sadd.s32 s7, s9;
	[dreg:$0x0] =	wrdreg $0x0  }
0xac: {  	s9 =	sshll.u32 s28, $0x1;
	[dreg:$0x2] =	wrdreg s7  }
0xad: {  	[dreg:$0x3] =	wrdreg s9  }
0xae: {  	[dreg:$0x4] =	wrdreg $0xC0  }
0xaf: {  	_ =	task [dreg:s11], $0x5FFFF  }
0xb0: {  	[dreg:$0x1] =	wrdreg $0xFFFFFFFF  }
0xb1: {  	[dreg:$0x0] =	wrdreg $0x60  }
0xb2: {  	[dreg:$0x2] =	wrdreg s2  }
0xb3: {  	[dreg:$0x3] =	wrdreg s18  }
0xb4: {  	[dreg:$0x4] =	wrdreg s24  }
0xb5: {  	[dreg:$0x5] =	wrdreg s4  }
0xb6: {  	[dreg:$0x6] =	wrdreg s5  }
0xb7: {  	[dreg:$0x7] =	wrdreg s6  }
0xb8: {  	[dreg:$0x8] =	wrdreg $0x9  }
0xb9: {  	_ =	task.clear_ibuf [dreg:s11], $0x9FFFF;
	_ =	strace $0x90000046  }
0xba: {  	s29 =	simm.s32 $0x9;
	_ =	strace $0x80000048  }
0xbb: {  	_ =	swait.ge [sflag:s29], $0x1  }
0xbc: {  	[sflag:s29] =	ssyncadd.s32 $0xFFFFFFFF  }
0xbd: {  	_ =	strace $0x90000048  }
0xbe: {  	_ =	sfence  }
0xbf: {  	s30 =	sld [smem:$0x0];
	_ =	sdelay $0x2  }
0xc0: {  	s31 =	sshll.u32 s1, $0xD;
	s1 =	sshrl.u32 s1, $0x2  }
0xc1: {  	s3 =	sand.u32 $0x4000, s31;
	s1 =	sadd.s32 s1, s30  }
0xc2: {  	s0 =	sor.u32 s3, s0;
	s1 =	sshll.u32 s1, $0x11  }
0xc3: {  	s0 =	sor.u32 s1, s0  }
0xc4: {  	s0 =	sadd.s32 $0x8F2B, s0  }
0xc5: {  	[sflag:s0] =	ssyncadd.remote.s32 $0x1  }
0xc6: {  	_ =	sfence.sel $0xFFFF  }
0xc7: {  	[dreg:$0x0] =	wrdreg $0xFFFFFFFF;
	(pc) =	sbr.abs _section_cstart, $3  }
0xc8: {  	[dreg:$0x1] =	wrdreg $0xFFFFFFFF  }
0xc9: {  	_ =	task.clear_ibuf [dreg:s11], $0x2FFFF;
	_ =	strace $0x9FFFFFFF  }
0xca: {  	(tm) =	ssettm $0x7FFFFFFF  }
0xcb: {  	_ =	shalt  }
tec
execute0_lowered:
.L_overlay_start_1:
0x0: {  	(tag) =	ssettag $0x1  }
0x1: {  	s2 =	rddreg [dreg:$0x0]  }
0x2: {  	s3 =	rddreg [dreg:$0x1]  }
0x3: {  	s0 =	rddreg [dreg:$0x2]  }
0x4: {  	s13 =	rddreg [dreg:$0x3]  }
0x5: {  	s6 =	rddreg [dreg:$0x4];
	s7 =	simm.s32 $0x0  }
0x6: {  	s1 =	srdreg.scid;
	s4 =	stileid.u32;
	s29 =	simm.s32 $0x14500  }
0x7: {  	s30 =	simm.s32 $0x7D00;
	s31 =	simm.s32 $0x11D00;
	[smem:$0x7FF] =	sst s7  }
0x8: {  	s1 =	sand.u32 $0x1, s1;
	s5 =	sshll.u32 s4, $0x1;
	s8 =	sadd.s32 $0x600, s0  }
0x9: {  	s10 =	sadd.s32 $0xC35600, s0;
	s11 =	sadd.s32 $0x186A600, s0;
	s9 =	sor.u32 s1, s5  }
0xa: {  	_ =	strace $0x80000047;
	s1 =	ssub.s32 $0x2, s1;
	s5 =	smul.u32 $0x28, s9  }
0xb: {  	s25 =	sshrl.u32 s1, $0x1;
	s12 =	smul.u32 $0xA000, s9;
	s20 =	ssub.s32 $0x23, s9  }
0xc: {  	s28 =	smul.u32 $0x1400, s9;
	s0 =	ssub.s32 s1, s25;
	s23 =	sshrl.u32 s20, $0x5  }
0xd: {  	s20 =	simm.s32 $0xA;
	s26 =	sadd.s32 s2, s5;
	s3 =	sadd.s32 s3, s5  }
0xe: {  	s4 =	sadd.s32 s13, s5;
	s12 =	sshrl.u32 s12, $0x3;
	[dreg:$0x7] =	wrdreg s26  }
0xf: {  	s14 =	sadd.s32 s8, s28;
	s16 =	sadd.s32 s10, s28;
	[dreg:$0x8] =	wrdreg s3  }
0x10: {  	s1 =	sadd.s32 s11, s28;
	s25 =	sxor.u32 $0x1, s23;
	[dreg:$0x9] =	wrdreg s4  }
0x11: {  	s0 =	smax.u32 s0, $0x1;
	s3 =	smov.u32 s13;
	[dreg:$0xb] =	wrdreg s14  }
0x12: {  	s4 =	smov.u32 s6;
	s13 =	sadd.s32 s6, s5;
	[dreg:$0xc] =	wrdreg s16  }
0x13: {  	s15 =	sadd.s32 $0x500, s12;
	[dreg:$0xd] =	wrdreg s1;
	s19 =	sadd.s32 $0xA00, s12  }
0x14: {  	s26 =	sadd.s32 $0xB, s23;
	[dreg:$0x15] =	wrdreg s0;
	s28 =	sadd.s32 $0xB, s25  }
0x15: {  	s0 =	simm.s32 $0x500;
	s5 =	simm.s32 $0xA500;
	[dreg:$0xa] =	wrdreg s13  }
0x16: {  	s12 =	simm.s32 $0x1BD00;
	s14 =	simm.s32 $0x7;
	[dreg:$0x14] =	wrdreg s26  }
0x17: {  	s16 =	simm.s32 $0x8;
	s17 =	sadd.s32 s8, s15;
	[dreg:$0x16] =	wrdreg s28  }
0x18: {  	s6 =	simm.s32 $0x0;
	s18 =	sadd.s32 s10, s15;
	[dreg:$0xe] =	wrdreg s17  }
.Ltmp0:
0x19: {  	s21 =	sadd.s32 s11, s15;
	[dreg:$0xf] =	wrdreg s18;
	(pc) =	sbr.rel .LBB2_1-.Ltmp0, $4  }
0x1a: {  	s22 =	sadd.s32 s8, s19;
	s24 =	sadd.s32 s10, s19;
	[dreg:$0x10] =	wrdreg s21  }
0x1b: {  	s1 =	sadd.s32 s11, s19;
	s13 =	simm.s32 $0x3;
	[dreg:$0x11] =	wrdreg s22  }
0x1c: {  	v0 =	vlaneseq.u32;
	s15 =	simm.s32 $0x4;
	s19 =	simm.s32 $0x6;
	[dreg:$0x12] =	wrdreg s24  }
0x1d: {  	v1 =	vimm.s32 $0x0;
	v0 =	vmul.u32 $0x80, v0;
	[dreg:$0x13] =	wrdreg s1;
	s17 =	simm.s32 $0x5;
	s18 =	simm.s32 $0x9  }
.LBB2_13:
0x1e: {  	s1 =	rddreg [dreg:$0x14]  }
0x1f: {  	_ =	swait.ge [sflag:s1], $0x140  }
0x20: {  	[sflag:s1] =	ssyncset.done $0x0  }
0x21: {  	s2 =	rddreg [dreg:$0x16];
	[sflag:s1] =	ssyncadd.s32 $0xFFFFFEC0  }
0x22: {  	_ =	swait.ge [sflag:s2], $0x140  }
0x23: {  	s6 =	rddreg [dreg:$0x17]  }
0x24: {  	s28 =	rddreg [dreg:$0x15];
	s6 =	sadd.s32 $0x1, s6  }
0x25: {  	p0 =	sne.s32 s6, s28  }
.Ltmp1:
0x26: {  	_ = 	snop;
	(pc) =	sbr.rel @!p0 .LBB2_14-.Ltmp1, $3  }
0x27: {  	_ =	sdelay $0x1  }
0x28: {  	[sflag:s2] =	ssyncset.done $0x0  }
0x29: {  	[sflag:s2] =	ssyncadd.s32 $0xFFFFFEC0  }
.LBB2_1:
0x2a: {  	[dreg:$0x17] =	wrdreg s6  }
0x2b: {  	s1 =	rddreg [dreg:$0x7]  }
0x2c: {  	[tilespmem:s7], [sflag:$0x1] =	stream.linear.gather [hbm4b:s1+s7], $0x140, $0x38;
	[tilespmem:$0x1EC80] =	vst v63  }
0x2d: {  	s25 =	rddreg [dreg:$0x8];
	s2 =	simm.s32 $0x280  }
0x2e: {  	[tilespmem:s2], [sflag:$0x1] =	stream.linear.gather [hbm4b:s25+s7], $0x140, $0x38;
	[tilespmem:$0x1EC80] =	vst v63  }
0x2f: {  	s26 =	rddreg [dreg:$0x9];
	s28 =	simm.s32 $0x1E500  }
0x30: {  	[tilespmem:s28], [sflag:$0x1] =	stream.linear.gather [hbm4b:s26+s7], $0x140, $0x38;
	[tilespmem:$0x1EC80] =	vst v63  }
0x31: {  	s6 =	simm.s32 $0x1E780;
	s2 =	rddreg [dreg:$0xa]  }
0x32: {  	[tilespmem:s6], [sflag:$0x1] =	stream.linear.gather [hbm4b:s2+s7], $0x140, $0x38;
	[tilespmem:$0x1EC80] =	vst v63  }
0x33: {  	s21 =	rddreg [dreg:$0xb]  }
0x34: {  	[tilespmem:s0], [sflag:$0x3] =	stream.linear.gather [hbm4b:s21+s7], $0x2800, $0x38;
	[tilespmem:$0x1EC80] =	vst v63  }
0x35: {  	s22 =	rddreg [dreg:$0xc]  }
0x36: {  	[tilespmem:s5], [sflag:$0x3] =	stream.linear.gather [hbm4b:s22+s7], $0x2800, $0x38;
	[tilespmem:$0x1EC80] =	vst v63  }
0x37: {  	s23 =	rddreg [dreg:$0xd]  }
0x38: {  	[tilespmem:s29], [sflag:$0x7] =	stream.linear.gather [hbm4b:s23+s7], $0x2800, $0x38;
	[tilespmem:$0x1EC80] =	vst v63  }
0x39: {  	s24 =	rddreg [dreg:$0xe];
	s25 =	simm.s32 $0x2D00  }
0x3a: {  	[tilespmem:s25], [sflag:$0x4] =	stream.linear.gather [hbm4b:s24+s7], $0x2800, $0x38;
	[tilespmem:$0x1EC80] =	vst v63  }
0x3b: {  	s26 =	rddreg [dreg:$0xf];
	s28 =	simm.s32 $0xCD00  }
0x3c: {  	[tilespmem:s28], [sflag:$0x4] =	stream.linear.gather [hbm4b:s26+s7], $0x2800, $0x38;
	[tilespmem:$0x1EC80] =	vst v63  }
0x3d: {  	s6 =	rddreg [dreg:$0x10];
	s21 =	simm.s32 $0x16D00  }
0x3e: {  	[tilespmem:s21], [sflag:$0x8] =	stream.linear.gather [hbm4b:s6+s7], $0x2800, $0x38;
	[tilespmem:$0x1EC80] =	vst v63  }
0x3f: {  	s22 =	rddreg [dreg:$0x11];
	s23 =	simm.s32 $0x5500  }
0x40: {  	[tilespmem:s23], [sflag:$0x5] =	stream.linear.gather [hbm4b:s22+s7], $0x2800, $0x38;
	[tilespmem:$0x1EC80] =	vst v63  }
.Ltmp2:
0x41: {  	_ = 	snop;
	(pc) =	sbr.rel .LBB2_2-.Ltmp2, $4  }
0x42: {  	s24 =	rddreg [dreg:$0x12];
	s25 =	simm.s32 $0xF500  }
0x43: {  	[tilespmem:s25], [sflag:$0x5] =	stream.linear.gather [hbm4b:s24+s7], $0x2800, $0x38;
	[tilespmem:$0x1EC80] =	vst v63  }
0x44: {  	s26 =	rddreg [dreg:$0x13];
	s28 =	simm.s32 $0x19500;
	s22 =	simm.s32 $0x0  }
0x45: {  	[tilespmem:s28], [sflag:$0x9] =	stream.linear.gather [hbm4b:s26+s7], $0x2800, $0x38;
	[tilespmem:$0x1EC80] =	vst v63  }
.LBB2_12:
0x46: {  	s22 =	sadd.s32 $0x1, s22  }
0x47: {  	p0 =	sne.s32 s22, $0x4F  }
.Ltmp3:
0x48: {  	_ = 	snop;
	(pc) =	sbr.rel @!p0 .LBB2_13-.Ltmp3, $1  }
0x49: {  	_ =	sdelay $0x3  }
.LBB2_2:
0x4a: {  	s1 =	sshll.u32 s22, $0x5  }
0x4b: {  	s23 =	sor.u32 s9, s1  }
0x4c: {  	p0 =	sgt.u32 s23, $0x9C3  }
.Ltmp4:
0x4d: {  	_ = 	snop;
	(pc) =	sbr.rel @p0 .LBB2_12-.Ltmp4, $1  }
0x4e: {  	_ =	sdelay $0x3  }
0x4f: {  	s24 =	sand.u32 $0x1, s22;
	s25 =	sadd.s32 $0x20, s23;
	p0 =	sgt.u32 s23, $0x9A3  }
0x50: {  	s1 =	sxor.u32 @!p0 $0x1, s24;
	s21 =	smul.u32 @!p0 $0x28, s25  }
0x51: {  	s2 =	rddreg [dreg:$0x0];
	s6 =	simm.s32 @!p0 $0x0;
	s26 =	smul.u32 @!p0 $0x140, s1  }
0x52: {  	s1 =	sadd.s32 @!p0 $0x1, s1;
	s28 =	sadd.s32 @!p0 s2, s21;
	s2 =	rddreg [dreg:$0x1]  }
0x53: {  	[tilespmem:s26], [sflag:s1] =	stream.linear.gather @!p0 [hbm4b:s28+s6], $0x140, $0x38;
	[tilespmem:$0x1EC80] =	vst v63  }
0x54: {  	s28 =	sadd.s32 @!p0 $0x280, s26;
	s2 =	sadd.s32 @!p0 s2, s21  }
0x55: {  	[tilespmem:s28], [sflag:s1] =	stream.linear.gather @!p0 [hbm4b:s2+s6], $0x140, $0x38;
	[tilespmem:$0x1EC80] =	vst v63  }
0x56: {  	s2 =	sadd.s32 @!p0 $0x1E500, s26;
	s28 =	sadd.s32 @!p0 s3, s21  }
0x57: {  	[tilespmem:s2], [sflag:s1] =	stream.linear.gather @!p0 [hbm4b:s28+s6], $0x140, $0x38;
	[tilespmem:$0x1EC80] =	vst v63  }
0x58: {  	s21 =	sadd.s32 @!p0 s4, s21;
	s2 =	sadd.s32 @!p0 $0x1E780, s26  }
0x59: {  	[tilespmem:s2], [sflag:s1] =	stream.linear.gather @!p0 [hbm4b:s21+s6], $0x140, $0x38;
	[tilespmem:$0x1EC80] =	vst v63  }
0x5a: {  	s6 =	sadd.s32 $0x1, s24  }
0x5b: {  	_ =	swait.ge [sflag:s6], $0x140  }
0x5c: {  	[sflag:s6] =	ssyncset.done $0x0  }
0x5d: {  	[sflag:s6] =	ssyncadd.s32 $0xFFFFFEC0  }
0x5e: {  	_ =	swait.ge [sflag:s6], $0x140  }
0x5f: {  	[sflag:s6] =	ssyncset.done $0x0  }
0x60: {  	[sflag:s6] =	ssyncadd.s32 $0xFFFFFEC0  }
0x61: {  	_ =	swait.ge [sflag:s6], $0x140  }
0x62: {  	[sflag:s6] =	ssyncset.done $0x0  }
0x63: {  	[sflag:s6] =	ssyncadd.s32 $0xFFFFFEC0  }
0x64: {  	_ =	swait.ge [sflag:s6], $0x140  }
0x65: {  	p1 =	slt.u32 s22, $0x2;
	s21 =	smul.u32 $0xA000, s23;
	[sflag:s6] =	ssyncset.done $0x0  }
0x66: {  	s1 =	sadd.s32 @!p1 $0xB, s24;
	[sflag:s6] =	ssyncadd.s32 $0xFFFFFEC0  }
0x67: {  	s2 =	sshrl.u32 s21, $0x3;
	_ =	swait.ge @!p1 [sflag:s1], $0x140  }
0x68: {  	s2 =	sadd.s32 $0xF00, s2;
	[sflag:s1] =	ssyncset.done @!p1 $0x0  }
0x69: {  	s26 =	sadd.s32 s8, s2;
	[sflag:s1] =	ssyncadd.s32 @!p1 $0xFFFFFEC0;
	s1 =	simm.s32 $0x0  }
0x6a: {  	[tilespmem:s30], [sflag:$0x6] =	stream.linear.gather [hbm4b:s26+s1], $0x2800, $0x38;
	[tilespmem:$0x1EC80] =	vst v63  }
0x6b: {  	s28 =	sadd.s32 s10, s2  }
0x6c: {  	[tilespmem:s31], [sflag:$0x6] =	stream.linear.gather [hbm4b:s28+s1], $0x2800, $0x38;
	[tilespmem:$0x1EC80] =	vst v63  }
0x6d: {  	s2 =	sadd.s32 s11, s2  }
0x6e: {  	[tilespmem:s12], [sflag:$0xA] =	stream.linear.gather [hbm4b:s2+s1], $0x2800, $0x38;
	[tilespmem:$0x1EC80] =	vst v63  }
0x6f: {  	_ =	swait.ge [sflag:s13], $0x2800  }
0x70: {  	[sflag:s13] =	ssyncset.done $0x0  }
0x71: {  	[sflag:s13] =	ssyncadd.s32 $0xFFFFD800  }
0x72: {  	_ =	swait.ge [sflag:s13], $0x2800  }
0x73: {  	[sflag:s13] =	ssyncset.done $0x0  }
0x74: {  	[sflag:s13] =	ssyncadd.s32 $0xFFFFD800  }
0x75: {  	_ =	swait.ge [sflag:s14], $0x2800  }
0x76: {  	[sflag:s14] =	ssyncset.done $0x0  }
0x77: {  	p1 =	por $0x1, $0x1;
	s26 =	smul.u32 $0x140, s24;
	[sflag:s14] =	ssyncadd.s32 $0xFFFFD800  }
.LBB2_4:
0x78: {  	v2 =	vmov s1  }
0x79: {  	v2 =	vshll.u32 v2, $0x7  }
0x7a: {  	s21 =	sor.u32 s26, s1;
	v2 =	vor.u32 v0, v2  }
0x7b: {  	v9 =	vld [tilespmem:s21+$0x0]  }
0x7c: {  	v4 =	vld [tilespmem:s21+$0x280];
	v3 =	vor.u32 $0x1, v2  }
0x7d: {  	v26 =	vld [tilespmem:s21+$0x1E500]  }
0x7e: {  	v31 =	vld [tilespmem:s21+$0x1E780];
	v5 =	vor.u32 $0x2, v2  }
0x7f: {  	v6 =	vld.idx.msk [tilespmem:v2+s0+$0x0], $0xffff  }
0x80: {  	v8 =	vor.u32 $0x3, v2;
	v7 =	vld.idx.msk [tilespmem:v2+s5+$0x0], $0xffff  }
0x81: {  	v10 =	vld.idx.msk [tilespmem:v3+s0+$0x0], $0xffff  }
0x82: {  	v11 =	vor.u32 $0x4, v2;
	v3 =	vld.idx.msk [tilespmem:v3+s5+$0x0], $0xffff  }
0x83: {  	v13 =	vor.u32 $0x5, v2;
	v12 =	vld.idx.msk [tilespmem:v5+s0+$0x0], $0xffff  }
0x84: {  	v5 =	vld.idx.msk [tilespmem:v5+s5+$0x0], $0xffff  }
0x85: {  	v60 =	vor.u32 $0x6, v2;
	v58 =	vld.idx.msk [tilespmem:v8+s0+$0x0], $0xffff  }
0x86: {  	v59 =	vld.idx.msk [tilespmem:v8+s5+$0x0], $0xffff  }
0x87: {  	v16 =	vld.idx.msk [tilespmem:v11+s0+$0x0], $0xffff  }
0x88: {  	v63 =	vld.idx.msk [tilespmem:v13+s0+$0x0], $0xffff  }
0x89: {  	v17 =	vor.u32 $0x7, v2;
	v20 =	vld.idx.msk [tilespmem:v13+s5+$0x0], $0xffff  }
0x8a: {  	v22 =	vld.idx.msk [tilespmem:v60+s0+$0x0], $0xffff  }
0x8b: {  	v33 =	vadd.s32 $0xFFFFFFFF, v26;
	v35 =	vadd.s32 $0xFFFFFFFF, v31;
	v8 =	vld.idx.msk [tilespmem:v60+s5+$0x0], $0xffff;
	vm0 =	vle.f32 v6, v9  }
0x8c: {  	vm1 =	vle.f32 v7, v4;
	vm2 =	vle.f32 v10, v9;
	v61 =	vsel vm0, $0x1, v1  }
0x8d: {  	v14 =	vsel vm1, $0x1, v1;
	vm4 =	vle.f32 v3, v4;
	vm5 =	vle.f32 v12, v9  }
0x8e: {  	v30 =	vld.idx.msk [tilespmem:v17+s5+$0x0], $0xffff;
	vm6 =	vle.f32 v5, v4;
	vm7 =	vle.f32 v58, v9;
	vm8 =	vle.f32 v59, v4  }
0x8f: {  	v3 =	vld.idx.msk [tilespmem:v11+s5+$0x0], $0xffff;
	vm9 =	vle.f32 v16, v9;
	vm11 =	vle.f32 v63, v9;
	vm12 =	vle.f32 v20, v4  }
0x90: {  	vm13 =	vle.f32 v22, v9;
	vm14 =	vle.f32 v8, v4;
	v15 =	vsel vm2, $0x1, v1  }
0x91: {  	v62 =	vsel vm4, $0x1, v1;
	v12 =	vsel vm5, $0x1, v1;
	v21 =	vsel vm6, $0x1, v1  }
0x92: {  	v24 =	vsel vm7, $0x1, v1;
	v25 =	vsel vm8, $0x1, v1;
	v27 =	vsel vm9, $0x1, v1  }
0x93: {  	v29 =	vsel vm11, $0x1, v1;
	v5 =	vsel vm12, $0x1, v1;
	v6 =	vsel vm13, $0x1, v1  }
0x94: {  	v32 =	vsel vm14, $0x1, v1;
	vm4 =	vle.f32 v30, v4;
	vm10 =	vle.f32 v3, v4;
	v3 =	vld.idx.msk [tilespmem:v17+s0+$0x0], $0xffff  }
0x95: {  	vm5 =	vgt.s32 v33, $0x0;
	v10 =	vadd.s32 v61, v15;
	v11 =	vadd.s32 v14, v62  }
0x96: {  	vm6 =	vgt.s32 v35, $0x0;
	v10 =	vadd.s32 v12, v10;
	v23 =	vadd.s32 v21, v11  }
0x97: {  	v10 =	vadd.s32 v24, v10;
	v7 =	vadd.s32 v25, v23;
	v28 =	vsel vm10, $0x1, v1  }
0x98: {  	v34 =	vsel vm4, $0x1, v1;
	v10 =	vadd.s32 v27, v10;
	v7 =	vadd.s32 v28, v7  }
0x99: {  	v10 =	vadd.s32 v29, v10;
	v5 =	vadd.s32 v5, v7;
	vm15 =	vle.f32 v3, v9  }
0x9a: {  	v6 =	vadd.s32 v6, v10;
	v5 =	vadd.s32 v32, v5;
	v3 =	vsel vm15, $0x1, v1  }
0x9b: {  	v36 =	vnsel vm6, $0x0, v35;
	v5 =	vadd.s32 v34, v5;
	v3 =	vadd.s32 v3, v6  }
0x9c: {  	v7 =	vnsel vm5, $0x0, v33;
	v5 =	vmax.u32 v5, $0x1;
	v3 =	vmax.u32 v3, $0x1  }
0x9d: {  	v37 =	vmin.u32 v5, v36;
	v3 =	vmin.u32 v3, v7  }
0x9e: {  	v6 =	vadd.s32 $0xFFFFFFFF, v37;
	v7 =	vadd.s32 $0xFFFFFFFF, v3;
	v3 =	vor.u32 v2, v3  }
0x9f: {  	v42 =	vor.u32 v2, v37;
	v40 =	vand.u32 $0xFFFFFF80, v6  }
0xa0: {  	s28 =	sor.u32 $0x10, s1;
	v41 =	vand.u32 $0x7F, v6;
	v8 =	vadd.s32 v2, v40;
	v38 =	vand.u32 $0xFFFFFF80, v7  }
0xa1: {  	s1 =	sor.u32 s26, s28;
	v39 =	vand.u32 $0x7F, v7;
	v8 =	vor.u32 v41, v8;
	v5 =	vadd.s32 v2, v38  }
0xa2: {  	v43 =	vmov s28;
	v34 =	vld [tilespmem:s1+$0x1E500];
	v5 =	vor.u32 v39, v5  }
0xa3: {  	v44 =	vmul.u32 v31, v7;
	v14 =	vld.idx.msk [tilespmem:v3+s0+$0x0], $0xffff;
	v3 =	vshll.u32 v43, $0x7  }
0xa4: {  	v12 =	vld.idx.msk [tilespmem:v42+s5+$0x0], $0xffff;
	v3 =	vor.u32 v0, v3  }
0xa5: {  	v7 =	vadd.s32 v6, v44;
	v6 =	vld [tilespmem:s1+$0x0]  }
0xa6: {  	v15 =	vld.idx.msk [tilespmem:v8+s5+$0x0], $0xffff;
	v45 =	vor.u32 $0x1, v3  }
0xa7: {  	v13 =	vld.idx.msk [tilespmem:v5+s0+$0x0], $0xffff  }
0xa8: {  	v18 =	vor.u32 $0x2, v3;
	v5 =	vld [tilespmem:s1+$0x280]  }
0xa9: {  	v20 =	vld.idx.msk [tilespmem:v3+s0+$0x0], $0xffff  }
0xaa: {  	v24 =	vor.u32 $0x3, v3;
	v23 =	vld.idx.msk [tilespmem:v3+s5+$0x0], $0xffff  }
0xab: {  	v47 =	vld.idx.msk [tilespmem:v45+s0+$0x0], $0xffff  }
0xac: {  	v46 =	vand.u32 $0xFFFFFF80, v7;
	v25 =	vor.u32 $0x4, v3;
	v17 =	vld.idx.msk [tilespmem:v45+s5+$0x0], $0xffff  }
0xad: {  	v10 =	vadd.s32 v37, v44;
	v19 =	vand.u32 $0x7F, v7;
	v8 =	vadd.s32 v2, v46;
	v50 =	vld.idx.msk [tilespmem:v18+s0+$0x0], $0xffff  }
0xae: {  	v7 =	vadd.s32 v31, v7;
	v8 =	vor.u32 v19, v8;
	v52 =	vor.u32 $0x5, v3;
	v18 =	vld.idx.msk [tilespmem:v18+s5+$0x0], $0xffff  }
0xaf: {  	v57 =	vor.u32 $0x6, v3;
	v22 =	vsub.f32 v12, v15;
	v4 =	vmax.f32 v15, v4;
	v55 =	vld.idx.msk [tilespmem:v24+s0+$0x0], $0xffff  }
0xb0: {  	v27 =	vor.u32 $0x7, v3;
	v56 =	vld.idx.msk [tilespmem:v24+s5+$0x0], $0xffff;
	v45 =	vadd.s32 $0xFFFFFFFF, v34;
	v4 =	vmin.f32 v12, v4  }
0xb1: {  	v59 =	vld.idx.msk [tilespmem:v25+s0+$0x0], $0xffff;
	v21 =	vsub.f32 v14, v13;
	v49 =	vand.u32 $0x7FFFFFFF, v22;
	v9 =	vmax.f32 v13, v9  }
0xb2: {  	v61 =	vld.idx.msk [tilespmem:v25+s5+$0x0], $0xffff;
	v15 =	vsub.f32 v4, v15;
	v4 =	vsub.f32 v12, v4;
	vm1 =	vlt.f32 v49, $9.999999960e-13  }
0xb3: {  	v63 =	vld.idx.msk [tilespmem:v52+s0+$0x0], $0xffff;
	v9 =	vmin.f32 v14, v9;
	v48 =	vand.u32 $0x7FFFFFFF, v21;
	v53 =	vsel vm1, $0x2B8CBCCC, v22  }
0xb4: {  	v31 =	vld.idx.msk [tilespmem:v57+s0+$0x0], $0xffff;
	v13 =	vsub.f32 v9, v13;
	v9 =	vsub.f32 v14, v9;
	vm0 =	vlt.f32 v48, $9.999999960e-13  }
0xb5: {  	v33 =	vld.idx.msk [tilespmem:v57+s5+$0x0], $0xffff;
	vm7 =	vle.f32 v20, v6;
	vm8 =	vle.f32 v23, v5;
	v51 =	vsel vm0, $0x2B8CBCCC, v21  }
0xb6: {  	v11 =	vld [tilespmem:s1+$0x1E780];
	v54 =	vsel vm7, $0x1, v1;
	v26 =	vsel vm8, $0x1, v1;
	vm9 =	vle.f32 v47, v6  }
0xb7: {  	vm10 =	vle.f32 v17, v5;
	vm11 =	vle.f32 v50, v6;
	vm12 =	vle.f32 v18, v5  }
0xb8: {  	vm13 =	vle.f32 v55, v6;
	vm14 =	vle.f32 v56, v5;
	vm15 =	vle.f32 v59, v6  }
0xb9: {  	vm4 =	vle.f32 v61, v5;
	vm5 =	vle.f32 v63, v6;
	vm7 =	vle.f32 v31, v6  }
0xba: {  	v38 =	vld.idx.msk [tilespmem:v27+s0+$0x0], $0xffff;
	vm8 =	vle.f32 v33, v5;
	v61 =	vmul.f32 v4, v9;
	v9 =	vmul.f32 v15, v9  }
0xbb: {  	v40 =	vld.idx.msk [tilespmem:v27+s5+$0x0], $0xffff;
	v47 =	vadd.s32 $0xFFFFFFFF, v11;
	v4 =	vmul.f32 v4, v13;
	(erf) = vrcp.f32 v51  }
0xbc: {  	v58 =	vsel vm9, $0x1, v1;
	v60 =	vsel vm10, $0x1, v1;
	v62 =	vsel vm11, $0x1, v1  }
0xbd: {  	v30 =	vsel vm12, $0x1, v1;
	v23 =	vsel vm13, $0x1, v1;
	v32 =	vsel vm14, $0x1, v1  }
0xbe: {  	v20 =	vld.idx.msk [tilespmem:v52+s5+$0x0], $0xffff;
	v35 =	vsel vm15, $0x1, v1;
	v37 =	vsel vm4, $0x1, v1;
	v39 =	vsel vm5, $0x1, v1  }
0xbf: {  	v42 =	vsel vm7, $0x1, v1;
	v44 =	vsel vm8, $0x1, v1;
	vm9 =	vle.f32 v38, v6  }
0xc0: {  	vm10 =	vle.f32 v40, v5;
	vm11 =	vgt.s32 v45, $0x0;
	vm12 =	vgt.s32 v47, $0x0  }
0xc1: {  	vm13 =	vmor vm0, vm1;
	v19 =	vadd.s32 v54, v58;
	v21 =	vadd.s32 v26, v60  }
0xc2: {  	(erf) = vrcp.f32 v53;
	v19 =	vadd.s32 v62, v19;
	v21 =	vadd.s32 v30, v21  }
0xc3: {  	v36 =	vadd.s32 v23, v19;
	v21 =	vadd.s32 v32, v21;
	vm6 =	vle.f32 v20, v5  }
0xc4: {  	v16 =	vadd.s32 v35, v36;
	v41 =	vsel vm6, $0x1, v1;
	v19 =	vadd.s32 v37, v21  }
0xc5: {  	v18 =	vsel vm9, $0x1, v1;
	v16 =	vadd.s32 v39, v16;
	v43 =	vadd.s32 v41, v19  }
0xc6: {  	v46 =	vsel vm10, $0x1, v1;
	v16 =	vadd.s32 v42, v16;
	v17 =	vadd.s32 v44, v43  }
0xc7: {  	v48 =	vnsel vm12, $0x0, v47;
	v16 =	vadd.s32 v18, v16;
	v17 =	vadd.s32 v46, v17  }
0xc8: {  	v19 =	vnsel vm11, $0x0, v45;
	v16 =	vmax.u32 v16, $0x1;
	v17 =	vmax.u32 v17, $0x1  }
0xc9: {  	v38 =	vadd.s32 $0x1, v7;
	v16 =	vmin.u32 v16, v19;
	v17 =	vmin.u32 v17, v48  }
0xca: {  	v54 =	vand.u32 $0xFFFFFF80, v10;
	v19 =	vadd.s32 $0xFFFFFFFF, v16;
	v50 =	vadd.s32 $0xFFFFFFFF, v17  }
0xcb: {  	v16 =	vor.u32 v3, v16;
	v56 =	vor.u32 v3, v17;
	v49 =	vand.u32 $0xFFFFFF80, v19  }
0xcc: {  	v51 =	vand.u32 $0x7F, v19;
	v52 =	vand.u32 $0xFFFFFF80, v50;
	v18 =	vadd.s32 v3, v49  }
0xcd: {  	v53 =	vand.u32 $0x7F, v50;
	v21 =	vadd.s32 v3, v52;
	v18 =	vor.u32 v51, v18  }
0xce: {  	v10 =	vand.u32 $0x7F, v10;
	v40 =	vand.u32 $0x7F, v38;
	v21 =	vor.u32 v53, v21  }
0xcf: {  	v59 =	vadd.s32 v2, v54;
	v62 =	vand.u32 $0xFFFFFF80, v7;
	v7 =	vand.u32 $0x7F, v7  }
0xd0: {  	v10 =	vor.u32 v10, v59;
	v32 =	vadd.s32 v2, v62;
	v39 =	vand.u32 $0xFFFFFF80, v38;
	v55 =	vpop (erf);
	v16 =	vld.idx.msk [tilespmem:v16+s0+$0x0], $0xffff  }
0xd1: {  	v7 =	vor.u32 v7, v32;
	v2 =	vadd.s32 v2, v39;
	v57 =	vpop (erf);
	v58 =	vmul.f32 v55, v13;
	v24 =	vld.idx.msk [tilespmem:v56+s5+$0x0], $0xffff  }
0xd2: {  	v2 =	vor.u32 v40, v2;
	v60 =	vmul.f32 v57, v15;
	v23 =	vmul.f32 v57, v55;
	v18 =	vld.idx.msk [tilespmem:v18+s0+$0x0], $0xffff  }
0xd3: {  	v13 =	vmul.f32 v15, v13;
	v41 =	vmul.u32 v11, v19;
	v12 =	vmax.f32 v58, $0.0e+00;
	v21 =	vld.idx.msk [tilespmem:v21+s5+$0x0], $0xffff  }
0xd4: {  	v22 =	vmax.f32 v60, $0.0e+00;
	v25 =	vmul.f32 v23, v61;
	v9 =	vmul.f32 v23, v9  }
0xd5: {  	v12 =	vmin.f32 v12, $1.000000000e+00;
	v4 =	vmul.f32 v23, v4;
	v42 =	vmul.f32 v23, v13  }
0xd6: {  	v43 =	vadd.s32 v50, v41;
	v45 =	vadd.s32 v17, v41;
	v22 =	vmin.f32 v22, $1.000000000e+00  }
0xd7: {  	v63 =	vsub.f32 $1.000000000e+00, v12;
	v11 =	vadd.s32 v11, v43;
	v34 =	vsub.f32 v16, v18  }
0xd8: {  	v44 =	vand.u32 $0xFFFFFF80, v43;
	v15 =	vand.u32 $0xFFFFFF80, v45;
	v35 =	vsub.f32 v24, v21  }
0xd9: {  	v46 =	vand.u32 $0x7F, v45;
	v28 =	vsub.f32 $1.000000000e+00, v22;
	v36 =	vand.u32 $0x7FFFFFFF, v34  }
0xda: {  	v22 =	vsel vm1, $0x0, v22;
	v37 =	vand.u32 $0x7FFFFFFF, v35;
	vm14 =	vlt.f32 v36, $9.999999960e-13  }
0xdb: {  	v9 =	vsel vm1, $0x0, v9;
	vm15 =	vlt.f32 v37, $9.999999960e-13;
	v26 =	vsel vm14, $0x2B8CBCCC, v34  }
0xdc: {  	v10 =	vld.idx.msk [tilespmem:v10+s29+$0x0], $0xffff;
	v4 =	vsel vm1, v12, v4;
	v12 =	vsel vm15, $0x2B8CBCCC, v35;
	(erf) = vrcp.f32 v26  }
0xdd: {  	v7 =	vld.idx.msk [tilespmem:v7+s29+$0x0], $0xffff;
	v13 =	vadd.s32 v3, v44;
	v47 =	vadd.s32 v3, v15;
	(erf) = vrcp.f32 v12  }
0xde: {  	v48 =	vand.u32 $0xFFFFFF80, v11;
	v49 =	vand.u32 $0x7F, v11;
	v11 =	vadd.s32 $0x1, v11  }
0xdf: {  	v31 =	vsel vm1, v63, v25;
	v9 =	vsel vm0, v22, v9;
	v4 =	vsel vm0, $0x0, v4  }
0xe0: {  	v8 =	vld.idx.msk [tilespmem:v8+s29+$0x0], $0xffff;
	v54 =	vand.u32 $0xFFFFFF80, v11;
	v11 =	vand.u32 $0x7F, v11;
	v33 =	vsel vm1, $0x3F800000, v28  }
0xe1: {  	v9 =	vmul.f32 v9, v10;
	v10 =	vand.u32 $0x7F, v43;
	v6 =	vmax.f32 v18, v6  }
0xe2: {  	v4 =	vmul.f32 v4, v7;
	v5 =	vmax.f32 v21, v5;
	v6 =	vmin.f32 v16, v6  }
0xe3: {  	v14 =	vsel vm0, v33, v31;
	v5 =	vmin.f32 v24, v5;
	v18 =	vsub.f32 v6, v18  }
0xe4: {  	v10 =	vor.u32 v10, v13;
	v6 =	vsub.f32 v16, v6;
	v52 =	vsub.f32 v24, v5  }
0xe5: {  	v13 =	vor.u32 v46, v47;
	v8 =	vmul.f32 v14, v8;
	v5 =	vsub.f32 v5, v21;
	v50 =	vpop (erf)  }
0xe6: {  	v14 =	vadd.s32 v3, v48;
	v3 =	vadd.s32 v3, v54;
	v55 =	vmul.f32 v52, v6;
	v51 =	vpop (erf)  }
0xe7: {  	v14 =	vor.u32 v49, v14;
	v17 =	vmul.f32 v50, v18;
	v15 =	vmul.f32 v51, v5  }
0xe8: {  	v3 =	vor.u32 v11, v3;
	v6 =	vmul.f32 v5, v6;
	v53 =	vmul.f32 v51, v50  }
0xe9: {  	v10 =	vld.idx.msk [tilespmem:v10+s29+$0x0], $0xffff;
	v16 =	vmul.f32 v52, v18;
	v17 =	vmax.f32 v17, $0.0e+00;
	v15 =	vmax.f32 v15, $0.0e+00  }
0xea: {  	v13 =	vld.idx.msk [tilespmem:v13+s29+$0x0], $0xffff;
	v56 =	vmul.f32 v53, v55;
	v17 =	vmin.f32 v17, $1.000000000e+00;
	v15 =	vmin.f32 v15, $1.000000000e+00  }
0xeb: {  	v6 =	vmul.f32 v53, v6;
	v57 =	vsub.f32 $1.000000000e+00, v17;
	v58 =	vsub.f32 $1.000000000e+00, v15  }
0xec: {  	v8 =	vadd.f32 v8, v9;
	v60 =	vld.idx.msk [tilespmem:v14+s29+$0x0], $0xffff;
	v61 =	vmul.f32 v53, v16;
	v15 =	vsel vm15, $0x0, v15  }
0xed: {  	v2 =	vld.idx.msk [tilespmem:v2+s29+$0x0], $0xffff;
	v6 =	vsel vm15, $0x0, v6;
	v59 =	vsel vm15, v57, v56;
	v62 =	vsel vm15, $0x3F800000, v58  }
0xee: {  	v3 =	vld.idx.msk [tilespmem:v3+s29+$0x0], $0xffff;
	v5 =	vmul.f32 v5, v18;
	v6 =	vsel vm14, v15, v6;
	v9 =	vsel vm14, v62, v59  }
0xef: {  	v14 =	vsel vm15, v17, v61;
	v6 =	vmul.f32 v6, v13;
	v9 =	vmul.f32 v9, v10  }
0xf0: {  	vm0 =	vmor vm14, vm15;
	v5 =	vmul.f32 v53, v5;
	v63 =	vsel vm14, $0x0, v14  }
0xf1: {  	v12 =	vsel vm13, $0x0, v42;
	v7 =	vmul.f32 v63, v60;
	v6 =	vadd.f32 v9, v6  }
0xf2: {  	p2 =	por p1, p1;
	v4 =	vadd.f32 v8, v4;
	v2 =	vmul.f32 v12, v2;
	v5 =	vsel vm0, $0x0, v5  }
.Ltmp5:
0xf3: {  	v3 =	vmul.f32 v5, v3;
	v6 =	vadd.f32 v6, v7;
	(pc) =	sbr.rel @p2 .LBB2_4-.Ltmp5, $4  }
0xf4: {  	v2 =	vadd.f32 v4, v2  }
0xf5: {  	v3 =	vadd.f32 v6, v3  }
0xf6: {  	[tilespmem:s21+$0x1EA00] =	vst v2  }
0xf7: {  	p1 =	por $0x0, $0x0;
	[tilespmem:s1+$0x1EA00] =	vst v3;
	s1 =	simm.s32 $0x20  }
0xf8: {  	v2 =	vor.u32 $0x2000, v0  }
0xf9: {  	v4 =	vld [tilespmem:s26+$0x40]  }
0xfa: {  	v3 =	vor.u32 $0x2001, v0;
	v5 =	vld [tilespmem:s26+$0x2C0]  }
0xfb: {  	v29 =	vld [tilespmem:s26+$0x1E540]  }
0xfc: {  	v6 =	vor.u32 $0x2002, v0;
	v31 =	vld [tilespmem:s26+$0x1E7C0]  }
0xfd: {  	v7 =	vld.idx.msk [tilespmem:v2+s0+$0x0], $0xffff  }
0xfe: {  	v9 =	vor.u32 $0x2003, v0;
	v8 =	vld.idx.msk [tilespmem:v2+s5+$0x0], $0xffff  }
0xff: {  	v10 =	vld.idx.msk [tilespmem:v3+s0+$0x0], $0xffff  }
0x100: {  	v12 =	vor.u32 $0x2004, v0;
	v11 =	vld.idx.msk [tilespmem:v3+s5+$0x0], $0xffff  }
0x101: {  	v13 =	vld.idx.msk [tilespmem:v6+s0+$0x0], $0xffff  }
0x102: {  	v57 =	vor.u32 $0x2005, v0;
	v6 =	vld.idx.msk [tilespmem:v6+s5+$0x0], $0xffff  }
0x103: {  	v15 =	vld.idx.msk [tilespmem:v9+s0+$0x0], $0xffff  }
0x104: {  	v59 =	vor.u32 $0x2006, v0;
	v58 =	vld.idx.msk [tilespmem:v9+s5+$0x0], $0xffff  }
0x105: {  	v61 =	vld.idx.msk [tilespmem:v12+s0+$0x0], $0xffff  }
0x106: {  	v12 =	vld.idx.msk [tilespmem:v12+s5+$0x0], $0xffff  }
0x107: {  	v20 =	vld.idx.msk [tilespmem:v57+s0+$0x0], $0xffff  }
0x108: {  	v21 =	vld.idx.msk [tilespmem:v57+s5+$0x0], $0xffff  }
0x109: {  	v62 =	vor.u32 $0x2007, v0;
	v23 =	vld.idx.msk [tilespmem:v59+s0+$0x0], $0xffff  }
0x10a: {  	v40 =	vadd.s32 $0x1FFF, v0;
	v9 =	vld.idx.msk [tilespmem:v59+s5+$0x0], $0xffff;
	v37 =	vadd.s32 $0xFFFFFFFF, v29;
	v39 =	vadd.s32 $0xFFFFFFFF, v31  }
0x10b: {  	vm0 =	vle.f32 v7, v4;
	vm10 =	vle.f32 v8, v5;
	vm1 =	vle.f32 v10, v4  }
0x10c: {  	vm11 =	vle.f32 v11, v5;
	vm12 =	vle.f32 v13, v4;
	vm13 =	vle.f32 v6, v5  }
0x10d: {  	vm14 =	vle.f32 v15, v4;
	vm15 =	vle.f32 v58, v5;
	vm4 =	vle.f32 v61, v4  }
0x10e: {  	vm5 =	vle.f32 v12, v5;
	vm6 =	vle.f32 v20, v4;
	vm7 =	vle.f32 v21, v5  }
0x10f: {  	vm8 =	vle.f32 v23, v4;
	vm9 =	vle.f32 v9, v5;
	v14 =	vsel vm0, $0x1, v1  }
0x110: {  	v26 =	vld.idx.msk [tilespmem:v62+s0+$0x0], $0xffff;
	v60 =	vsel vm10, $0x1, v1;
	v16 =	vsel vm1, $0x1, v1;
	v17 =	vsel vm11, $0x1, v1  }
0x111: {  	v63 =	vsel vm12, $0x1, v1;
	v22 =	vsel vm13, $0x1, v1;
	v15 =	vsel vm14, $0x1, v1  }
0x112: {  	v25 =	vsel vm15, $0x1, v1;
	v27 =	vsel vm4, $0x1, v1;
	v28 =	vsel vm5, $0x1, v1  }
0x113: {  	v30 =	vsel vm6, $0x1, v1;
	v32 =	vsel vm7, $0x1, v1;
	v14 =	vadd.s32 v14, v16  }
0x114: {  	v13 =	vld.idx.msk [tilespmem:v62+s5+$0x0], $0xffff;
	v33 =	vsel vm8, $0x1, v1;
	v9 =	vsel vm9, $0x1, v1;
	v14 =	vadd.s32 v63, v14  }
0x115: {  	vm10 =	vle.f32 v26, v4;
	v10 =	vadd.s32 v60, v17;
	v24 =	vadd.s32 v15, v14  }
0x116: {  	vm12 =	vgt.s32 v37, $0x0;
	v7 =	vadd.s32 v22, v10;
	v10 =	vadd.s32 v27, v24  }
0x117: {  	v35 =	vsel vm10, $0x1, v1;
	v7 =	vadd.s32 v25, v7;
	v10 =	vadd.s32 v30, v10  }
0x118: {  	v38 =	vnsel vm12, $0x0, v37;
	v7 =	vadd.s32 v28, v7;
	v34 =	vadd.s32 v33, v10  }
0x119: {  	vm11 =	vle.f32 v13, v5;
	v7 =	vadd.s32 v32, v7;
	v8 =	vadd.s32 v35, v34  }
0x11a: {  	v36 =	vsel vm11, $0x1, v1;
	v7 =	vadd.s32 v9, v7;
	v8 =	vmax.u32 v8, $0x1  }
0x11b: {  	vm13 =	vgt.s32 v39, $0x0;
	v7 =	vadd.s32 v36, v7;
	v8 =	vmin.u32 v8, v38  }
0x11c: {  	v10 =	vnsel vm13, $0x0, v39;
	v7 =	vmax.u32 v7, $0x1;
	v41 =	vadd.s32 v40, v8  }
0x11d: {  	v7 =	vmin.u32 v7, v10;
	v42 =	vor.u32 v2, v8  }
0x11e: {  	v9 =	vadd.s32 v40, v7  }
0x11f: {  	v43 =	vor.u32 v2, v7;
	_ =	sdelay $0x1  }
0x120: {  	v11 =	vld.idx.msk [tilespmem:v41+s0+$0x0], $0xffff  }
0x121: {  	v10 =	vld.idx.msk [tilespmem:v42+s0+$0x0], $0xffff  }
0x122: {  	v9 =	vld.idx.msk [tilespmem:v9+s5+$0x0], $0xffff  }
0x123: {  	v12 =	vld.idx.msk [tilespmem:v43+s5+$0x0], $0xffff;
	_ =	sdelay $0x3  }
0x124: {  	v44 =	vsub.f32 v10, v11  }
0x125: {  	v45 =	vsub.f32 v12, v9  }
0x126: {  	v46 =	vand.u32 $0x7FFFFFFF, v44  }
0x127: {  	v47 =	vand.u32 $0x7FFFFFFF, v45;
	vm14 =	vlt.f32 v46, $9.999999960e-13  }
0x128: {  	vm15 =	vlt.f32 v47, $9.999999960e-13;
	v13 =	vsel vm14, $0x2B8CBCCC, v44  }
0x129: {  	v14 =	vsel vm15, $0x2B8CBCCC, v45;
	(erf) = vrcp.f32 v13  }
0x12a: {  	(erf) = vrcp.f32 v14  }
0x12b: {  	v8 =	vadd.s32 $0xFFFFFFFF, v8  }
0x12c: {  	v8 =	vmul.u32 v31, v8;
	_ =	sdelay $0x1  }
0x12d: {  	v48 =	vadd.s32 $0xFFFFFFFF, v7;
	v7 =	vadd.s32 v7, v8;
	v4 =	vmax.f32 v11, v4  }
0x12e: {  	v7 =	vadd.s32 v2, v7;
	v5 =	vmax.f32 v9, v5;
	v4 =	vmin.f32 v10, v4  }
0x12f: {  	v5 =	vmin.f32 v12, v5;
	v11 =	vsub.f32 v4, v11;
	v4 =	vsub.f32 v10, v4  }
0x130: {  	v52 =	vsub.f32 v12, v5;
	v5 =	vsub.f32 v5, v9;
	v13 =	vadd.s32 v48, v8  }
0x131: {  	v50 =	vadd.s32 v2, v13;
	v49 =	vpop (erf)  }
0x132: {  	v54 =	vmul.f32 v52, v4;
	v4 =	vmul.f32 v5, v4;
	v6 =	vadd.s32 v31, v13;
	v51 =	vpop (erf)  }
0x133: {  	v2 =	vadd.s32 v2, v6;
	v55 =	vmul.f32 v49, v11;
	v8 =	vmul.f32 v51, v5  }
0x134: {  	v10 =	vmul.f32 v52, v11;
	v53 =	vmul.f32 v51, v49  }
0x135: {  	v7 =	vld.idx.msk [tilespmem:v7+s29+$0x0], $0xffff;
	v3 =	vadd.s32 v3, v6;
	v57 =	vmax.f32 v55, $0.0e+00;
	v8 =	vmax.f32 v8, $0.0e+00  }
0x136: {  	v58 =	vld.idx.msk [tilespmem:v50+s29+$0x0], $0xffff;
	v56 =	vmul.f32 v53, v54;
	v9 =	vmin.f32 v57, $1.000000000e+00;
	v8 =	vmin.f32 v8, $1.000000000e+00  }
0x137: {  	v4 =	vmul.f32 v53, v4;
	v59 =	vsub.f32 $1.000000000e+00, v9;
	v60 =	vsub.f32 $1.000000000e+00, v8  }
0x138: {  	v2 =	vld.idx.msk [tilespmem:v2+s29+$0x0], $0xffff;
	v10 =	vmul.f32 v53, v10;
	v8 =	vsel vm15, $0x0, v8  }
0x139: {  	v4 =	vsel vm15, $0x0, v4;
	v6 =	vsel vm15, v59, v56;
	v61 =	vsel vm15, $0x3F800000, v60  }
0x13a: {  	v3 =	vld.idx.msk [tilespmem:v3+s29+$0x0], $0xffff;
	v5 =	vmul.f32 v5, v11;
	v4 =	vsel vm14, v8, v4;
	v6 =	vsel vm14, v61, v6  }
0x13b: {  	v62 =	vsel vm15, v9, v10;
	v4 =	vmul.f32 v4, v7;
	v6 =	vmul.f32 v6, v58  }
0x13c: {  	v5 =	vmul.f32 v53, v5;
	v63 =	vsel vm14, $0x0, v62  }
0x13d: {  	vm0 =	vmor vm14, vm15;
	v2 =	vmul.f32 v63, v2;
	v4 =	vadd.f32 v6, v4  }
0x13e: {  	v5 =	vsel vm0, $0x0, v5  }
0x13f: {  	v3 =	vmul.f32 v5, v3;
	v2 =	vadd.f32 v4, v2;
	_ =	sdelay $0x1  }
0x140: {  	s1 =	smul.u32 @!p0 $0x1400, s25;
	v2 =	vadd.f32 v2, v3;
	_ =	sdelay $0x1  }
0x141: {  	s6 =	simm.s32 @!p0 $0x0;
	s21 =	simm.s32 @!p0 $0x500;
	s2 =	sadd.s32 @!p0 s8, s1;
	[tilespmem:s26+$0x1EA40] =	vst v2  }
0x142: {  	[tilespmem:s21], [sflag:$0x3] =	stream.linear.gather @!p0 [hbm4b:s2+s6], $0x2800, $0x38;
	[tilespmem:$0x1EC80] =	vst v63  }
0x143: {  	s2 =	sadd.s32 @!p0 s10, s1;
	s21 =	simm.s32 @!p0 $0xA500  }
0x144: {  	[tilespmem:s21], [sflag:$0x3] =	stream.linear.gather @!p0 [hbm4b:s2+s6], $0x2800, $0x38;
	[tilespmem:$0x1EC80] =	vst v63  }
0x145: {  	s1 =	sadd.s32 @!p0 s11, s1;
	s2 =	simm.s32 @!p0 $0x14500  }
0x146: {  	[tilespmem:s2], [sflag:$0x7] =	stream.linear.gather @!p0 [hbm4b:s1+s6], $0x2800, $0x38;
	[tilespmem:$0x1EC80] =	vst v63  }
0x147: {  	_ =	swait.ge [sflag:s15], $0x2800  }
0x148: {  	[sflag:s15] =	ssyncset.done $0x0  }
0x149: {  	[sflag:s15] =	ssyncadd.s32 $0xFFFFD800  }
0x14a: {  	_ =	swait.ge [sflag:s15], $0x2800  }
0x14b: {  	[sflag:s15] =	ssyncset.done $0x0  }
0x14c: {  	[sflag:s15] =	ssyncadd.s32 $0xFFFFD800  }
0x14d: {  	_ =	swait.ge [sflag:s16], $0x2800  }
0x14e: {  	s28 =	sadd.s32 $0x50, s26;
	[sflag:s16] =	ssyncset.done $0x0  }
0x14f: {  	p1 =	por $0x1, $0x1;
	v2 =	vmov s28;
	s21 =	simm.s32 $0x0;
	[sflag:s16] =	ssyncadd.s32 $0xFFFFD800  }
.LBB2_6:
0x150: {  	s1 =	sor.u32 $0x50, s21  }
0x151: {  	v3 =	vmov s1  }
0x152: {  	v3 =	vshll.u32 v3, $0x7  }
0x153: {  	s6 =	sor.u32 s28, s21;
	v3 =	vor.u32 v0, v3  }
0x154: {  	v6 =	vld [tilespmem:s6+$0x0]  }
0x155: {  	v5 =	vld [tilespmem:s6+$0x280];
	v4 =	vor.u32 $0x1, v3  }
0x156: {  	v40 =	vld [tilespmem:s6+$0x1E500]  }
0x157: {  	v46 =	vld [tilespmem:s6+$0x1E780];
	v7 =	vor.u32 $0x2, v3  }
0x158: {  	v8 =	vld.idx.msk [tilespmem:v3+s0+$0x0], $0xffff  }
0x159: {  	v10 =	vor.u32 $0x3, v3;
	v9 =	vld.idx.msk [tilespmem:v3+s5+$0x0], $0xffff  }
0x15a: {  	v11 =	vld.idx.msk [tilespmem:v4+s0+$0x0], $0xffff  }
0x15b: {  	v12 =	vor.u32 $0x4, v3;
	v4 =	vld.idx.msk [tilespmem:v4+s5+$0x0], $0xffff  }
0x15c: {  	v13 =	vld.idx.msk [tilespmem:v7+s0+$0x0], $0xffff  }
0x15d: {  	v14 =	vor.u32 $0x5, v3;
	v7 =	vld.idx.msk [tilespmem:v7+s5+$0x0], $0xffff  }
0x15e: {  	v27 =	vld.idx.msk [tilespmem:v10+s0+$0x0], $0xffff  }
0x15f: {  	v29 =	vor.u32 $0x6, v3;
	v28 =	vld.idx.msk [tilespmem:v10+s5+$0x0], $0xffff  }
0x160: {  	v17 =	vld.idx.msk [tilespmem:v12+s0+$0x0], $0xffff  }
0x161: {  	v18 =	vor.u32 $0x7, v3;
	v31 =	vld.idx.msk [tilespmem:v12+s5+$0x0], $0xffff  }
0x162: {  	v33 =	vld.idx.msk [tilespmem:v14+s0+$0x0], $0xffff  }
0x163: {  	v34 =	vld.idx.msk [tilespmem:v14+s5+$0x0], $0xffff  }
0x164: {  	v36 =	vld.idx.msk [tilespmem:v29+s0+$0x0], $0xffff  }
0x165: {  	v48 =	vadd.s32 $0xFFFFFFFF, v40;
	v50 =	vadd.s32 $0xFFFFFFFF, v46;
	v10 =	vld.idx.msk [tilespmem:v29+s5+$0x0], $0xffff;
	vm0 =	vle.f32 v8, v6  }
0x166: {  	v42 =	vld.idx.msk [tilespmem:v18+s0+$0x0], $0xffff;
	vm1 =	vle.f32 v9, v5;
	vm2 =	vle.f32 v11, v6;
	v30 =	vsel vm0, $0x1, v1  }
0x167: {  	v15 =	vsel vm1, $0x1, v1;
	vm5 =	vle.f32 v4, v5;
	vm6 =	vle.f32 v13, v6  }
0x168: {  	vm7 =	vle.f32 v7, v5;
	vm8 =	vle.f32 v27, v6;
	vm9 =	vle.f32 v28, v5  }
0x169: {  	vm10 =	vle.f32 v17, v6;
	vm11 =	vle.f32 v31, v5;
	vm12 =	vle.f32 v33, v6  }
0x16a: {  	vm13 =	vle.f32 v34, v5;
	vm14 =	vle.f32 v36, v6;
	vm15 =	vle.f32 v10, v5  }
0x16b: {  	vm4 =	vle.f32 v42, v6;
	v16 =	vsel vm2, $0x1, v1;
	v32 =	vsel vm5, $0x1, v1  }
0x16c: {  	v45 =	vld.idx.msk [tilespmem:v18+s5+$0x0], $0xffff;
	v13 =	vsel vm6, $0x1, v1;
	v35 =	vsel vm7, $0x1, v1;
	v38 =	vsel vm8, $0x1, v1  }
0x16d: {  	v39 =	vsel vm9, $0x1, v1;
	v41 =	vsel vm10, $0x1, v1;
	v43 =	vsel vm11, $0x1, v1  }
0x16e: {  	v44 =	vsel vm12, $0x1, v1;
	v7 =	vsel vm13, $0x1, v1;
	v8 =	vsel vm14, $0x1, v1  }
0x16f: {  	v47 =	vsel vm15, $0x1, v1;
	v11 =	vadd.s32 v30, v16;
	v12 =	vadd.s32 v15, v32  }
0x170: {  	v4 =	vsel vm4, $0x1, v1;
	v11 =	vadd.s32 v13, v11;
	v37 =	vadd.s32 v35, v12  }
0x171: {  	vm5 =	vle.f32 v45, v5;
	v11 =	vadd.s32 v38, v11;
	v9 =	vadd.s32 v39, v37  }
0x172: {  	vm6 =	vgt.s32 v48, $0x0;
	v11 =	vadd.s32 v41, v11;
	v9 =	vadd.s32 v43, v9  }
0x173: {  	vm7 =	vgt.s32 v50, $0x0;
	v11 =	vadd.s32 v44, v11;
	v7 =	vadd.s32 v7, v9  }
0x174: {  	v49 =	vsel vm5, $0x1, v1;
	v8 =	vadd.s32 v8, v11;
	v7 =	vadd.s32 v47, v7  }
0x175: {  	v51 =	vnsel vm7, $0x0, v50;
	v4 =	vadd.s32 v4, v8;
	v7 =	vadd.s32 v49, v7  }
0x176: {  	v9 =	vnsel vm6, $0x0, v48;
	v4 =	vmax.u32 v4, $0x1;
	v7 =	vmax.u32 v7, $0x1  }
0x177: {  	v4 =	vmin.u32 v4, v9;
	v10 =	vmin.u32 v7, v51  }
0x178: {  	v9 =	vadd.s32 $0xFFFFFFFF, v4;
	v53 =	vadd.s32 $0xFFFFFFFF, v10  }
0x179: {  	v4 =	vor.u32 v3, v4;
	v57 =	vor.u32 v3, v10;
	v52 =	vand.u32 $0xFFFFFF80, v9  }
0x17a: {  	v54 =	vand.u32 $0x7F, v9;
	v55 =	vand.u32 $0xFFFFFF80, v53;
	v7 =	vadd.s32 v3, v52  }
0x17b: {  	v56 =	vand.u32 $0x7F, v53;
	v8 =	vadd.s32 v3, v55;
	v7 =	vor.u32 v54, v7  }
0x17c: {  	s2 =	sadd.s32 $0x60, s21;
	v45 =	vld.idx.msk [tilespmem:v2+s21+$0x1E510 ss:$0x1], $0xffff;
	v8 =	vor.u32 v56, v8  }
0x17d: {  	v58 =	vmov s2;
	v50 =	vld.idx.msk [tilespmem:v2+s21+$0x1E790 ss:$0x1], $0xffff  }
0x17e: {  	v59 =	vshll.u32 v58, $0x7;
	v15 =	vld.idx.msk [tilespmem:v4+s0+$0x0], $0xffff  }
0x17f: {  	v4 =	vor.u32 v0, v59;
	v13 =	vld.idx.msk [tilespmem:v57+s5+$0x0], $0xffff  }
0x180: {  	v14 =	vld.idx.msk [tilespmem:v7+s0+$0x0], $0xffff  }
0x181: {  	v60 =	vor.u32 $0x1, v4;
	v16 =	vld.idx.msk [tilespmem:v8+s5+$0x0], $0xffff  }
0x182: {  	v8 =	vld.idx.msk [tilespmem:v2+s21+$0x10 ss:$0x1], $0xffff  }
0x183: {  	v20 =	vor.u32 $0x2, v4;
	v7 =	vld.idx.msk [tilespmem:v2+s21+$0x290 ss:$0x1], $0xffff  }
0x184: {  	v18 =	vmul.u32 v46, v9;
	v19 =	vld.idx.msk [tilespmem:v4+s0+$0x0], $0xffff  }
0x185: {  	v25 =	vor.u32 $0x3, v4;
	v23 =	vld.idx.msk [tilespmem:v4+s5+$0x0], $0xffff  }
0x186: {  	v55 =	vadd.s32 $0xFFFFFFFF, v50;
	v11 =	vadd.s32 v53, v18;
	v53 =	vadd.s32 $0xFFFFFFFF, v45;
	v24 =	vld.idx.msk [tilespmem:v60+s0+$0x0], $0xffff  }
0x187: {  	v10 =	vadd.s32 v10, v18;
	v9 =	vadd.s32 v46, v11;
	v62 =	vor.u32 $0x4, v4;
	v17 =	vld.idx.msk [tilespmem:v60+s5+$0x0], $0xffff  }
0x188: {  	v28 =	vand.u32 $0xFFFFFF80, v11;
	v11 =	vand.u32 $0x7F, v11;
	v31 =	vand.u32 $0xFFFFFF80, v10;
	v63 =	vld.idx.msk [tilespmem:v20+s0+$0x0], $0xffff  }
0x189: {  	v10 =	vand.u32 $0x7F, v10;
	v43 =	vadd.s32 v3, v28;
	v33 =	vor.u32 $0x5, v4;
	v20 =	vld.idx.msk [tilespmem:v20+s5+$0x0], $0xffff  }
0x18a: {  	v37 =	vor.u32 $0x6, v4;
	v40 =	vor.u32 $0x7, v4;
	v11 =	vor.u32 v11, v43;
	v35 =	vld.idx.msk [tilespmem:v25+s0+$0x0], $0xffff  }
0x18b: {  	v36 =	vld.idx.msk [tilespmem:v25+s5+$0x0], $0xffff;
	v21 =	vsub.f32 v15, v14;
	v22 =	vsub.f32 v13, v16;
	v6 =	vmax.f32 v14, v6  }
0x18c: {  	v43 =	vand.u32 $0xFFFFFF80, v9;
	v29 =	vld.idx.msk [tilespmem:v62+s0+$0x0], $0xffff;
	v5 =	vmax.f32 v16, v5;
	v6 =	vmin.f32 v15, v6  }
0x18d: {  	v12 =	vld.idx.msk [tilespmem:v62+s5+$0x0], $0xffff;
	v5 =	vmin.f32 v13, v5;
	v61 =	vand.u32 $0x7FFFFFFF, v21;
	v26 =	vand.u32 $0x7FFFFFFF, v22  }
0x18e: {  	v39 =	vld.idx.msk [tilespmem:v33+s0+$0x0], $0xffff;
	vm8 =	vle.f32 v19, v8;
	v14 =	vsub.f32 v6, v14;
	v16 =	vsub.f32 v5, v16  }
0x18f: {  	v42 =	vld.idx.msk [tilespmem:v37+s0+$0x0], $0xffff;
	vm9 =	vle.f32 v23, v7;
	v6 =	vsub.f32 v15, v6;
	v5 =	vsub.f32 v13, v5  }
0x190: {  	v25 =	vld.idx.msk [tilespmem:v37+s5+$0x0], $0xffff;
	v13 =	vadd.s32 v3, v31;
	vm0 =	vlt.f32 v61, $9.999999960e-13;
	vm1 =	vlt.f32 v26, $9.999999960e-13  }
0x191: {  	v32 =	vsel vm8, $0x1, v1;
	v34 =	vsel vm9, $0x1, v1;
	vm10 =	vle.f32 v24, v8  }
0x192: {  	vm11 =	vle.f32 v17, v7;
	vm12 =	vle.f32 v63, v8;
	vm13 =	vle.f32 v20, v7  }
0x193: {  	vm14 =	vle.f32 v35, v8;
	vm15 =	vle.f32 v36, v7;
	vm4 =	vle.f32 v29, v8  }
0x194: {  	vm5 =	vle.f32 v12, v7;
	vm6 =	vle.f32 v39, v8;
	vm8 =	vle.f32 v42, v8  }
0x195: {  	v48 =	vld.idx.msk [tilespmem:v40+s0+$0x0], $0xffff;
	vm9 =	vle.f32 v25, v7;
	v10 =	vor.u32 v10, v13;
	v21 =	vsel vm0, $0x2B8CBCCC, v21  }
0x196: {  	v22 =	vsel vm1, $0x2B8CBCCC, v22;
	v27 =	vsel vm10, $0x1, v1;
	v38 =	vsel vm11, $0x1, v1  }
0x197: {  	v19 =	vsel vm12, $0x1, v1;
	v41 =	vsel vm13, $0x1, v1;
	v24 =	vsel vm14, $0x1, v1  }
0x198: {  	v44 =	vsel vm15, $0x1, v1;
	v29 =	vsel vm4, $0x1, v1;
	v47 =	vsel vm5, $0x1, v1  }
0x199: {  	v23 =	vld.idx.msk [tilespmem:v33+s5+$0x0], $0xffff;
	v49 =	vsel vm6, $0x1, v1;
	v51 =	vsel vm8, $0x1, v1;
	v52 =	vsel vm9, $0x1, v1  }
0x19a: {  	vm10 =	vle.f32 v48, v8;
	vm12 =	vgt.s32 v53, $0x0;
	(erf) = vrcp.f32 v21  }
0x19b: {  	vm13 =	vgt.s32 v55, $0x0;
	v26 =	vadd.s32 v32, v27;
	(erf) = vrcp.f32 v22;
	v22 =	vld.idx.msk [tilespmem:v40+s5+$0x0], $0xffff  }
0x19c: {  	v21 =	vadd.s32 v34, v38;
	v20 =	vsel vm10, $0x1, v1;
	v19 =	vadd.s32 v19, v26  }
0x19d: {  	v56 =	vnsel vm13, $0x0, v55;
	v21 =	vadd.s32 v41, v21;
	v46 =	vadd.s32 v24, v19  }
0x19e: {  	v21 =	vadd.s32 v44, v21;
	vm7 =	vle.f32 v23, v7;
	v12 =	vadd.s32 v29, v46  }
0x19f: {  	v23 =	vsel vm7, $0x1, v1;
	v19 =	vadd.s32 v47, v21;
	v12 =	vadd.s32 v49, v12  }
0x1a0: {  	v19 =	vadd.s32 v23, v19;
	v12 =	vadd.s32 v51, v12;
	vm11 =	vle.f32 v22, v7  }
0x1a1: {  	v19 =	vadd.s32 v52, v19;
	v12 =	vadd.s32 v20, v12;
	v54 =	vsel vm11, $0x1, v1  }
0x1a2: {  	v21 =	vnsel vm12, $0x0, v53;
	v12 =	vmax.u32 v12, $0x1;
	v19 =	vadd.s32 v54, v19  }
0x1a3: {  	v34 =	vmul.f32 v5, v6;
	v12 =	vmin.u32 v12, v21;
	v19 =	vmax.u32 v19, $0x1  }
0x1a4: {  	v21 =	vadd.s32 $0xFFFFFFFF, v12;
	v12 =	vor.u32 v4, v12;
	v19 =	vmin.u32 v19, v56  }
0x1a5: {  	v57 =	vand.u32 $0xFFFFFF80, v21;
	v59 =	vand.u32 $0x7F, v21;
	v58 =	vadd.s32 $0xFFFFFFFF, v19  }
0x1a6: {  	v20 =	vadd.s32 v4, v57;
	v63 =	vor.u32 v4, v19;
	v60 =	vand.u32 $0xFFFFFF80, v58  }
0x1a7: {  	v20 =	vor.u32 v59, v20;
	v61 =	vand.u32 $0x7F, v58;
	v23 =	vadd.s32 v4, v60  }
0x1a8: {  	v44 =	vand.u32 $0x7F, v9;
	v9 =	vadd.s32 $0x1, v9;
	v23 =	vor.u32 v61, v23  }
0x1a9: {  	v6 =	vmul.f32 v16, v6;
	v5 =	vmul.f32 v5, v14;
	v45 =	vand.u32 $0xFFFFFF80, v9;
	v62 =	vpop (erf)  }
0x1aa: {  	v46 =	vmul.f32 v16, v14;
	v30 =	vpop (erf);
	v33 =	vmul.f32 v62, v14;
	v21 =	vmul.u32 v50, v21;
	v12 =	vld.idx.msk [tilespmem:v12+s0+$0x0], $0xffff  }
0x1ab: {  	v9 =	vand.u32 $0x7F, v9;
	v32 =	vmul.f32 v30, v16;
	v18 =	vmul.f32 v30, v62;
	v25 =	vld.idx.msk [tilespmem:v63+s5+$0x0], $0xffff  }
0x1ac: {  	v27 =	vmax.f32 v33, $0.0e+00;
	v47 =	vadd.s32 v58, v21;
	v19 =	vadd.s32 v19, v21;
	v20 =	vld.idx.msk [tilespmem:v20+s0+$0x0], $0xffff  }
0x1ad: {  	v15 =	vmax.f32 v32, $0.0e+00;
	v24 =	vmul.f32 v18, v34;
	v27 =	vmin.f32 v27, $1.000000000e+00;
	v23 =	vld.idx.msk [tilespmem:v23+s5+$0x0], $0xffff  }
0x1ae: {  	v6 =	vmul.f32 v18, v6;
	v5 =	vmul.f32 v18, v5;
	v48 =	vadd.s32 v50, v47  }
0x1af: {  	v49 =	vand.u32 $0xFFFFFF80, v47;
	v14 =	vand.u32 $0x7F, v47;
	v21 =	vand.u32 $0xFFFFFF80, v19  }
0x1b0: {  	v50 =	vand.u32 $0x7F, v19;
	v15 =	vmin.f32 v15, $1.000000000e+00;
	v36 =	vsub.f32 $1.000000000e+00, v27  }
0x1b1: {  	v17 =	vadd.s32 v4, v49;
	v51 =	vadd.s32 v4, v21;
	v38 =	vsub.f32 v12, v20  }
0x1b2: {  	v52 =	vand.u32 $0xFFFFFF80, v48;
	v53 =	vand.u32 $0x7F, v48;
	v39 =	vsub.f32 v25, v23  }
0x1b3: {  	v16 =	vadd.s32 $0x1, v48;
	v35 =	vsub.f32 $1.000000000e+00, v15;
	v40 =	vand.u32 $0x7FFFFFFF, v38  }
0x1b4: {  	v15 =	vsel vm1, $0x0, v15;
	vm14 =	vlt.f32 v40, $9.999999960e-13;
	v41 =	vand.u32 $0x7FFFFFFF, v39  }
0x1b5: {  	v6 =	vsel vm1, $0x0, v6;
	v42 =	vsel vm14, $0x2B8CBCCC, v38;
	vm15 =	vlt.f32 v41, $9.999999960e-13  }
0x1b6: {  	v10 =	vld.idx.msk [tilespmem:v10+s29+$0x0], $0xffff;
	v5 =	vsel vm1, v27, v5;
	(erf) = vrcp.f32 v42;
	v26 =	vsel vm15, $0x2B8CBCCC, v39  }
0x1b7: {  	v14 =	vor.u32 v14, v17;
	v17 =	vor.u32 v50, v51;
	(erf) = vrcp.f32 v26  }
0x1b8: {  	v19 =	vadd.s32 v4, v52;
	v58 =	vand.u32 $0xFFFFFF80, v16;
	v16 =	vand.u32 $0x7F, v16  }
0x1b9: {  	v24 =	vsel vm1, v36, v24;
	v6 =	vsel vm0, v15, v6;
	v5 =	vsel vm0, $0x0, v5  }
0x1ba: {  	v11 =	vld.idx.msk [tilespmem:v11+s29+$0x0], $0xffff;
	v19 =	vor.u32 v53, v19;
	v4 =	vadd.s32 v4, v58;
	v37 =	vsel vm1, $0x3F800000, v35  }
0x1bb: {  	v4 =	vor.u32 v16, v4;
	v6 =	vmul.f32 v6, v10;
	v13 =	vsel vm0, v37, v24  }
0x1bc: {  	v24 =	vadd.s32 v3, v43;
	v3 =	vadd.s32 v3, v45;
	v8 =	vmax.f32 v20, v8  }
0x1bd: {  	v15 =	vor.u32 v44, v24;
	v8 =	vmin.f32 v12, v8;
	v7 =	vmax.f32 v23, v7  }
0x1be: {  	v20 =	vsub.f32 v8, v20;
	v8 =	vsub.f32 v12, v8;
	v7 =	vmin.f32 v25, v7  }
0x1bf: {  	v11 =	vmul.f32 v13, v11;
	v56 =	vsub.f32 v25, v7;
	v7 =	vsub.f32 v7, v23;
	v54 =	vpop (erf)  }
0x1c0: {  	v3 =	vor.u32 v9, v3;
	v9 =	vmul.f32 v18, v46;
	v22 =	vmul.f32 v54, v20;
	v55 =	vpop (erf)  }
0x1c1: {  	vm0 =	vmor vm0, vm1;
	v25 =	vmul.f32 v56, v8;
	v21 =	vmul.f32 v55, v7  }
0x1c2: {  	v8 =	vmul.f32 v7, v8;
	v57 =	vmul.f32 v55, v54;
	v22 =	vmax.f32 v22, $0.0e+00  }
0x1c3: {  	v14 =	vld.idx.msk [tilespmem:v14+s29+$0x0], $0xffff;
	v12 =	vmul.f32 v56, v20;
	v22 =	vmin.f32 v22, $1.000000000e+00;
	v21 =	vmax.f32 v21, $0.0e+00  }
0x1c4: {  	v17 =	vld.idx.msk [tilespmem:v17+s29+$0x0], $0xffff;
	v59 =	vmul.f32 v57, v25;
	v60 =	vsub.f32 $1.000000000e+00, v22;
	v21 =	vmin.f32 v21, $1.000000000e+00  }
0x1c5: {  	v6 =	vadd.f32 v11, v6;
	v15 =	vld.idx.msk [tilespmem:v15+s29+$0x0], $0xffff;
	v8 =	vmul.f32 v57, v8;
	v61 =	vsub.f32 $1.000000000e+00, v21  }
0x1c6: {  	v19 =	vld.idx.msk [tilespmem:v19+s29+$0x0], $0xffff;
	v9 =	vsel vm0, $0x0, v9;
	v12 =	vmul.f32 v57, v12;
	v16 =	vsel vm15, v60, v59  }
0x1c7: {  	v3 =	vld.idx.msk [tilespmem:v3+s29+$0x0], $0xffff;
	v62 =	vsel vm15, $0x0, v21;
	v8 =	vsel vm15, $0x0, v8;
	v13 =	vsel vm15, $0x3F800000, v61  }
0x1c8: {  	v4 =	vld.idx.msk [tilespmem:v4+s29+$0x0], $0xffff;
	v7 =	vmul.f32 v7, v20;
	v8 =	vsel vm14, v62, v8;
	v13 =	vsel vm14, v13, v16  }
0x1c9: {  	v12 =	vsel vm15, v22, v12;
	v8 =	vmul.f32 v8, v17;
	v13 =	vmul.f32 v13, v14  }
0x1ca: {  	v5 =	vmul.f32 v5, v15;
	v7 =	vmul.f32 v57, v7;
	v12 =	vsel vm14, $0x0, v12  }
0x1cb: {  	vm1 =	vmor vm14, vm15;
	v63 =	vmul.f32 v12, v19;
	v8 =	vadd.f32 v13, v8  }
0x1cc: {  	p2 =	por p1, p1;
	v3 =	vmul.f32 v9, v3;
	v5 =	vadd.f32 v6, v5;
	v7 =	vsel vm1, $0x0, v7  }
.Ltmp6:
0x1cd: {  	v4 =	vmul.f32 v7, v4;
	v8 =	vadd.f32 v8, v63;
	(pc) =	sbr.rel @p2 .LBB2_6-.Ltmp6, $4  }
0x1ce: {  	v3 =	vadd.f32 v5, v3  }
0x1cf: {  	v4 =	vadd.f32 v8, v4  }
0x1d0: {  	[tilespmem:s6+$0x1EA00] =	vst v3  }
0x1d1: {  	p1 =	por $0x0, $0x0;
	[tilespmem:v2+s21+$0x1EA10 ss:$0x1] =	vst.idx.msk $0xffff, v4;
	s21 =	simm.s32 $0x20  }
0x1d2: {  	v2 =	vor.u32 $0x4800, v0  }
0x1d3: {  	v4 =	vld [tilespmem:s26+$0x90]  }
0x1d4: {  	v3 =	vor.u32 $0x4801, v0;
	v5 =	vld [tilespmem:s26+$0x310]  }
0x1d5: {  	v29 =	vld [tilespmem:s26+$0x1E590]  }
0x1d6: {  	v6 =	vor.u32 $0x4802, v0;
	v31 =	vld [tilespmem:s26+$0x1E810]  }
0x1d7: {  	v7 =	vld.idx.msk [tilespmem:v2+s0+$0x0], $0xffff  }
0x1d8: {  	v9 =	vor.u32 $0x4803, v0;
	v8 =	vld.idx.msk [tilespmem:v2+s5+$0x0], $0xffff  }
0x1d9: {  	v10 =	vld.idx.msk [tilespmem:v3+s0+$0x0], $0xffff  }
0x1da: {  	v12 =	vor.u32 $0x4804, v0;
	v11 =	vld.idx.msk [tilespmem:v3+s5+$0x0], $0xffff  }
0x1db: {  	v13 =	vld.idx.msk [tilespmem:v6+s0+$0x0], $0xffff  }
0x1dc: {  	v57 =	vor.u32 $0x4805, v0;
	v6 =	vld.idx.msk [tilespmem:v6+s5+$0x0], $0xffff  }
0x1dd: {  	v15 =	vld.idx.msk [tilespmem:v9+s0+$0x0], $0xffff  }
0x1de: {  	v59 =	vor.u32 $0x4806, v0;
	v58 =	vld.idx.msk [tilespmem:v9+s5+$0x0], $0xffff  }
0x1df: {  	v61 =	vld.idx.msk [tilespmem:v12+s0+$0x0], $0xffff  }
0x1e0: {  	v12 =	vld.idx.msk [tilespmem:v12+s5+$0x0], $0xffff  }
0x1e1: {  	v20 =	vld.idx.msk [tilespmem:v57+s0+$0x0], $0xffff  }
0x1e2: {  	v21 =	vld.idx.msk [tilespmem:v57+s5+$0x0], $0xffff  }
0x1e3: {  	v62 =	vor.u32 $0x4807, v0;
	v23 =	vld.idx.msk [tilespmem:v59+s0+$0x0], $0xffff  }
0x1e4: {  	v40 =	vadd.s32 $0x47FF, v0;
	v9 =	vld.idx.msk [tilespmem:v59+s5+$0x0], $0xffff;
	v37 =	vadd.s32 $0xFFFFFFFF, v29;
	v39 =	vadd.s32 $0xFFFFFFFF, v31  }
0x1e5: {  	vm0 =	vle.f32 v7, v4;
	vm10 =	vle.f32 v8, v5;
	vm1 =	vle.f32 v10, v4  }
0x1e6: {  	vm11 =	vle.f32 v11, v5;
	vm12 =	vle.f32 v13, v4;
	vm13 =	vle.f32 v6, v5  }
0x1e7: {  	vm14 =	vle.f32 v15, v4;
	vm15 =	vle.f32 v58, v5;
	vm4 =	vle.f32 v61, v4  }
0x1e8: {  	vm5 =	vle.f32 v12, v5;
	vm6 =	vle.f32 v20, v4;
	vm7 =	vle.f32 v21, v5  }
0x1e9: {  	vm8 =	vle.f32 v23, v4;
	vm9 =	vle.f32 v9, v5;
	v14 =	vsel vm0, $0x1, v1  }
0x1ea: {  	v26 =	vld.idx.msk [tilespmem:v62+s0+$0x0], $0xffff;
	v60 =	vsel vm10, $0x1, v1;
	v16 =	vsel vm1, $0x1, v1;
	v17 =	vsel vm11, $0x1, v1  }
0x1eb: {  	v63 =	vsel vm12, $0x1, v1;
	v22 =	vsel vm13, $0x1, v1;
	v15 =	vsel vm14, $0x1, v1  }
0x1ec: {  	v25 =	vsel vm15, $0x1, v1;
	v27 =	vsel vm4, $0x1, v1;
	v28 =	vsel vm5, $0x1, v1  }
0x1ed: {  	v30 =	vsel vm6, $0x1, v1;
	v32 =	vsel vm7, $0x1, v1;
	v14 =	vadd.s32 v14, v16  }
0x1ee: {  	v13 =	vld.idx.msk [tilespmem:v62+s5+$0x0], $0xffff;
	v33 =	vsel vm8, $0x1, v1;
	v9 =	vsel vm9, $0x1, v1;
	v14 =	vadd.s32 v63, v14  }
0x1ef: {  	vm10 =	vle.f32 v26, v4;
	v10 =	vadd.s32 v60, v17;
	v24 =	vadd.s32 v15, v14  }
0x1f0: {  	vm12 =	vgt.s32 v37, $0x0;
	v7 =	vadd.s32 v22, v10;
	v10 =	vadd.s32 v27, v24  }
0x1f1: {  	v35 =	vsel vm10, $0x1, v1;
	v7 =	vadd.s32 v25, v7;
	v10 =	vadd.s32 v30, v10  }
0x1f2: {  	v38 =	vnsel vm12, $0x0, v37;
	v7 =	vadd.s32 v28, v7;
	v34 =	vadd.s32 v33, v10  }
0x1f3: {  	vm11 =	vle.f32 v13, v5;
	v7 =	vadd.s32 v32, v7;
	v8 =	vadd.s32 v35, v34  }
0x1f4: {  	v36 =	vsel vm11, $0x1, v1;
	v7 =	vadd.s32 v9, v7;
	v8 =	vmax.u32 v8, $0x1  }
0x1f5: {  	vm13 =	vgt.s32 v39, $0x0;
	v7 =	vadd.s32 v36, v7;
	v8 =	vmin.u32 v8, v38  }
0x1f6: {  	v10 =	vnsel vm13, $0x0, v39;
	v7 =	vmax.u32 v7, $0x1;
	v41 =	vadd.s32 v40, v8  }
0x1f7: {  	v7 =	vmin.u32 v7, v10;
	v42 =	vor.u32 v2, v8  }
0x1f8: {  	v9 =	vadd.s32 v40, v7  }
0x1f9: {  	v43 =	vor.u32 v2, v7;
	_ =	sdelay $0x1  }
0x1fa: {  	v11 =	vld.idx.msk [tilespmem:v41+s0+$0x0], $0xffff  }
0x1fb: {  	v10 =	vld.idx.msk [tilespmem:v42+s0+$0x0], $0xffff  }
0x1fc: {  	v9 =	vld.idx.msk [tilespmem:v9+s5+$0x0], $0xffff  }
0x1fd: {  	v12 =	vld.idx.msk [tilespmem:v43+s5+$0x0], $0xffff;
	_ =	sdelay $0x3  }
0x1fe: {  	v44 =	vsub.f32 v10, v11  }
0x1ff: {  	v45 =	vsub.f32 v12, v9  }
0x200: {  	v46 =	vand.u32 $0x7FFFFFFF, v44  }
0x201: {  	v47 =	vand.u32 $0x7FFFFFFF, v45;
	vm14 =	vlt.f32 v46, $9.999999960e-13  }
0x202: {  	vm15 =	vlt.f32 v47, $9.999999960e-13;
	v13 =	vsel vm14, $0x2B8CBCCC, v44  }
0x203: {  	v14 =	vsel vm15, $0x2B8CBCCC, v45;
	(erf) = vrcp.f32 v13  }
0x204: {  	(erf) = vrcp.f32 v14  }
0x205: {  	v8 =	vadd.s32 $0xFFFFFFFF, v8  }
0x206: {  	v8 =	vmul.u32 v31, v8;
	_ =	sdelay $0x1  }
0x207: {  	v48 =	vadd.s32 $0xFFFFFFFF, v7;
	v7 =	vadd.s32 v7, v8;
	v4 =	vmax.f32 v11, v4  }
0x208: {  	v7 =	vadd.s32 v2, v7;
	v5 =	vmax.f32 v9, v5;
	v4 =	vmin.f32 v10, v4  }
0x209: {  	v5 =	vmin.f32 v12, v5;
	v11 =	vsub.f32 v4, v11;
	v4 =	vsub.f32 v10, v4  }
0x20a: {  	v52 =	vsub.f32 v12, v5;
	v5 =	vsub.f32 v5, v9;
	v13 =	vadd.s32 v48, v8  }
0x20b: {  	v50 =	vadd.s32 v2, v13;
	v49 =	vpop (erf)  }
0x20c: {  	v54 =	vmul.f32 v52, v4;
	v4 =	vmul.f32 v5, v4;
	v6 =	vadd.s32 v31, v13;
	v51 =	vpop (erf)  }
0x20d: {  	v2 =	vadd.s32 v2, v6;
	v55 =	vmul.f32 v49, v11;
	v8 =	vmul.f32 v51, v5  }
0x20e: {  	v10 =	vmul.f32 v52, v11;
	v53 =	vmul.f32 v51, v49  }
0x20f: {  	v7 =	vld.idx.msk [tilespmem:v7+s29+$0x0], $0xffff;
	v3 =	vadd.s32 v3, v6;
	v57 =	vmax.f32 v55, $0.0e+00;
	v8 =	vmax.f32 v8, $0.0e+00  }
0x210: {  	v58 =	vld.idx.msk [tilespmem:v50+s29+$0x0], $0xffff;
	v56 =	vmul.f32 v53, v54;
	v9 =	vmin.f32 v57, $1.000000000e+00;
	v8 =	vmin.f32 v8, $1.000000000e+00  }
0x211: {  	v4 =	vmul.f32 v53, v4;
	v59 =	vsub.f32 $1.000000000e+00, v9;
	v60 =	vsub.f32 $1.000000000e+00, v8  }
0x212: {  	v2 =	vld.idx.msk [tilespmem:v2+s29+$0x0], $0xffff;
	v10 =	vmul.f32 v53, v10;
	v8 =	vsel vm15, $0x0, v8  }
0x213: {  	v4 =	vsel vm15, $0x0, v4;
	v6 =	vsel vm15, v59, v56;
	v61 =	vsel vm15, $0x3F800000, v60  }
0x214: {  	v3 =	vld.idx.msk [tilespmem:v3+s29+$0x0], $0xffff;
	v5 =	vmul.f32 v5, v11;
	v4 =	vsel vm14, v8, v4;
	v6 =	vsel vm14, v61, v6  }
0x215: {  	v62 =	vsel vm15, v9, v10;
	v4 =	vmul.f32 v4, v7;
	v6 =	vmul.f32 v6, v58  }
0x216: {  	v5 =	vmul.f32 v53, v5;
	v63 =	vsel vm14, $0x0, v62  }
0x217: {  	vm0 =	vmor vm14, vm15;
	v2 =	vmul.f32 v63, v2;
	v4 =	vadd.f32 v6, v4  }
0x218: {  	v5 =	vsel vm0, $0x0, v5  }
0x219: {  	s1 =	smul.u32 @!p0 $0xA000, s25;
	v3 =	vmul.f32 v5, v3;
	v2 =	vadd.f32 v4, v2;
	_ =	sdelay $0x1  }
0x21a: {  	s25 =	sshrl.u32 @!p0 s1, $0x3;
	v2 =	vadd.f32 v2, v3  }
0x21b: {  	s1 =	sadd.s32 @!p0 $0x500, s25  }
0x21c: {  	s6 =	simm.s32 @!p0 $0x0;
	s21 =	simm.s32 @!p0 $0x2D00;
	s2 =	sadd.s32 @!p0 s8, s1;
	[tilespmem:s26+$0x1EA90] =	vst v2  }
0x21d: {  	[tilespmem:s21], [sflag:$0x4] =	stream.linear.gather @!p0 [hbm4b:s2+s6], $0x2800, $0x38;
	[tilespmem:$0x1EC80] =	vst v63  }
0x21e: {  	s2 =	sadd.s32 @!p0 s10, s1;
	s21 =	simm.s32 @!p0 $0xCD00  }
0x21f: {  	[tilespmem:s21], [sflag:$0x4] =	stream.linear.gather @!p0 [hbm4b:s2+s6], $0x2800, $0x38;
	[tilespmem:$0x1EC80] =	vst v63  }
0x220: {  	s1 =	sadd.s32 @!p0 s11, s1;
	s2 =	simm.s32 @!p0 $0x16D00  }
0x221: {  	[tilespmem:s2], [sflag:$0x8] =	stream.linear.gather @!p0 [hbm4b:s1+s6], $0x2800, $0x38;
	[tilespmem:$0x1EC80] =	vst v63  }
0x222: {  	_ =	swait.ge [sflag:s17], $0x2800  }
0x223: {  	[sflag:s17] =	ssyncset.done $0x0  }
0x224: {  	[sflag:s17] =	ssyncadd.s32 $0xFFFFD800  }
0x225: {  	_ =	swait.ge [sflag:s17], $0x2800  }
0x226: {  	[sflag:s17] =	ssyncset.done $0x0  }
0x227: {  	[sflag:s17] =	ssyncadd.s32 $0xFFFFD800  }
0x228: {  	_ =	swait.ge [sflag:s18], $0x2800  }
0x229: {  	s28 =	sadd.s32 $0xA0, s26;
	[sflag:s18] =	ssyncset.done $0x0  }
0x22a: {  	p1 =	por $0x1, $0x1;
	v2 =	vmov s28;
	s21 =	simm.s32 $0x0;
	[sflag:s18] =	ssyncadd.s32 $0xFFFFD800  }
.LBB2_8:
0x22b: {  	s1 =	sadd.s32 $0xA0, s21  }
0x22c: {  	v3 =	vmov s1  }
0x22d: {  	v3 =	vshll.u32 v3, $0x7  }
0x22e: {  	v3 =	vor.u32 v0, v3  }
0x22f: {  	v10 =	vld.idx.msk [tilespmem:v2+s21+$0x0 ss:$0x1], $0xffff  }
0x230: {  	v5 =	vld.idx.msk [tilespmem:v2+s21+$0x280 ss:$0x1], $0xffff;
	v4 =	vor.u32 $0x1, v3  }
0x231: {  	v24 =	vld.idx.msk [tilespmem:v2+s21+$0x1E500 ss:$0x1], $0xffff  }
0x232: {  	v30 =	vld.idx.msk [tilespmem:v2+s21+$0x1E780 ss:$0x1], $0xffff;
	v6 =	vor.u32 $0x2, v3  }
0x233: {  	v7 =	vld.idx.msk [tilespmem:v3+s0+$0x0], $0xffff  }
0x234: {  	v9 =	vor.u32 $0x3, v3;
	v8 =	vld.idx.msk [tilespmem:v3+s5+$0x0], $0xffff  }
0x235: {  	v11 =	vld.idx.msk [tilespmem:v4+s0+$0x0], $0xffff  }
0x236: {  	v12 =	vor.u32 $0x4, v3;
	v4 =	vld.idx.msk [tilespmem:v4+s5+$0x0], $0xffff  }
0x237: {  	v13 =	vld.idx.msk [tilespmem:v6+s0+$0x0], $0xffff  }
0x238: {  	v14 =	vor.u32 $0x5, v3;
	v6 =	vld.idx.msk [tilespmem:v6+s5+$0x0], $0xffff  }
0x239: {  	v56 =	vld.idx.msk [tilespmem:v9+s0+$0x0], $0xffff  }
0x23a: {  	v58 =	vor.u32 $0x6, v3;
	v57 =	vld.idx.msk [tilespmem:v9+s5+$0x0], $0xffff  }
0x23b: {  	v17 =	vld.idx.msk [tilespmem:v12+s0+$0x0], $0xffff  }
0x23c: {  	v18 =	vor.u32 $0x7, v3;
	v60 =	vld.idx.msk [tilespmem:v12+s5+$0x0], $0xffff  }
0x23d: {  	v62 =	vld.idx.msk [tilespmem:v14+s0+$0x0], $0xffff  }
0x23e: {  	v63 =	vld.idx.msk [tilespmem:v14+s5+$0x0], $0xffff  }
0x23f: {  	v20 =	vld.idx.msk [tilespmem:v58+s0+$0x0], $0xffff  }
0x240: {  	v32 =	vadd.s32 $0xFFFFFFFF, v24;
	v34 =	vadd.s32 $0xFFFFFFFF, v30;
	v9 =	vld.idx.msk [tilespmem:v58+s5+$0x0], $0xffff;
	vm0 =	vle.f32 v7, v10  }
0x241: {  	v26 =	vld.idx.msk [tilespmem:v18+s0+$0x0], $0xffff;
	vm1 =	vle.f32 v8, v5;
	vm2 =	vle.f32 v11, v10;
	v59 =	vsel vm0, $0x1, v1  }
0x242: {  	v15 =	vsel vm1, $0x1, v1;
	vm4 =	vle.f32 v4, v5;
	vm5 =	vle.f32 v13, v10  }
0x243: {  	vm6 =	vle.f32 v6, v5;
	vm7 =	vle.f32 v56, v10;
	vm8 =	vle.f32 v57, v5  }
0x244: {  	vm9 =	vle.f32 v17, v10;
	vm10 =	vle.f32 v60, v5;
	vm11 =	vle.f32 v62, v10  }
0x245: {  	vm12 =	vle.f32 v63, v5;
	vm13 =	vle.f32 v20, v10;
	vm14 =	vle.f32 v9, v5  }
0x246: {  	vm15 =	vle.f32 v26, v10;
	v16 =	vsel vm2, $0x1, v1;
	v61 =	vsel vm4, $0x1, v1  }
0x247: {  	v29 =	vld.idx.msk [tilespmem:v18+s5+$0x0], $0xffff;
	v13 =	vsel vm5, $0x1, v1;
	v19 =	vsel vm6, $0x1, v1;
	v22 =	vsel vm7, $0x1, v1  }
0x248: {  	v23 =	vsel vm8, $0x1, v1;
	v25 =	vsel vm9, $0x1, v1;
	v27 =	vsel vm10, $0x1, v1  }
0x249: {  	v28 =	vsel vm11, $0x1, v1;
	v6 =	vsel vm12, $0x1, v1;
	v7 =	vsel vm13, $0x1, v1  }
0x24a: {  	v31 =	vsel vm14, $0x1, v1;
	v11 =	vadd.s32 v59, v16;
	v12 =	vadd.s32 v15, v61  }
0x24b: {  	v4 =	vsel vm15, $0x1, v1;
	v11 =	vadd.s32 v13, v11;
	v21 =	vadd.s32 v19, v12  }
0x24c: {  	vm4 =	vle.f32 v29, v5;
	v11 =	vadd.s32 v22, v11;
	v8 =	vadd.s32 v23, v21  }
0x24d: {  	vm5 =	vgt.s32 v32, $0x0;
	v11 =	vadd.s32 v25, v11;
	v8 =	vadd.s32 v27, v8  }
0x24e: {  	vm6 =	vgt.s32 v34, $0x0;
	v11 =	vadd.s32 v28, v11;
	v6 =	vadd.s32 v6, v8  }
0x24f: {  	v33 =	vsel vm4, $0x1, v1;
	v7 =	vadd.s32 v7, v11;
	v6 =	vadd.s32 v31, v6  }
0x250: {  	v35 =	vnsel vm6, $0x0, v34;
	v4 =	vadd.s32 v4, v7;
	v6 =	vadd.s32 v33, v6  }
0x251: {  	v8 =	vnsel vm5, $0x0, v32;
	v4 =	vmax.u32 v4, $0x1;
	v6 =	vmax.u32 v6, $0x1  }
0x252: {  	v4 =	vmin.u32 v4, v8;
	v36 =	vmin.u32 v6, v35  }
0x253: {  	v8 =	vadd.s32 $0xFFFFFFFF, v4;
	v7 =	vadd.s32 $0xFFFFFFFF, v36;
	v4 =	vor.u32 v3, v4  }
0x254: {  	v41 =	vor.u32 v3, v36;
	v37 =	vand.u32 $0xFFFFFF80, v8;
	v38 =	vand.u32 $0x7F, v8  }
0x255: {  	v39 =	vand.u32 $0xFFFFFF80, v7;
	v40 =	vand.u32 $0x7F, v7;
	v6 =	vadd.s32 v3, v37  }
0x256: {  	s28 =	sadd.s32 $0xB0, s21;
	v34 =	vld.idx.msk [tilespmem:v2+s21+$0x1E510 ss:$0x1], $0xffff;
	v44 =	vmul.u32 v30, v8;
	v9 =	vadd.s32 v3, v39;
	v6 =	vor.u32 v38, v6  }
0x257: {  	v42 =	vmov s28;
	v12 =	vld.idx.msk [tilespmem:v2+s21+$0x1E790 ss:$0x1], $0xffff;
	v9 =	vor.u32 v40, v9  }
0x258: {  	v43 =	vshll.u32 v42, $0x7;
	v8 =	vadd.s32 v7, v44;
	v7 =	vld.idx.msk [tilespmem:v2+s21+$0x10 ss:$0x1], $0xffff  }
0x259: {  	v15 =	vld.idx.msk [tilespmem:v4+s0+$0x0], $0xffff;
	v4 =	vor.u32 v0, v43  }
0x25a: {  	v13 =	vld.idx.msk [tilespmem:v41+s5+$0x0], $0xffff  }
0x25b: {  	v45 =	vor.u32 $0x1, v4;
	v14 =	vld.idx.msk [tilespmem:v6+s0+$0x0], $0xffff  }
0x25c: {  	v16 =	vld.idx.msk [tilespmem:v9+s5+$0x0], $0xffff  }
0x25d: {  	v19 =	vor.u32 $0x2, v4;
	v6 =	vld.idx.msk [tilespmem:v2+s21+$0x290 ss:$0x1], $0xffff  }
0x25e: {  	v21 =	vld.idx.msk [tilespmem:v4+s0+$0x0], $0xffff  }
0x25f: {  	v25 =	vor.u32 $0x3, v4;
	v24 =	vld.idx.msk [tilespmem:v4+s5+$0x0], $0xffff  }
0x260: {  	v47 =	vld.idx.msk [tilespmem:v45+s0+$0x0], $0xffff  }
0x261: {  	v26 =	vor.u32 $0x4, v4;
	v18 =	vld.idx.msk [tilespmem:v45+s5+$0x0], $0xffff  }
0x262: {  	v11 =	vadd.s32 v36, v44;
	v50 =	vld.idx.msk [tilespmem:v19+s0+$0x0], $0xffff  }
0x263: {  	v46 =	vand.u32 $0xFFFFFF80, v8;
	v20 =	vand.u32 $0x7F, v8;
	v52 =	vor.u32 $0x5, v4;
	v19 =	vld.idx.msk [tilespmem:v19+s5+$0x0], $0xffff  }
0x264: {  	v8 =	vadd.s32 v30, v8;
	v57 =	vor.u32 $0x6, v4;
	v9 =	vadd.s32 v3, v46;
	v55 =	vld.idx.msk [tilespmem:v25+s0+$0x0], $0xffff  }
0x265: {  	v28 =	vor.u32 $0x7, v4;
	v9 =	vor.u32 v20, v9;
	v56 =	vld.idx.msk [tilespmem:v25+s5+$0x0], $0xffff;
	v22 =	vsub.f32 v15, v14  }
0x266: {  	v59 =	vld.idx.msk [tilespmem:v26+s0+$0x0], $0xffff;
	v23 =	vsub.f32 v13, v16;
	v10 =	vmax.f32 v14, v10;
	v5 =	vmax.f32 v16, v5  }
0x267: {  	v61 =	vld.idx.msk [tilespmem:v26+s5+$0x0], $0xffff;
	v45 =	vadd.s32 $0xFFFFFFFF, v34;
	v10 =	vmin.f32 v15, v10;
	v5 =	vmin.f32 v13, v5  }
0x268: {  	v63 =	vld.idx.msk [tilespmem:v52+s0+$0x0], $0xffff;
	v48 =	vand.u32 $0x7FFFFFFF, v22;
	v49 =	vand.u32 $0x7FFFFFFF, v23;
	vm7 =	vle.f32 v21, v7  }
0x269: {  	v31 =	vld.idx.msk [tilespmem:v57+s0+$0x0], $0xffff;
	vm8 =	vle.f32 v24, v6;
	v14 =	vsub.f32 v10, v14;
	v16 =	vsub.f32 v5, v16  }
0x26a: {  	v33 =	vld.idx.msk [tilespmem:v57+s5+$0x0], $0xffff;
	v10 =	vsub.f32 v15, v10;
	v5 =	vsub.f32 v13, v5;
	vm0 =	vlt.f32 v48, $9.999999960e-13  }
0x26b: {  	vm1 =	vlt.f32 v49, $9.999999960e-13;
	v54 =	vsel vm7, $0x1, v1;
	v27 =	vsel vm8, $0x1, v1  }
0x26c: {  	vm9 =	vle.f32 v47, v7;
	vm10 =	vle.f32 v18, v6;
	vm11 =	vle.f32 v50, v7  }
0x26d: {  	vm12 =	vle.f32 v19, v6;
	vm13 =	vle.f32 v55, v7;
	vm14 =	vle.f32 v56, v6  }
0x26e: {  	v38 =	vld.idx.msk [tilespmem:v28+s0+$0x0], $0xffff;
	vm15 =	vle.f32 v59, v7;
	vm4 =	vle.f32 v61, v6;
	vm5 =	vle.f32 v63, v7  }
0x26f: {  	v40 =	vld.idx.msk [tilespmem:v28+s5+$0x0], $0xffff;
	vm7 =	vle.f32 v31, v7;
	vm8 =	vle.f32 v33, v6;
	v47 =	vadd.s32 $0xFFFFFFFF, v12  }
0x270: {  	v51 =	vsel vm0, $0x2B8CBCCC, v22;
	v53 =	vsel vm1, $0x2B8CBCCC, v23;
	v58 =	vsel vm9, $0x1, v1  }
0x271: {  	v60 =	vsel vm10, $0x1, v1;
	v62 =	vsel vm11, $0x1, v1;
	v30 =	vsel vm12, $0x1, v1  }
0x272: {  	v24 =	vsel vm13, $0x1, v1;
	v32 =	vsel vm14, $0x1, v1;
	v35 =	vsel vm15, $0x1, v1  }
0x273: {  	v37 =	vsel vm4, $0x1, v1;
	v39 =	vsel vm5, $0x1, v1;
	v42 =	vsel vm7, $0x1, v1  }
0x274: {  	v21 =	vld.idx.msk [tilespmem:v52+s5+$0x0], $0xffff;
	v44 =	vsel vm8, $0x1, v1;
	vm9 =	vle.f32 v38, v7;
	vm10 =	vle.f32 v40, v6  }
0x275: {  	vm11 =	vgt.s32 v45, $0x0;
	vm12 =	vgt.s32 v47, $0x0;
	v61 =	vmul.f32 v5, v10  }
0x276: {  	v10 =	vmul.f32 v16, v10;
	v5 =	vmul.f32 v5, v14;
	vm13 =	vmor vm0, vm1  }
0x277: {  	(erf) = vrcp.f32 v51;
	v20 =	vadd.s32 v54, v58;
	v22 =	vadd.s32 v27, v60  }
0x278: {  	v19 =	vsel vm9, $0x1, v1;
	v20 =	vadd.s32 v62, v20;
	v22 =	vadd.s32 v30, v22  }
0x279: {  	v36 =	vadd.s32 v24, v20;
	v22 =	vadd.s32 v32, v22;
	vm6 =	vle.f32 v21, v6  }
0x27a: {  	v17 =	vadd.s32 v35, v36;
	v41 =	vsel vm6, $0x1, v1;
	v20 =	vadd.s32 v37, v22  }
0x27b: {  	v46 =	vsel vm10, $0x1, v1;
	v17 =	vadd.s32 v39, v17;
	v43 =	vadd.s32 v41, v20  }
0x27c: {  	v48 =	vnsel vm12, $0x0, v47;
	v17 =	vadd.s32 v42, v17;
	v18 =	vadd.s32 v44, v43  }
0x27d: {  	(erf) = vrcp.f32 v53;
	v17 =	vadd.s32 v19, v17;
	v18 =	vadd.s32 v46, v18  }
0x27e: {  	v20 =	vnsel vm11, $0x0, v45;
	v17 =	vmax.u32 v17, $0x1;
	v18 =	vmax.u32 v18, $0x1  }
0x27f: {  	v38 =	vadd.s32 $0x1, v8;
	v17 =	vmin.u32 v17, v20;
	v18 =	vmin.u32 v18, v48  }
0x280: {  	v54 =	vand.u32 $0xFFFFFF80, v11;
	v20 =	vadd.s32 $0xFFFFFFFF, v17;
	v50 =	vadd.s32 $0xFFFFFFFF, v18  }
0x281: {  	v17 =	vor.u32 v4, v17;
	v56 =	vor.u32 v4, v18;
	v49 =	vand.u32 $0xFFFFFF80, v20  }
0x282: {  	v51 =	vand.u32 $0x7F, v20;
	v52 =	vand.u32 $0xFFFFFF80, v50;
	v19 =	vadd.s32 v4, v49  }
0x283: {  	v53 =	vand.u32 $0x7F, v50;
	v22 =	vadd.s32 v4, v52;
	v19 =	vor.u32 v51, v19  }
0x284: {  	v11 =	vand.u32 $0x7F, v11;
	v40 =	vand.u32 $0x7F, v38;
	v22 =	vor.u32 v53, v22  }
0x285: {  	v59 =	vadd.s32 v3, v54;
	v62 =	vand.u32 $0xFFFFFF80, v8;
	v8 =	vand.u32 $0x7F, v8  }
0x286: {  	v11 =	vor.u32 v11, v59;
	v32 =	vadd.s32 v3, v62;
	v39 =	vand.u32 $0xFFFFFF80, v38;
	v55 =	vpop (erf);
	v17 =	vld.idx.msk [tilespmem:v17+s0+$0x0], $0xffff  }
0x287: {  	v8 =	vor.u32 v8, v32;
	v3 =	vadd.s32 v3, v39;
	v57 =	vpop (erf);
	v58 =	vmul.f32 v55, v14;
	v25 =	vld.idx.msk [tilespmem:v56+s5+$0x0], $0xffff  }
0x288: {  	v3 =	vor.u32 v40, v3;
	v41 =	vmul.u32 v12, v20;
	v60 =	vmul.f32 v57, v16;
	v19 =	vld.idx.msk [tilespmem:v19+s0+$0x0], $0xffff  }
0x289: {  	v14 =	vmul.f32 v16, v14;
	v24 =	vmul.f32 v57, v55;
	v13 =	vmax.f32 v58, $0.0e+00;
	v22 =	vld.idx.msk [tilespmem:v22+s5+$0x0], $0xffff  }
0x28a: {  	v43 =	vadd.s32 v50, v41;
	v45 =	vadd.s32 v18, v41;
	v23 =	vmax.f32 v60, $0.0e+00  }
0x28b: {  	v13 =	vmin.f32 v13, $1.000000000e+00;
	v26 =	vmul.f32 v24, v61;
	v10 =	vmul.f32 v24, v10  }
0x28c: {  	v5 =	vmul.f32 v24, v5;
	v42 =	vmul.f32 v24, v14;
	v12 =	vadd.s32 v12, v43  }
0x28d: {  	v44 =	vand.u32 $0xFFFFFF80, v43;
	v16 =	vand.u32 $0xFFFFFF80, v45;
	v34 =	vsub.f32 v17, v19  }
0x28e: {  	v46 =	vand.u32 $0x7F, v45;
	v23 =	vmin.f32 v23, $1.000000000e+00;
	v35 =	vsub.f32 v25, v22  }
0x28f: {  	v63 =	vsub.f32 $1.000000000e+00, v13;
	v14 =	vadd.s32 v4, v44;
	v36 =	vand.u32 $0x7FFFFFFF, v34  }
0x290: {  	v47 =	vadd.s32 v4, v16;
	v37 =	vand.u32 $0x7FFFFFFF, v35;
	vm14 =	vlt.f32 v36, $9.999999960e-13  }
0x291: {  	v48 =	vand.u32 $0xFFFFFF80, v12;
	vm15 =	vlt.f32 v37, $9.999999960e-13;
	v27 =	vsel vm14, $0x2B8CBCCC, v34  }
0x292: {  	v11 =	vld.idx.msk [tilespmem:v11+s29+$0x0], $0xffff;
	v5 =	vsel vm1, v13, v5;
	v13 =	vsel vm15, $0x2B8CBCCC, v35;
	(erf) = vrcp.f32 v27  }
0x293: {  	v8 =	vld.idx.msk [tilespmem:v8+s29+$0x0], $0xffff;
	v49 =	vand.u32 $0x7F, v12;
	v12 =	vadd.s32 $0x1, v12;
	(erf) = vrcp.f32 v13  }
0x294: {  	v29 =	vsub.f32 $1.000000000e+00, v23;
	v23 =	vsel vm1, $0x0, v23;
	v10 =	vsel vm1, $0x0, v10  }
0x295: {  	v54 =	vand.u32 $0xFFFFFF80, v12;
	v12 =	vand.u32 $0x7F, v12;
	v31 =	vsel vm1, v63, v26  }
0x296: {  	v9 =	vld.idx.msk [tilespmem:v9+s29+$0x0], $0xffff;
	v10 =	vsel vm0, v23, v10;
	v5 =	vsel vm0, $0x0, v5;
	v33 =	vsel vm1, $0x3F800000, v29  }
0x297: {  	v10 =	vmul.f32 v10, v11;
	v11 =	vand.u32 $0x7F, v43;
	v7 =	vmax.f32 v19, v7  }
0x298: {  	v5 =	vmul.f32 v5, v8;
	v6 =	vmax.f32 v22, v6;
	v7 =	vmin.f32 v17, v7  }
0x299: {  	v15 =	vsel vm0, v33, v31;
	v6 =	vmin.f32 v25, v6;
	v19 =	vsub.f32 v7, v19  }
0x29a: {  	v11 =	vor.u32 v11, v14;
	v7 =	vsub.f32 v17, v7;
	v52 =	vsub.f32 v25, v6  }
0x29b: {  	v14 =	vor.u32 v46, v47;
	v9 =	vmul.f32 v15, v9;
	v6 =	vsub.f32 v6, v22;
	v50 =	vpop (erf)  }
0x29c: {  	v15 =	vadd.s32 v4, v48;
	v4 =	vadd.s32 v4, v54;
	v55 =	vmul.f32 v52, v7;
	v51 =	vpop (erf)  }
0x29d: {  	v15 =	vor.u32 v49, v15;
	v18 =	vmul.f32 v50, v19;
	v16 =	vmul.f32 v51, v6  }
0x29e: {  	v4 =	vor.u32 v12, v4;
	v7 =	vmul.f32 v6, v7;
	v53 =	vmul.f32 v51, v50  }
0x29f: {  	v11 =	vld.idx.msk [tilespmem:v11+s29+$0x0], $0xffff;
	v17 =	vmul.f32 v52, v19;
	v18 =	vmax.f32 v18, $0.0e+00;
	v16 =	vmax.f32 v16, $0.0e+00  }
0x2a0: {  	v14 =	vld.idx.msk [tilespmem:v14+s29+$0x0], $0xffff;
	v56 =	vmul.f32 v53, v55;
	v18 =	vmin.f32 v18, $1.000000000e+00;
	v16 =	vmin.f32 v16, $1.000000000e+00  }
0x2a1: {  	v7 =	vmul.f32 v53, v7;
	v57 =	vsub.f32 $1.000000000e+00, v18;
	v58 =	vsub.f32 $1.000000000e+00, v16  }
0x2a2: {  	v9 =	vadd.f32 v9, v10;
	v60 =	vld.idx.msk [tilespmem:v15+s29+$0x0], $0xffff;
	v61 =	vmul.f32 v53, v17;
	v16 =	vsel vm15, $0x0, v16  }
0x2a3: {  	v3 =	vld.idx.msk [tilespmem:v3+s29+$0x0], $0xffff;
	v7 =	vsel vm15, $0x0, v7;
	v59 =	vsel vm15, v57, v56;
	v62 =	vsel vm15, $0x3F800000, v58  }
0x2a4: {  	v4 =	vld.idx.msk [tilespmem:v4+s29+$0x0], $0xffff;
	v6 =	vmul.f32 v6, v19;
	v7 =	vsel vm14, v16, v7;
	v10 =	vsel vm14, v62, v59  }
0x2a5: {  	v15 =	vsel vm15, v18, v61;
	v7 =	vmul.f32 v7, v14;
	v10 =	vmul.f32 v10, v11  }
0x2a6: {  	vm0 =	vmor vm14, vm15;
	v6 =	vmul.f32 v53, v6;
	v63 =	vsel vm14, $0x0, v15  }
0x2a7: {  	v13 =	vsel vm13, $0x0, v42;
	v8 =	vmul.f32 v63, v60;
	v7 =	vadd.f32 v10, v7  }
0x2a8: {  	p2 =	por p1, p1;
	v5 =	vadd.f32 v9, v5;
	v3 =	vmul.f32 v13, v3;
	v6 =	vsel vm0, $0x0, v6  }
.Ltmp7:
0x2a9: {  	v4 =	vmul.f32 v6, v4;
	v7 =	vadd.f32 v7, v8;
	(pc) =	sbr.rel @p2 .LBB2_8-.Ltmp7, $4  }
0x2aa: {  	v3 =	vadd.f32 v5, v3  }
0x2ab: {  	v4 =	vadd.f32 v7, v4  }
0x2ac: {  	[tilespmem:v2+s21+$0x1EA00 ss:$0x1] =	vst.idx.msk $0xffff, v3  }
0x2ad: {  	p1 =	por $0x0, $0x0;
	[tilespmem:v2+s21+$0x1EA10 ss:$0x1] =	vst.idx.msk $0xffff, v4;
	s21 =	simm.s32 $0x20  }
0x2ae: {  	v2 =	vor.u32 $0x7000, v0  }
0x2af: {  	v4 =	vld [tilespmem:s26+$0xE0]  }
0x2b0: {  	v3 =	vor.u32 $0x7001, v0;
	v5 =	vld [tilespmem:s26+$0x360]  }
0x2b1: {  	v29 =	vld [tilespmem:s26+$0x1E5E0]  }
0x2b2: {  	v6 =	vor.u32 $0x7002, v0;
	v31 =	vld [tilespmem:s26+$0x1E860]  }
0x2b3: {  	v7 =	vld.idx.msk [tilespmem:v2+s0+$0x0], $0xffff  }
0x2b4: {  	v9 =	vor.u32 $0x7003, v0;
	v8 =	vld.idx.msk [tilespmem:v2+s5+$0x0], $0xffff  }
0x2b5: {  	v10 =	vld.idx.msk [tilespmem:v3+s0+$0x0], $0xffff  }
0x2b6: {  	v12 =	vor.u32 $0x7004, v0;
	v11 =	vld.idx.msk [tilespmem:v3+s5+$0x0], $0xffff  }
0x2b7: {  	v13 =	vld.idx.msk [tilespmem:v6+s0+$0x0], $0xffff  }
0x2b8: {  	v57 =	vor.u32 $0x7005, v0;
	v6 =	vld.idx.msk [tilespmem:v6+s5+$0x0], $0xffff  }
0x2b9: {  	v15 =	vld.idx.msk [tilespmem:v9+s0+$0x0], $0xffff  }
0x2ba: {  	v59 =	vor.u32 $0x7006, v0;
	v58 =	vld.idx.msk [tilespmem:v9+s5+$0x0], $0xffff  }
0x2bb: {  	v61 =	vld.idx.msk [tilespmem:v12+s0+$0x0], $0xffff  }
0x2bc: {  	v12 =	vld.idx.msk [tilespmem:v12+s5+$0x0], $0xffff  }
0x2bd: {  	v20 =	vld.idx.msk [tilespmem:v57+s0+$0x0], $0xffff  }
0x2be: {  	v21 =	vld.idx.msk [tilespmem:v57+s5+$0x0], $0xffff  }
0x2bf: {  	v62 =	vor.u32 $0x7007, v0;
	v23 =	vld.idx.msk [tilespmem:v59+s0+$0x0], $0xffff  }
0x2c0: {  	v40 =	vadd.s32 $0x6FFF, v0;
	v9 =	vld.idx.msk [tilespmem:v59+s5+$0x0], $0xffff;
	v37 =	vadd.s32 $0xFFFFFFFF, v29;
	v39 =	vadd.s32 $0xFFFFFFFF, v31  }
0x2c1: {  	vm0 =	vle.f32 v7, v4;
	vm10 =	vle.f32 v8, v5;
	vm1 =	vle.f32 v10, v4  }
0x2c2: {  	vm11 =	vle.f32 v11, v5;
	vm12 =	vle.f32 v13, v4;
	vm13 =	vle.f32 v6, v5  }
0x2c3: {  	vm14 =	vle.f32 v15, v4;
	vm15 =	vle.f32 v58, v5;
	vm4 =	vle.f32 v61, v4  }
0x2c4: {  	vm5 =	vle.f32 v12, v5;
	vm6 =	vle.f32 v20, v4;
	vm7 =	vle.f32 v21, v5  }
0x2c5: {  	vm8 =	vle.f32 v23, v4;
	vm9 =	vle.f32 v9, v5;
	v14 =	vsel vm0, $0x1, v1  }
0x2c6: {  	v26 =	vld.idx.msk [tilespmem:v62+s0+$0x0], $0xffff;
	v60 =	vsel vm10, $0x1, v1;
	v16 =	vsel vm1, $0x1, v1;
	v17 =	vsel vm11, $0x1, v1  }
0x2c7: {  	v63 =	vsel vm12, $0x1, v1;
	v22 =	vsel vm13, $0x1, v1;
	v15 =	vsel vm14, $0x1, v1  }
0x2c8: {  	v25 =	vsel vm15, $0x1, v1;
	v27 =	vsel vm4, $0x1, v1;
	v28 =	vsel vm5, $0x1, v1  }
0x2c9: {  	v30 =	vsel vm6, $0x1, v1;
	v32 =	vsel vm7, $0x1, v1;
	v14 =	vadd.s32 v14, v16  }
0x2ca: {  	v13 =	vld.idx.msk [tilespmem:v62+s5+$0x0], $0xffff;
	v33 =	vsel vm8, $0x1, v1;
	v9 =	vsel vm9, $0x1, v1;
	v14 =	vadd.s32 v63, v14  }
0x2cb: {  	vm10 =	vle.f32 v26, v4;
	v10 =	vadd.s32 v60, v17;
	v24 =	vadd.s32 v15, v14  }
0x2cc: {  	vm12 =	vgt.s32 v37, $0x0;
	v7 =	vadd.s32 v22, v10;
	v10 =	vadd.s32 v27, v24  }
0x2cd: {  	v35 =	vsel vm10, $0x1, v1;
	v7 =	vadd.s32 v25, v7;
	v10 =	vadd.s32 v30, v10  }
0x2ce: {  	v38 =	vnsel vm12, $0x0, v37;
	v7 =	vadd.s32 v28, v7;
	v34 =	vadd.s32 v33, v10  }
0x2cf: {  	vm11 =	vle.f32 v13, v5;
	v7 =	vadd.s32 v32, v7;
	v8 =	vadd.s32 v35, v34  }
0x2d0: {  	v36 =	vsel vm11, $0x1, v1;
	v7 =	vadd.s32 v9, v7;
	v8 =	vmax.u32 v8, $0x1  }
0x2d1: {  	vm13 =	vgt.s32 v39, $0x0;
	v7 =	vadd.s32 v36, v7;
	v8 =	vmin.u32 v8, v38  }
0x2d2: {  	v10 =	vnsel vm13, $0x0, v39;
	v7 =	vmax.u32 v7, $0x1;
	v41 =	vadd.s32 v40, v8  }
0x2d3: {  	v7 =	vmin.u32 v7, v10;
	v42 =	vor.u32 v2, v8  }
0x2d4: {  	v9 =	vadd.s32 v40, v7  }
0x2d5: {  	v43 =	vor.u32 v2, v7;
	_ =	sdelay $0x1  }
0x2d6: {  	v11 =	vld.idx.msk [tilespmem:v41+s0+$0x0], $0xffff  }
0x2d7: {  	v10 =	vld.idx.msk [tilespmem:v42+s0+$0x0], $0xffff  }
0x2d8: {  	v9 =	vld.idx.msk [tilespmem:v9+s5+$0x0], $0xffff  }
0x2d9: {  	v12 =	vld.idx.msk [tilespmem:v43+s5+$0x0], $0xffff;
	_ =	sdelay $0x3  }
0x2da: {  	v44 =	vsub.f32 v10, v11  }
0x2db: {  	v45 =	vsub.f32 v12, v9  }
0x2dc: {  	v46 =	vand.u32 $0x7FFFFFFF, v44  }
0x2dd: {  	v47 =	vand.u32 $0x7FFFFFFF, v45;
	vm14 =	vlt.f32 v46, $9.999999960e-13  }
0x2de: {  	vm15 =	vlt.f32 v47, $9.999999960e-13;
	v13 =	vsel vm14, $0x2B8CBCCC, v44  }
0x2df: {  	v14 =	vsel vm15, $0x2B8CBCCC, v45;
	(erf) = vrcp.f32 v13  }
0x2e0: {  	(erf) = vrcp.f32 v14  }
0x2e1: {  	v8 =	vadd.s32 $0xFFFFFFFF, v8  }
0x2e2: {  	v8 =	vmul.u32 v31, v8;
	_ =	sdelay $0x1  }
0x2e3: {  	v48 =	vadd.s32 $0xFFFFFFFF, v7;
	v7 =	vadd.s32 v7, v8;
	v4 =	vmax.f32 v11, v4  }
0x2e4: {  	v7 =	vadd.s32 v2, v7;
	v5 =	vmax.f32 v9, v5;
	v4 =	vmin.f32 v10, v4  }
0x2e5: {  	v5 =	vmin.f32 v12, v5;
	v11 =	vsub.f32 v4, v11;
	v4 =	vsub.f32 v10, v4  }
0x2e6: {  	v52 =	vsub.f32 v12, v5;
	v5 =	vsub.f32 v5, v9;
	v13 =	vadd.s32 v48, v8  }
0x2e7: {  	v50 =	vadd.s32 v2, v13;
	v49 =	vpop (erf)  }
0x2e8: {  	v54 =	vmul.f32 v52, v4;
	v4 =	vmul.f32 v5, v4;
	v6 =	vadd.s32 v31, v13;
	v51 =	vpop (erf)  }
0x2e9: {  	v2 =	vadd.s32 v2, v6;
	v55 =	vmul.f32 v49, v11;
	v8 =	vmul.f32 v51, v5  }
0x2ea: {  	v10 =	vmul.f32 v52, v11;
	v53 =	vmul.f32 v51, v49  }
0x2eb: {  	v7 =	vld.idx.msk [tilespmem:v7+s29+$0x0], $0xffff;
	v3 =	vadd.s32 v3, v6;
	v57 =	vmax.f32 v55, $0.0e+00;
	v8 =	vmax.f32 v8, $0.0e+00  }
0x2ec: {  	v58 =	vld.idx.msk [tilespmem:v50+s29+$0x0], $0xffff;
	v56 =	vmul.f32 v53, v54;
	v9 =	vmin.f32 v57, $1.000000000e+00;
	v8 =	vmin.f32 v8, $1.000000000e+00  }
0x2ed: {  	v4 =	vmul.f32 v53, v4;
	v59 =	vsub.f32 $1.000000000e+00, v9;
	v60 =	vsub.f32 $1.000000000e+00, v8  }
0x2ee: {  	v2 =	vld.idx.msk [tilespmem:v2+s29+$0x0], $0xffff;
	v10 =	vmul.f32 v53, v10;
	v8 =	vsel vm15, $0x0, v8  }
0x2ef: {  	v4 =	vsel vm15, $0x0, v4;
	v6 =	vsel vm15, v59, v56;
	v61 =	vsel vm15, $0x3F800000, v60  }
0x2f0: {  	v3 =	vld.idx.msk [tilespmem:v3+s29+$0x0], $0xffff;
	v5 =	vmul.f32 v5, v11;
	v4 =	vsel vm14, v8, v4;
	v6 =	vsel vm14, v61, v6  }
0x2f1: {  	v62 =	vsel vm15, v9, v10;
	v4 =	vmul.f32 v4, v7;
	v6 =	vmul.f32 v6, v58  }
0x2f2: {  	v5 =	vmul.f32 v53, v5;
	v63 =	vsel vm14, $0x0, v62  }
0x2f3: {  	vm0 =	vmor vm14, vm15;
	v2 =	vmul.f32 v63, v2;
	v4 =	vadd.f32 v6, v4  }
0x2f4: {  	v5 =	vsel vm0, $0x0, v5  }
0x2f5: {  	v3 =	vmul.f32 v5, v3;
	v2 =	vadd.f32 v4, v2;
	_ =	sdelay $0x1  }
0x2f6: {  	v2 =	vadd.f32 v2, v3  }
0x2f7: {  	s1 =	sadd.s32 @!p0 $0xA00, s25  }
0x2f8: {  	s6 =	simm.s32 @!p0 $0x0;
	s21 =	simm.s32 @!p0 $0x5500;
	s2 =	sadd.s32 @!p0 s8, s1;
	[tilespmem:s26+$0x1EAE0] =	vst v2  }
0x2f9: {  	[tilespmem:s21], [sflag:$0x5] =	stream.linear.gather @!p0 [hbm4b:s2+s6], $0x2800, $0x38;
	[tilespmem:$0x1EC80] =	vst v63  }
0x2fa: {  	s2 =	sadd.s32 @!p0 s10, s1;
	s21 =	simm.s32 @!p0 $0xF500  }
0x2fb: {  	[tilespmem:s21], [sflag:$0x5] =	stream.linear.gather @!p0 [hbm4b:s2+s6], $0x2800, $0x38;
	[tilespmem:$0x1EC80] =	vst v63  }
0x2fc: {  	s1 =	sadd.s32 @!p0 s11, s1;
	s2 =	simm.s32 @!p0 $0x19500  }
0x2fd: {  	[tilespmem:s2], [sflag:$0x9] =	stream.linear.gather @!p0 [hbm4b:s1+s6], $0x2800, $0x38;
	[tilespmem:$0x1EC80] =	vst v63  }
0x2fe: {  	_ =	swait.ge [sflag:s19], $0x2800  }
0x2ff: {  	[sflag:s19] =	ssyncset.done $0x0  }
0x300: {  	[sflag:s19] =	ssyncadd.s32 $0xFFFFD800  }
0x301: {  	_ =	swait.ge [sflag:s19], $0x2800  }
0x302: {  	[sflag:s19] =	ssyncset.done $0x0  }
0x303: {  	[sflag:s19] =	ssyncadd.s32 $0xFFFFD800  }
0x304: {  	_ =	swait.ge [sflag:s20], $0x2800  }
0x305: {  	s28 =	sadd.s32 $0xF0, s26;
	[sflag:s20] =	ssyncset.done $0x0  }
0x306: {  	v2 =	vmov s28;
	s21 =	simm.s32 $0x0;
	p0 =	por $0x1, $0x1;
	[sflag:s20] =	ssyncadd.s32 $0xFFFFD800  }
.LBB2_10:
0x307: {  	s1 =	sadd.s32 $0xF0, s21  }
0x308: {  	v3 =	vmov s1  }
0x309: {  	v3 =	vshll.u32 v3, $0x7  }
0x30a: {  	v3 =	vor.u32 v0, v3  }
0x30b: {  	v10 =	vld.idx.msk [tilespmem:v2+s21+$0x0 ss:$0x1], $0xffff  }
0x30c: {  	v5 =	vld.idx.msk [tilespmem:v2+s21+$0x280 ss:$0x1], $0xffff;
	v4 =	vor.u32 $0x1, v3  }
0x30d: {  	v24 =	vld.idx.msk [tilespmem:v2+s21+$0x1E500 ss:$0x1], $0xffff  }
0x30e: {  	v30 =	vld.idx.msk [tilespmem:v2+s21+$0x1E780 ss:$0x1], $0xffff;
	v6 =	vor.u32 $0x2, v3  }
0x30f: {  	v7 =	vld.idx.msk [tilespmem:v3+s0+$0x0], $0xffff  }
0x310: {  	v9 =	vor.u32 $0x3, v3;
	v8 =	vld.idx.msk [tilespmem:v3+s5+$0x0], $0xffff  }
0x311: {  	v11 =	vld.idx.msk [tilespmem:v4+s0+$0x0], $0xffff  }
0x312: {  	v12 =	vor.u32 $0x4, v3;
	v4 =	vld.idx.msk [tilespmem:v4+s5+$0x0], $0xffff  }
0x313: {  	v13 =	vld.idx.msk [tilespmem:v6+s0+$0x0], $0xffff  }
0x314: {  	v14 =	vor.u32 $0x5, v3;
	v6 =	vld.idx.msk [tilespmem:v6+s5+$0x0], $0xffff  }
0x315: {  	v56 =	vld.idx.msk [tilespmem:v9+s0+$0x0], $0xffff  }
0x316: {  	v58 =	vor.u32 $0x6, v3;
	v57 =	vld.idx.msk [tilespmem:v9+s5+$0x0], $0xffff  }
0x317: {  	v17 =	vld.idx.msk [tilespmem:v12+s0+$0x0], $0xffff  }
0x318: {  	v18 =	vor.u32 $0x7, v3;
	v60 =	vld.idx.msk [tilespmem:v12+s5+$0x0], $0xffff  }
0x319: {  	v62 =	vld.idx.msk [tilespmem:v14+s0+$0x0], $0xffff  }
0x31a: {  	v63 =	vld.idx.msk [tilespmem:v14+s5+$0x0], $0xffff  }
0x31b: {  	v20 =	vld.idx.msk [tilespmem:v58+s0+$0x0], $0xffff  }
0x31c: {  	v32 =	vadd.s32 $0xFFFFFFFF, v24;
	v34 =	vadd.s32 $0xFFFFFFFF, v30;
	v9 =	vld.idx.msk [tilespmem:v58+s5+$0x0], $0xffff;
	vm0 =	vle.f32 v7, v10  }
0x31d: {  	v26 =	vld.idx.msk [tilespmem:v18+s0+$0x0], $0xffff;
	vm1 =	vle.f32 v8, v5;
	vm2 =	vle.f32 v11, v10;
	v59 =	vsel vm0, $0x1, v1  }
0x31e: {  	v15 =	vsel vm1, $0x1, v1;
	vm4 =	vle.f32 v4, v5;
	vm5 =	vle.f32 v13, v10  }
0x31f: {  	vm6 =	vle.f32 v6, v5;
	vm7 =	vle.f32 v56, v10;
	vm8 =	vle.f32 v57, v5  }
0x320: {  	vm9 =	vle.f32 v17, v10;
	vm10 =	vle.f32 v60, v5;
	vm11 =	vle.f32 v62, v10  }
0x321: {  	vm12 =	vle.f32 v63, v5;
	vm13 =	vle.f32 v20, v10;
	vm14 =	vle.f32 v9, v5  }
0x322: {  	vm15 =	vle.f32 v26, v10;
	v16 =	vsel vm2, $0x1, v1;
	v61 =	vsel vm4, $0x1, v1  }
0x323: {  	v29 =	vld.idx.msk [tilespmem:v18+s5+$0x0], $0xffff;
	v13 =	vsel vm5, $0x1, v1;
	v19 =	vsel vm6, $0x1, v1;
	v22 =	vsel vm7, $0x1, v1  }
0x324: {  	v23 =	vsel vm8, $0x1, v1;
	v25 =	vsel vm9, $0x1, v1;
	v27 =	vsel vm10, $0x1, v1  }
0x325: {  	v28 =	vsel vm11, $0x1, v1;
	v6 =	vsel vm12, $0x1, v1;
	v7 =	vsel vm13, $0x1, v1  }
0x326: {  	v31 =	vsel vm14, $0x1, v1;
	v11 =	vadd.s32 v59, v16;
	v12 =	vadd.s32 v15, v61  }
0x327: {  	v4 =	vsel vm15, $0x1, v1;
	v11 =	vadd.s32 v13, v11;
	v21 =	vadd.s32 v19, v12  }
0x328: {  	vm4 =	vle.f32 v29, v5;
	v11 =	vadd.s32 v22, v11;
	v8 =	vadd.s32 v23, v21  }
0x329: {  	vm5 =	vgt.s32 v32, $0x0;
	v11 =	vadd.s32 v25, v11;
	v8 =	vadd.s32 v27, v8  }
0x32a: {  	vm6 =	vgt.s32 v34, $0x0;
	v11 =	vadd.s32 v28, v11;
	v6 =	vadd.s32 v6, v8  }
0x32b: {  	v33 =	vsel vm4, $0x1, v1;
	v7 =	vadd.s32 v7, v11;
	v6 =	vadd.s32 v31, v6  }
0x32c: {  	v35 =	vnsel vm6, $0x0, v34;
	v4 =	vadd.s32 v4, v7;
	v6 =	vadd.s32 v33, v6  }
0x32d: {  	v8 =	vnsel vm5, $0x0, v32;
	v4 =	vmax.u32 v4, $0x1;
	v6 =	vmax.u32 v6, $0x1  }
0x32e: {  	v4 =	vmin.u32 v4, v8;
	v36 =	vmin.u32 v6, v35  }
0x32f: {  	v8 =	vadd.s32 $0xFFFFFFFF, v4;
	v7 =	vadd.s32 $0xFFFFFFFF, v36;
	v4 =	vor.u32 v3, v4  }
0x330: {  	v41 =	vor.u32 v3, v36;
	v37 =	vand.u32 $0xFFFFFF80, v8;
	v38 =	vand.u32 $0x7F, v8  }
0x331: {  	v39 =	vand.u32 $0xFFFFFF80, v7;
	v40 =	vand.u32 $0x7F, v7;
	v6 =	vadd.s32 v3, v37  }
0x332: {  	s28 =	sor.u32 $0x100, s21;
	v34 =	vld.idx.msk [tilespmem:v2+s21+$0x1E510 ss:$0x1], $0xffff;
	v44 =	vmul.u32 v30, v8;
	v9 =	vadd.s32 v3, v39;
	v6 =	vor.u32 v38, v6  }
0x333: {  	v42 =	vmov s28;
	v12 =	vld.idx.msk [tilespmem:v2+s21+$0x1E790 ss:$0x1], $0xffff;
	v9 =	vor.u32 v40, v9  }
0x334: {  	v43 =	vshll.u32 v42, $0x7;
	v8 =	vadd.s32 v7, v44;
	v7 =	vld.idx.msk [tilespmem:v2+s21+$0x10 ss:$0x1], $0xffff  }
0x335: {  	v15 =	vld.idx.msk [tilespmem:v4+s0+$0x0], $0xffff;
	v4 =	vor.u32 v0, v43  }
0x336: {  	v13 =	vld.idx.msk [tilespmem:v41+s5+$0x0], $0xffff  }
0x337: {  	v45 =	vor.u32 $0x1, v4;
	v14 =	vld.idx.msk [tilespmem:v6+s0+$0x0], $0xffff  }
0x338: {  	v16 =	vld.idx.msk [tilespmem:v9+s5+$0x0], $0xffff  }
0x339: {  	v19 =	vor.u32 $0x2, v4;
	v6 =	vld.idx.msk [tilespmem:v2+s21+$0x290 ss:$0x1], $0xffff  }
0x33a: {  	v21 =	vld.idx.msk [tilespmem:v4+s0+$0x0], $0xffff  }
0x33b: {  	v25 =	vor.u32 $0x3, v4;
	v24 =	vld.idx.msk [tilespmem:v4+s5+$0x0], $0xffff  }
0x33c: {  	v47 =	vld.idx.msk [tilespmem:v45+s0+$0x0], $0xffff  }
0x33d: {  	v26 =	vor.u32 $0x4, v4;
	v18 =	vld.idx.msk [tilespmem:v45+s5+$0x0], $0xffff  }
0x33e: {  	v11 =	vadd.s32 v36, v44;
	v50 =	vld.idx.msk [tilespmem:v19+s0+$0x0], $0xffff  }
0x33f: {  	v46 =	vand.u32 $0xFFFFFF80, v8;
	v20 =	vand.u32 $0x7F, v8;
	v52 =	vor.u32 $0x5, v4;
	v19 =	vld.idx.msk [tilespmem:v19+s5+$0x0], $0xffff  }
0x340: {  	v8 =	vadd.s32 v30, v8;
	v57 =	vor.u32 $0x6, v4;
	v9 =	vadd.s32 v3, v46;
	v55 =	vld.idx.msk [tilespmem:v25+s0+$0x0], $0xffff  }
0x341: {  	v28 =	vor.u32 $0x7, v4;
	v9 =	vor.u32 v20, v9;
	v56 =	vld.idx.msk [tilespmem:v25+s5+$0x0], $0xffff;
	v22 =	vsub.f32 v15, v14  }
0x342: {  	v59 =	vld.idx.msk [tilespmem:v26+s0+$0x0], $0xffff;
	v23 =	vsub.f32 v13, v16;
	v10 =	vmax.f32 v14, v10;
	v5 =	vmax.f32 v16, v5  }
0x343: {  	v61 =	vld.idx.msk [tilespmem:v26+s5+$0x0], $0xffff;
	v45 =	vadd.s32 $0xFFFFFFFF, v34;
	v10 =	vmin.f32 v15, v10;
	v5 =	vmin.f32 v13, v5  }
0x344: {  	v63 =	vld.idx.msk [tilespmem:v52+s0+$0x0], $0xffff;
	v48 =	vand.u32 $0x7FFFFFFF, v22;
	v49 =	vand.u32 $0x7FFFFFFF, v23;
	vm7 =	vle.f32 v21, v7  }
0x345: {  	v31 =	vld.idx.msk [tilespmem:v57+s0+$0x0], $0xffff;
	vm8 =	vle.f32 v24, v6;
	v14 =	vsub.f32 v10, v14;
	v16 =	vsub.f32 v5, v16  }
0x346: {  	v33 =	vld.idx.msk [tilespmem:v57+s5+$0x0], $0xffff;
	v10 =	vsub.f32 v15, v10;
	v5 =	vsub.f32 v13, v5;
	vm0 =	vlt.f32 v48, $9.999999960e-13  }
0x347: {  	vm1 =	vlt.f32 v49, $9.999999960e-13;
	v54 =	vsel vm7, $0x1, v1;
	v27 =	vsel vm8, $0x1, v1  }
0x348: {  	vm9 =	vle.f32 v47, v7;
	vm10 =	vle.f32 v18, v6;
	vm11 =	vle.f32 v50, v7  }
0x349: {  	vm12 =	vle.f32 v19, v6;
	vm13 =	vle.f32 v55, v7;
	vm14 =	vle.f32 v56, v6  }
0x34a: {  	v38 =	vld.idx.msk [tilespmem:v28+s0+$0x0], $0xffff;
	vm15 =	vle.f32 v59, v7;
	vm4 =	vle.f32 v61, v6;
	vm5 =	vle.f32 v63, v7  }
0x34b: {  	v40 =	vld.idx.msk [tilespmem:v28+s5+$0x0], $0xffff;
	vm7 =	vle.f32 v31, v7;
	vm8 =	vle.f32 v33, v6;
	v47 =	vadd.s32 $0xFFFFFFFF, v12  }
0x34c: {  	v51 =	vsel vm0, $0x2B8CBCCC, v22;
	v53 =	vsel vm1, $0x2B8CBCCC, v23;
	v58 =	vsel vm9, $0x1, v1  }
0x34d: {  	v60 =	vsel vm10, $0x1, v1;
	v62 =	vsel vm11, $0x1, v1;
	v30 =	vsel vm12, $0x1, v1  }
0x34e: {  	v24 =	vsel vm13, $0x1, v1;
	v32 =	vsel vm14, $0x1, v1;
	v35 =	vsel vm15, $0x1, v1  }
0x34f: {  	v37 =	vsel vm4, $0x1, v1;
	v39 =	vsel vm5, $0x1, v1;
	v42 =	vsel vm7, $0x1, v1  }
0x350: {  	v21 =	vld.idx.msk [tilespmem:v52+s5+$0x0], $0xffff;
	v44 =	vsel vm8, $0x1, v1;
	vm9 =	vle.f32 v38, v7;
	vm10 =	vle.f32 v40, v6  }
0x351: {  	vm11 =	vgt.s32 v45, $0x0;
	vm12 =	vgt.s32 v47, $0x0;
	v61 =	vmul.f32 v5, v10  }
0x352: {  	v10 =	vmul.f32 v16, v10;
	v5 =	vmul.f32 v5, v14;
	vm13 =	vmor vm0, vm1  }
0x353: {  	(erf) = vrcp.f32 v51;
	v20 =	vadd.s32 v54, v58;
	v22 =	vadd.s32 v27, v60  }
0x354: {  	v19 =	vsel vm9, $0x1, v1;
	v20 =	vadd.s32 v62, v20;
	v22 =	vadd.s32 v30, v22  }
0x355: {  	v36 =	vadd.s32 v24, v20;
	v22 =	vadd.s32 v32, v22;
	vm6 =	vle.f32 v21, v6  }
0x356: {  	v17 =	vadd.s32 v35, v36;
	v41 =	vsel vm6, $0x1, v1;
	v20 =	vadd.s32 v37, v22  }
0x357: {  	v46 =	vsel vm10, $0x1, v1;
	v17 =	vadd.s32 v39, v17;
	v43 =	vadd.s32 v41, v20  }
0x358: {  	v48 =	vnsel vm12, $0x0, v47;
	v17 =	vadd.s32 v42, v17;
	v18 =	vadd.s32 v44, v43  }
0x359: {  	(erf) = vrcp.f32 v53;
	v17 =	vadd.s32 v19, v17;
	v18 =	vadd.s32 v46, v18  }
0x35a: {  	v20 =	vnsel vm11, $0x0, v45;
	v17 =	vmax.u32 v17, $0x1;
	v18 =	vmax.u32 v18, $0x1  }
0x35b: {  	v38 =	vadd.s32 $0x1, v8;
	v17 =	vmin.u32 v17, v20;
	v18 =	vmin.u32 v18, v48  }
0x35c: {  	v54 =	vand.u32 $0xFFFFFF80, v11;
	v20 =	vadd.s32 $0xFFFFFFFF, v17;
	v50 =	vadd.s32 $0xFFFFFFFF, v18  }
0x35d: {  	v17 =	vor.u32 v4, v17;
	v56 =	vor.u32 v4, v18;
	v49 =	vand.u32 $0xFFFFFF80, v20  }
0x35e: {  	v51 =	vand.u32 $0x7F, v20;
	v52 =	vand.u32 $0xFFFFFF80, v50;
	v19 =	vadd.s32 v4, v49  }
0x35f: {  	v53 =	vand.u32 $0x7F, v50;
	v22 =	vadd.s32 v4, v52;
	v19 =	vor.u32 v51, v19  }
0x360: {  	v11 =	vand.u32 $0x7F, v11;
	v40 =	vand.u32 $0x7F, v38;
	v22 =	vor.u32 v53, v22  }
0x361: {  	v59 =	vadd.s32 v3, v54;
	v62 =	vand.u32 $0xFFFFFF80, v8;
	v8 =	vand.u32 $0x7F, v8  }
0x362: {  	v11 =	vor.u32 v11, v59;
	v32 =	vadd.s32 v3, v62;
	v39 =	vand.u32 $0xFFFFFF80, v38;
	v55 =	vpop (erf);
	v17 =	vld.idx.msk [tilespmem:v17+s0+$0x0], $0xffff  }
0x363: {  	v8 =	vor.u32 v8, v32;
	v3 =	vadd.s32 v3, v39;
	v57 =	vpop (erf);
	v58 =	vmul.f32 v55, v14;
	v25 =	vld.idx.msk [tilespmem:v56+s5+$0x0], $0xffff  }
0x364: {  	v3 =	vor.u32 v40, v3;
	v41 =	vmul.u32 v12, v20;
	v60 =	vmul.f32 v57, v16;
	v19 =	vld.idx.msk [tilespmem:v19+s0+$0x0], $0xffff  }
0x365: {  	v14 =	vmul.f32 v16, v14;
	v24 =	vmul.f32 v57, v55;
	v13 =	vmax.f32 v58, $0.0e+00;
	v22 =	vld.idx.msk [tilespmem:v22+s5+$0x0], $0xffff  }
0x366: {  	v43 =	vadd.s32 v50, v41;
	v45 =	vadd.s32 v18, v41;
	v23 =	vmax.f32 v60, $0.0e+00  }
0x367: {  	v13 =	vmin.f32 v13, $1.000000000e+00;
	v26 =	vmul.f32 v24, v61;
	v10 =	vmul.f32 v24, v10  }
0x368: {  	v5 =	vmul.f32 v24, v5;
	v42 =	vmul.f32 v24, v14;
	v12 =	vadd.s32 v12, v43  }
0x369: {  	v44 =	vand.u32 $0xFFFFFF80, v43;
	v16 =	vand.u32 $0xFFFFFF80, v45;
	v34 =	vsub.f32 v17, v19  }
0x36a: {  	v46 =	vand.u32 $0x7F, v45;
	v23 =	vmin.f32 v23, $1.000000000e+00;
	v35 =	vsub.f32 v25, v22  }
0x36b: {  	v63 =	vsub.f32 $1.000000000e+00, v13;
	v14 =	vadd.s32 v4, v44;
	v36 =	vand.u32 $0x7FFFFFFF, v34  }
0x36c: {  	v47 =	vadd.s32 v4, v16;
	v37 =	vand.u32 $0x7FFFFFFF, v35;
	vm14 =	vlt.f32 v36, $9.999999960e-13  }
0x36d: {  	v48 =	vand.u32 $0xFFFFFF80, v12;
	vm15 =	vlt.f32 v37, $9.999999960e-13;
	v27 =	vsel vm14, $0x2B8CBCCC, v34  }
0x36e: {  	v11 =	vld.idx.msk [tilespmem:v11+s29+$0x0], $0xffff;
	v5 =	vsel vm1, v13, v5;
	v13 =	vsel vm15, $0x2B8CBCCC, v35;
	(erf) = vrcp.f32 v27  }
0x36f: {  	v8 =	vld.idx.msk [tilespmem:v8+s29+$0x0], $0xffff;
	v49 =	vand.u32 $0x7F, v12;
	v12 =	vadd.s32 $0x1, v12;
	(erf) = vrcp.f32 v13  }
0x370: {  	v29 =	vsub.f32 $1.000000000e+00, v23;
	v23 =	vsel vm1, $0x0, v23;
	v10 =	vsel vm1, $0x0, v10  }
0x371: {  	v54 =	vand.u32 $0xFFFFFF80, v12;
	v12 =	vand.u32 $0x7F, v12;
	v31 =	vsel vm1, v63, v26  }
0x372: {  	v9 =	vld.idx.msk [tilespmem:v9+s29+$0x0], $0xffff;
	v10 =	vsel vm0, v23, v10;
	v5 =	vsel vm0, $0x0, v5;
	v33 =	vsel vm1, $0x3F800000, v29  }
0x373: {  	v10 =	vmul.f32 v10, v11;
	v11 =	vand.u32 $0x7F, v43;
	v7 =	vmax.f32 v19, v7  }
0x374: {  	v5 =	vmul.f32 v5, v8;
	v6 =	vmax.f32 v22, v6;
	v7 =	vmin.f32 v17, v7  }
0x375: {  	v15 =	vsel vm0, v33, v31;
	v6 =	vmin.f32 v25, v6;
	v19 =	vsub.f32 v7, v19  }
0x376: {  	v11 =	vor.u32 v11, v14;
	v7 =	vsub.f32 v17, v7;
	v52 =	vsub.f32 v25, v6  }
0x377: {  	v14 =	vor.u32 v46, v47;
	v9 =	vmul.f32 v15, v9;
	v6 =	vsub.f32 v6, v22;
	v50 =	vpop (erf)  }
0x378: {  	v15 =	vadd.s32 v4, v48;
	v4 =	vadd.s32 v4, v54;
	v55 =	vmul.f32 v52, v7;
	v51 =	vpop (erf)  }
0x379: {  	v15 =	vor.u32 v49, v15;
	v18 =	vmul.f32 v50, v19;
	v16 =	vmul.f32 v51, v6  }
0x37a: {  	v4 =	vor.u32 v12, v4;
	v7 =	vmul.f32 v6, v7;
	v53 =	vmul.f32 v51, v50  }
0x37b: {  	v11 =	vld.idx.msk [tilespmem:v11+s29+$0x0], $0xffff;
	v17 =	vmul.f32 v52, v19;
	v18 =	vmax.f32 v18, $0.0e+00;
	v16 =	vmax.f32 v16, $0.0e+00  }
0x37c: {  	v14 =	vld.idx.msk [tilespmem:v14+s29+$0x0], $0xffff;
	v56 =	vmul.f32 v53, v55;
	v18 =	vmin.f32 v18, $1.000000000e+00;
	v16 =	vmin.f32 v16, $1.000000000e+00  }
0x37d: {  	v7 =	vmul.f32 v53, v7;
	v57 =	vsub.f32 $1.000000000e+00, v18;
	v58 =	vsub.f32 $1.000000000e+00, v16  }
0x37e: {  	v9 =	vadd.f32 v9, v10;
	v60 =	vld.idx.msk [tilespmem:v15+s29+$0x0], $0xffff;
	v61 =	vmul.f32 v53, v17;
	v16 =	vsel vm15, $0x0, v16  }
0x37f: {  	v3 =	vld.idx.msk [tilespmem:v3+s29+$0x0], $0xffff;
	v7 =	vsel vm15, $0x0, v7;
	v59 =	vsel vm15, v57, v56;
	v62 =	vsel vm15, $0x3F800000, v58  }
0x380: {  	v4 =	vld.idx.msk [tilespmem:v4+s29+$0x0], $0xffff;
	v6 =	vmul.f32 v6, v19;
	v7 =	vsel vm14, v16, v7;
	v10 =	vsel vm14, v62, v59  }
0x381: {  	v15 =	vsel vm15, v18, v61;
	v7 =	vmul.f32 v7, v14;
	v10 =	vmul.f32 v10, v11  }
0x382: {  	vm0 =	vmor vm14, vm15;
	v6 =	vmul.f32 v53, v6;
	v63 =	vsel vm14, $0x0, v15  }
0x383: {  	v13 =	vsel vm13, $0x0, v42;
	v8 =	vmul.f32 v63, v60;
	v7 =	vadd.f32 v10, v7  }
0x384: {  	p1 =	por p0, p0;
	v5 =	vadd.f32 v9, v5;
	v3 =	vmul.f32 v13, v3;
	v6 =	vsel vm0, $0x0, v6  }
.Ltmp8:
0x385: {  	v4 =	vmul.f32 v6, v4;
	v7 =	vadd.f32 v7, v8;
	(pc) =	sbr.rel @p1 .LBB2_10-.Ltmp8, $4  }
0x386: {  	v3 =	vadd.f32 v5, v3  }
0x387: {  	v4 =	vadd.f32 v7, v4  }
0x388: {  	[tilespmem:v2+s21+$0x1EA00 ss:$0x1] =	vst.idx.msk $0xffff, v3  }
0x389: {  	p0 =	por $0x0, $0x0;
	[tilespmem:v2+s21+$0x1EA10 ss:$0x1] =	vst.idx.msk $0xffff, v4;
	s21 =	simm.s32 $0x20  }
0x38a: {  	v2 =	vor.u32 $0x9800, v0  }
0x38b: {  	v4 =	vld [tilespmem:s26+$0x130]  }
0x38c: {  	v3 =	vor.u32 $0x9801, v0;
	v5 =	vld [tilespmem:s26+$0x3B0]  }
0x38d: {  	v29 =	vld [tilespmem:s26+$0x1E630]  }
0x38e: {  	v6 =	vor.u32 $0x9802, v0;
	v31 =	vld [tilespmem:s26+$0x1E8B0]  }
0x38f: {  	v7 =	vld.idx.msk [tilespmem:v2+s0+$0x0], $0xffff  }
0x390: {  	v9 =	vor.u32 $0x9803, v0;
	v8 =	vld.idx.msk [tilespmem:v2+s5+$0x0], $0xffff  }
0x391: {  	v10 =	vld.idx.msk [tilespmem:v3+s0+$0x0], $0xffff  }
0x392: {  	v12 =	vor.u32 $0x9804, v0;
	v11 =	vld.idx.msk [tilespmem:v3+s5+$0x0], $0xffff  }
0x393: {  	v13 =	vld.idx.msk [tilespmem:v6+s0+$0x0], $0xffff  }
0x394: {  	v57 =	vor.u32 $0x9805, v0;
	v6 =	vld.idx.msk [tilespmem:v6+s5+$0x0], $0xffff  }
0x395: {  	v15 =	vld.idx.msk [tilespmem:v9+s0+$0x0], $0xffff  }
0x396: {  	v59 =	vor.u32 $0x9806, v0;
	v58 =	vld.idx.msk [tilespmem:v9+s5+$0x0], $0xffff  }
0x397: {  	v61 =	vld.idx.msk [tilespmem:v12+s0+$0x0], $0xffff  }
0x398: {  	v12 =	vld.idx.msk [tilespmem:v12+s5+$0x0], $0xffff  }
0x399: {  	v20 =	vld.idx.msk [tilespmem:v57+s0+$0x0], $0xffff  }
0x39a: {  	v21 =	vld.idx.msk [tilespmem:v57+s5+$0x0], $0xffff  }
0x39b: {  	v62 =	vor.u32 $0x9807, v0;
	v23 =	vld.idx.msk [tilespmem:v59+s0+$0x0], $0xffff  }
0x39c: {  	v40 =	vadd.s32 $0x97FF, v0;
	v9 =	vld.idx.msk [tilespmem:v59+s5+$0x0], $0xffff;
	v37 =	vadd.s32 $0xFFFFFFFF, v29;
	v39 =	vadd.s32 $0xFFFFFFFF, v31  }
0x39d: {  	vm0 =	vle.f32 v7, v4;
	vm10 =	vle.f32 v8, v5;
	vm1 =	vle.f32 v10, v4  }
0x39e: {  	vm11 =	vle.f32 v11, v5;
	vm12 =	vle.f32 v13, v4;
	vm13 =	vle.f32 v6, v5  }
0x39f: {  	vm14 =	vle.f32 v15, v4;
	vm15 =	vle.f32 v58, v5;
	vm4 =	vle.f32 v61, v4  }
0x3a0: {  	vm5 =	vle.f32 v12, v5;
	vm6 =	vle.f32 v20, v4;
	vm7 =	vle.f32 v21, v5  }
0x3a1: {  	vm8 =	vle.f32 v23, v4;
	vm9 =	vle.f32 v9, v5;
	v14 =	vsel vm0, $0x1, v1  }
0x3a2: {  	v26 =	vld.idx.msk [tilespmem:v62+s0+$0x0], $0xffff;
	v60 =	vsel vm10, $0x1, v1;
	v16 =	vsel vm1, $0x1, v1;
	v17 =	vsel vm11, $0x1, v1  }
0x3a3: {  	v63 =	vsel vm12, $0x1, v1;
	v22 =	vsel vm13, $0x1, v1;
	v15 =	vsel vm14, $0x1, v1  }
0x3a4: {  	v25 =	vsel vm15, $0x1, v1;
	v27 =	vsel vm4, $0x1, v1;
	v28 =	vsel vm5, $0x1, v1  }
0x3a5: {  	v30 =	vsel vm6, $0x1, v1;
	v32 =	vsel vm7, $0x1, v1;
	v14 =	vadd.s32 v14, v16  }
0x3a6: {  	v13 =	vld.idx.msk [tilespmem:v62+s5+$0x0], $0xffff;
	v33 =	vsel vm8, $0x1, v1;
	v9 =	vsel vm9, $0x1, v1;
	v14 =	vadd.s32 v63, v14  }
0x3a7: {  	vm10 =	vle.f32 v26, v4;
	v10 =	vadd.s32 v60, v17;
	v24 =	vadd.s32 v15, v14  }
0x3a8: {  	vm12 =	vgt.s32 v37, $0x0;
	v7 =	vadd.s32 v22, v10;
	v10 =	vadd.s32 v27, v24  }
0x3a9: {  	v35 =	vsel vm10, $0x1, v1;
	v7 =	vadd.s32 v25, v7;
	v10 =	vadd.s32 v30, v10  }
0x3aa: {  	v38 =	vnsel vm12, $0x0, v37;
	v7 =	vadd.s32 v28, v7;
	v34 =	vadd.s32 v33, v10  }
0x3ab: {  	vm11 =	vle.f32 v13, v5;
	v7 =	vadd.s32 v32, v7;
	v8 =	vadd.s32 v35, v34  }
0x3ac: {  	v36 =	vsel vm11, $0x1, v1;
	v7 =	vadd.s32 v9, v7;
	v8 =	vmax.u32 v8, $0x1  }
0x3ad: {  	vm13 =	vgt.s32 v39, $0x0;
	v7 =	vadd.s32 v36, v7;
	v8 =	vmin.u32 v8, v38  }
0x3ae: {  	v10 =	vnsel vm13, $0x0, v39;
	v7 =	vmax.u32 v7, $0x1;
	v41 =	vadd.s32 v40, v8  }
0x3af: {  	v7 =	vmin.u32 v7, v10;
	v42 =	vor.u32 v2, v8  }
0x3b0: {  	v9 =	vadd.s32 v40, v7  }
0x3b1: {  	v43 =	vor.u32 v2, v7;
	_ =	sdelay $0x1  }
0x3b2: {  	v11 =	vld.idx.msk [tilespmem:v41+s0+$0x0], $0xffff  }
0x3b3: {  	v10 =	vld.idx.msk [tilespmem:v42+s0+$0x0], $0xffff  }
0x3b4: {  	v9 =	vld.idx.msk [tilespmem:v9+s5+$0x0], $0xffff  }
0x3b5: {  	v12 =	vld.idx.msk [tilespmem:v43+s5+$0x0], $0xffff;
	_ =	sdelay $0x3  }
0x3b6: {  	v44 =	vsub.f32 v10, v11  }
0x3b7: {  	v45 =	vsub.f32 v12, v9  }
0x3b8: {  	v46 =	vand.u32 $0x7FFFFFFF, v44  }
0x3b9: {  	v47 =	vand.u32 $0x7FFFFFFF, v45;
	vm14 =	vlt.f32 v46, $9.999999960e-13  }
0x3ba: {  	vm15 =	vlt.f32 v47, $9.999999960e-13;
	v13 =	vsel vm14, $0x2B8CBCCC, v44  }
0x3bb: {  	v14 =	vsel vm15, $0x2B8CBCCC, v45;
	(erf) = vrcp.f32 v13  }
0x3bc: {  	(erf) = vrcp.f32 v14  }
0x3bd: {  	v8 =	vadd.s32 $0xFFFFFFFF, v8  }
0x3be: {  	v8 =	vmul.u32 v31, v8;
	_ =	sdelay $0x1  }
0x3bf: {  	v48 =	vadd.s32 $0xFFFFFFFF, v7;
	v7 =	vadd.s32 v7, v8;
	v4 =	vmax.f32 v11, v4  }
0x3c0: {  	v7 =	vadd.s32 v2, v7;
	v5 =	vmax.f32 v9, v5;
	v4 =	vmin.f32 v10, v4  }
0x3c1: {  	v5 =	vmin.f32 v12, v5;
	v11 =	vsub.f32 v4, v11;
	v4 =	vsub.f32 v10, v4  }
0x3c2: {  	v52 =	vsub.f32 v12, v5;
	v5 =	vsub.f32 v5, v9;
	v13 =	vadd.s32 v48, v8  }
0x3c3: {  	v50 =	vadd.s32 v2, v13;
	v49 =	vpop (erf)  }
0x3c4: {  	v54 =	vmul.f32 v52, v4;
	v4 =	vmul.f32 v5, v4;
	v6 =	vadd.s32 v31, v13;
	v51 =	vpop (erf)  }
0x3c5: {  	v2 =	vadd.s32 v2, v6;
	v55 =	vmul.f32 v49, v11;
	v8 =	vmul.f32 v51, v5  }
0x3c6: {  	v10 =	vmul.f32 v52, v11;
	v53 =	vmul.f32 v51, v49  }
0x3c7: {  	v7 =	vld.idx.msk [tilespmem:v7+s29+$0x0], $0xffff;
	v3 =	vadd.s32 v3, v6;
	v57 =	vmax.f32 v55, $0.0e+00;
	v8 =	vmax.f32 v8, $0.0e+00  }
0x3c8: {  	v58 =	vld.idx.msk [tilespmem:v50+s29+$0x0], $0xffff;
	v56 =	vmul.f32 v53, v54;
	v9 =	vmin.f32 v57, $1.000000000e+00;
	v8 =	vmin.f32 v8, $1.000000000e+00  }
0x3c9: {  	v4 =	vmul.f32 v53, v4;
	v59 =	vsub.f32 $1.000000000e+00, v9;
	v60 =	vsub.f32 $1.000000000e+00, v8  }
0x3ca: {  	v2 =	vld.idx.msk [tilespmem:v2+s29+$0x0], $0xffff;
	v10 =	vmul.f32 v53, v10;
	v8 =	vsel vm15, $0x0, v8  }
0x3cb: {  	v4 =	vsel vm15, $0x0, v4;
	v6 =	vsel vm15, v59, v56;
	v61 =	vsel vm15, $0x3F800000, v60  }
0x3cc: {  	v3 =	vld.idx.msk [tilespmem:v3+s29+$0x0], $0xffff;
	v5 =	vmul.f32 v5, v11;
	v4 =	vsel vm14, v8, v4;
	v6 =	vsel vm14, v61, v6  }
0x3cd: {  	v62 =	vsel vm15, v9, v10;
	v4 =	vmul.f32 v4, v7;
	v6 =	vmul.f32 v6, v58  }
0x3ce: {  	v5 =	vmul.f32 v53, v5;
	v63 =	vsel vm14, $0x0, v62  }
0x3cf: {  	vm0 =	vmor vm14, vm15;
	v2 =	vmul.f32 v63, v2;
	v4 =	vadd.f32 v6, v4  }
0x3d0: {  	v5 =	vsel vm0, $0x0, v5  }
0x3d1: {  	v3 =	vmul.f32 v5, v3;
	v2 =	vadd.f32 v4, v2  }
.Ltmp9:
0x3d2: {  	_ = 	snop;
	(pc) =	sbr.rel .LBB2_12-.Ltmp9, $4  }
0x3d3: {  	s1 =	smul.u32 $0x28, s23;
	v2 =	vadd.f32 v2, v3  }
0x3d4: {  	s6 =	rddreg [dreg:$0x5]  }
0x3d5: {  	s2 =	sadd.s32 $0xB, s24;
	s28 =	sor.u32 $0x1EA00, s26;
	s1 =	sadd.s32 s6, s1;
	[tilespmem:s26+$0x1EB30] =	vst v2  }
0x3d6: {  	[hbm4b:s1+s7] =	stream.linear.scatter [tilespmem:s28], [sflag:s2], $0x140, $0x38;
	[tilespmem:$0x1EC80] =	vst v63  }
.LBB2_14:
0x3d7: {  	_ =	sfence.sel $0x180000  }
0x3d8: {  	[bflag:$0x0] =	sbarrier.arrive $0xFFFF  }
0x3d9: {  	_ =	strace $0x90000047  }
0x3da: {  	s0 =	stileid.u32;
	[bflag:$0x2] =	sbarrier.arrive $0xFFFF  }
0x3db: {  	p0 =	sne.s32 s0, $0x0;
	s0 =	rddreg [dreg:$0x6]  }
0x3dc: {  	s0 =	sadd.s32 @!p0 $0x100000, s0  }
0x3dd: {  	[sflag:s0] =	ssyncadd.tile.s32 @!p0 $0x1;
	_ =	shalt  }
.Lfunc_end2:
_tile_overlayer_lowered:
.L_overlay_start_2:
0x3de: {  	(tag) =	ssettag $0x2  }
0x3df: {  	s0 =	rddreg [dreg:$0x0];
	s2 =	stileid.u32  }
0x3e0: {  	s1 =	rddreg [dreg:$0x1];
	p0 =	sne.s32 s2, $0x0  }
0x3e1: {  	s3 =	rddreg [dreg:$0x2];
	[bflag:$0x3] =	sbarrier.arrive $0xFFFF;
	s2 =	simm.s32 @!p0 $0x1C0D  }
0x3e2: {  	[timem:s3], [sflag:s2] =	dma.local @!p0 [hbm:s0], s1  }
0x3e3: {  	s0 =	simm.s32 @!p0 $0xD  }
0x3e4: {  	_ =	swait.ge @!p0 [sflag:s0], s1  }
0x3e5: {  	s1 =	ssub.s32 @!p0 $0x0, s1;
	[sflag:s0] =	ssyncset.done @!p0 $0x0  }
0x3e6: {  	[sflag:s0] =	ssyncadd.s32 @!p0 s1  }
0x3e7: {  	[bflag:$0x3] =	sbarrier.arrive $0xFFFF  }
0x3e8: {  	_ =	shalt  }

</sc_bundles>
